<compile_context>
chip_gen: v7x
topology: tpu7x:2x2x1
jax: 0.10.2.dev20260603
libtpu: 0.0.44.dev20260713+nightly
codegen_flags: <defaults>
</compile_context>

<pallas_src>
import functools

import jax
import jax.numpy as jnp
from jax import lax
from jax.experimental import pallas as pl
from jax.experimental.pallas import tpu as pltpu
from jax.experimental.pallas import tpu_sc as plsc

N = 10000
D = 256
E = 160000

NC = 2
NS = 16
L = 16
NW = NC * NS

HALF = N // 2
EPC = E // NW
EPA = E // NS
PIECE = 2000
DUMP = HALF
ACC_ROWS = HALF + 8
CHUNK = 48
CBUF = ((EPA + CHUNK - 1) // CHUNK) * CHUNK + CHUNK

RPT = 313
RPT_LAST = HALF - (NS - 1) * RPT

_mesh = plsc.VectorSubcoreMesh(
    core_axis_name="c", subcore_axis_name="s", num_cores=NC, num_subcores=NS)
_sc_params = pltpu.CompilerParams(
    needs_layout_passes=False, use_tc_tiling_on_sc=False)


def _row_chunks(n, step=CHUNK):
    out = []
    while n > 0:
        out.append(min(step, n))
        n -= step
    return out


@functools.partial(
    pl.kernel,
    out_type=jax.ShapeDtypeStruct((NW, N), jnp.float32),
    mesh=_mesh,
    compiler_params=_sc_params,
)
def _sc_count(ei_hbm, out_hbm):
    c = lax.axis_index("c")
    s = lax.axis_index("s")
    wid = s * NC + c

    def body(dst_v, cnt_v):
        pltpu.sync_copy(ei_hbm.at[1, pl.ds(wid * EPC, EPC)], dst_v)

        zeros = jnp.zeros((L,), jnp.float32)

        def zbody(i, _):
            cnt_v[pl.ds(i * L, L)] = zeros
            return 0

        lax.fori_loop(0, (N + L) // L, zbody, 0)

        ones = jnp.ones((L,), jnp.float32)
        lane = lax.iota(jnp.int32, L)

        def cbody(i, _):
            base = i * L
            m = (base + lane) < EPC
            idx = dst_v[pl.ds(base, L)]
            idx = jnp.where(m, idx, N)
            plsc.addupdate_scatter(cnt_v, [idx], ones)
            return 0

        lax.fori_loop(0, (EPC + L - 1) // L, cbody, 0)
        pltpu.sync_copy(cnt_v.at[pl.ds(0, N)], out_hbm.at[wid])

    pl.run_scoped(
        body,
        pltpu.VMEM((EPC,), jnp.int32),
        pltpu.VMEM((N + L,), jnp.float32),
    )


def _tc_fuse_body(q_ref, o_ref, cnt_ref, wf_ref, bf_ref, wg_ref,
                  yl_ref, yr_ref):
    fused = (q_ref[...] @ wf_ref[0:D, :]
             + o_ref[...] @ wf_ref[D:2 * D, :]
             + bf_ref[...])
    x = fused @ wg_ref[...]
    deg = 1.0 + jnp.sum(cnt_ref[...], axis=0)
    dinv = lax.rsqrt(deg)
    y = x * dinv[:, None]
    yl_ref[...] = y[:, :D // 2]
    yr_ref[...] = y[:, D // 2:]


def _tc_fuse(q, obj, cnts, w_fuse, b_fuse, w_gcn):
    return pl.pallas_call(
        _tc_fuse_body,
        out_shape=[jax.ShapeDtypeStruct((N, D // 2), jnp.float32),
                   jax.ShapeDtypeStruct((N, D // 2), jnp.float32)],
    )(q, obj, cnts, w_fuse, b_fuse, w_gcn)


@functools.partial(
    pl.kernel,
    out_type=[jax.ShapeDtypeStruct((NC, HALF, D // 2), jnp.float32),
              jax.ShapeDtypeStruct((NC, HALF, D // 2), jnp.float32)],
    mesh=_mesh,
    compiler_params=_sc_params,
    scratch_types=[
        pltpu.VMEM_SHARED((ACC_ROWS, D // 2), jnp.float32),
        pltpu.VMEM_SHARED((ACC_ROWS, D // 2), jnp.float32),
        pltpu.SemaphoreType.DMA,
        pltpu.SemaphoreType.DMA,
        pltpu.SemaphoreType.DMA,
    ],
)
def _sc_agg(ei_hbm, yl_hbm, yr_hbm, accl_hbm, accr_hbm,
            accl_sh, accr_sh, semA, semB, semS):
    c = lax.axis_index("c")
    s = lax.axis_index("s")
    lo = c * HALF
    hi = lo + HALF
    r0 = s * RPT

    def body(ei_src, ei_dst, csrc, cdstf, rowsAL, rowsAR, rowsBL, rowsBR):
        def _init(nrows):
            def f():
                off = 0
                for nr in _row_chunks(nrows):
                    pltpu.sync_copy(yl_hbm.at[pl.ds(lo + r0 + off, nr)],
                                    rowsAL.at[pl.ds(0, nr)])
                    pltpu.sync_copy(yr_hbm.at[pl.ds(lo + r0 + off, nr)],
                                    rowsAR.at[pl.ds(0, nr)])
                    pltpu.sync_copy(rowsAL.at[pl.ds(0, nr)],
                                    accl_sh.at[pl.ds(r0 + off, nr)])
                    pltpu.sync_copy(rowsAR.at[pl.ds(0, nr)],
                                    accr_sh.at[pl.ds(r0 + off, nr)])
                    off += nr
            return f

        pl.when(s < NS - 1)(_init(RPT))
        pl.when(s == NS - 1)(_init(RPT_LAST))

        zero_i = jnp.zeros((L,), jnp.int32)
        dump_i = jnp.full((L,), DUMP, jnp.int32)

        def piece(p, cnt):
            e0 = s * EPA + p * PIECE
            pltpu.sync_copy(ei_hbm.at[0, pl.ds(e0, PIECE)], ei_src)
            pltpu.sync_copy(ei_hbm.at[1, pl.ds(e0, PIECE)], ei_dst)

            def cbody(i, cnt):
                base = i * L
                d16 = ei_dst[pl.ds(base, L)]
                s16 = ei_src[pl.ds(base, L)]
                m = (d16 >= lo) & (d16 < hi)
                plsc.store_compressed(csrc.at[pl.ds(cnt, L)], s16, mask=m)
                plsc.store_compressed(cdstf.at[pl.ds(cnt, L)], d16 - lo,
                                      mask=m)
                return cnt + jnp.sum(m.astype(jnp.int32))

            return lax.fori_loop(0, PIECE // L, cbody, cnt)

        cnt = lax.fori_loop(0, EPA // PIECE, piece, 0)

        full_m = jnp.ones((L,), jnp.bool_)

        def tail(k, _):
            plsc.store_compressed(csrc.at[pl.ds(cnt + k * L, L)], zero_i,
                                  mask=full_m)
            plsc.store_compressed(cdstf.at[pl.ds(cnt + k * L, L)], dump_i,
                                  mask=full_m)
            return 0

        lax.fori_loop(0, CHUNK // L, tail, 0)

        plsc.subcore_barrier()

        nch = (cnt + CHUNK - 1) // CHUNK

        def fire_g(j, bufL, bufR, sem):
            idx = csrc.at[pl.ds(j * CHUNK, CHUNK)]
            pltpu.async_copy(yl_hbm.at[idx], bufL, sem)
            pltpu.async_copy(yr_hbm.at[idx], bufR, sem)

        def wait_g(bufL, bufR, sem):
            pltpu.make_async_copy(yl_hbm.at[pl.ds(0, CHUNK)], bufL,
                                  sem).wait()
            pltpu.make_async_copy(yr_hbm.at[pl.ds(0, CHUNK)], bufR,
                                  sem).wait()

        def scat(j, bufL, bufR):
            idx = cdstf.at[pl.ds(j * CHUNK, CHUNK)]
            dl = pltpu.async_copy(bufL, accl_sh.at[idx], semS, add=True)
            dr = pltpu.async_copy(bufR, accr_sh.at[idx], semS, add=True)
            dl.wait()
            dr.wait()

        pl.when(nch > 0)(lambda: fire_g(0, rowsAL, rowsAR, semA))

        def pbody(jj, _):
            a = 2 * jj
            b = a + 1
            wait_g(rowsAL, rowsAR, semA)
            pl.when(b < nch)(lambda: fire_g(b, rowsBL, rowsBR, semB))
            scat(a, rowsAL, rowsAR)

            def do_b():
                wait_g(rowsBL, rowsBR, semB)
                pl.when(a + 2 < nch)(
                    lambda: fire_g(a + 2, rowsAL, rowsAR, semA))
                scat(b, rowsBL, rowsBR)

            pl.when(b < nch)(do_b)
            return 0

        lax.fori_loop(0, (nch + 1) // 2, pbody, 0)

        plsc.subcore_barrier()

        def _wb(nrows):
            def f():
                pltpu.sync_copy(accl_sh.at[pl.ds(r0, nrows)],
                                accl_hbm.at[c, pl.ds(r0, nrows)])
                pltpu.sync_copy(accr_sh.at[pl.ds(r0, nrows)],
                                accr_hbm.at[c, pl.ds(r0, nrows)])
            return f

        pl.when(s < NS - 1)(_wb(RPT))
        pl.when(s == NS - 1)(_wb(RPT_LAST))

    pl.run_scoped(
        body,
        pltpu.VMEM((PIECE,), jnp.int32),
        pltpu.VMEM((PIECE,), jnp.int32),
        pltpu.VMEM((CBUF,), jnp.int32),
        pltpu.VMEM((CBUF,), jnp.int32),
        pltpu.VMEM((CHUNK, D // 2), jnp.float32),
        pltpu.VMEM((CHUNK, D // 2), jnp.float32),
        pltpu.VMEM((CHUNK, D // 2), jnp.float32),
        pltpu.VMEM((CHUNK, D // 2), jnp.float32),
    )


def _tc_fin_body(accl_ref, accr_ref, cnt_ref, bg_ref, out_ref):
    deg = 1.0 + jnp.sum(cnt_ref[...], axis=0)
    dinv = lax.rsqrt(deg)
    acc = jnp.concatenate([accl_ref[...].reshape(N, D // 2),
                           accr_ref[...].reshape(N, D // 2)], axis=1)
    out_ref[...] = acc * dinv[:, None] + bg_ref[...]


def _tc_fin(accl, accr, cnts, b_gcn):
    return pl.pallas_call(
        _tc_fin_body,
        out_shape=jax.ShapeDtypeStruct((N, D), jnp.float32),
    )(accl, accr, cnts, b_gcn)


def kernel(question_embedding, object_features_list, bounding_boxes,
           batch_size, num_obj, edge_index, batch,
           W_fuse, b_fuse, W_gcn, b_gcn):
    cnts = _sc_count(edge_index)
    yl, yr = _tc_fuse(question_embedding, object_features_list, cnts,
                      W_fuse, b_fuse.reshape(1, D), W_gcn)
    accl, accr = _sc_agg(edge_index, yl, yr)
    out = _tc_fin(accl, accr, cnts, b_gcn.reshape(1, D))
    return out

# --- scband reference (transcript-rebuilt; emitter-appended) ---
"""Pipeline reference for scband-graph-cell-35450660061518 (READ-ONLY COPY).

The authoritative reference and input builder live on the scoring server;
editing this copy changes nothing except your own understanding.
"""

import jax, jax.numpy as jnp
import numpy as np

N = 10000
D = 256
E = 160000
B = 200
NUM_OBJ = 50


def setup_inputs(seed: int = 0) -> dict:
    key = jax.random.key(seed)
    ks = jax.random.split(key, 8)
    question_embedding = jax.random.normal(ks[0], (N, D), dtype=jnp.float32)
    object_features_list = jax.random.normal(ks[1], (N, D), dtype=jnp.float32)
    bounding_boxes = jax.random.uniform(ks[2], (N, 4), dtype=jnp.float32)
    edge_index = jax.random.randint(ks[3], (2, E), 0, N, dtype=jnp.int32)
    batch = jnp.sort(jax.random.randint(ks[4], (N,), 0, B, dtype=jnp.int32))
    W_fuse = jax.random.normal(ks[5], (2 * D, D), dtype=jnp.float32) * 0.02
    b_fuse = jnp.zeros((D,), dtype=jnp.float32)
    W_gcn = jax.random.normal(ks[6], (D, D), dtype=jnp.float32) * 0.02
    b_gcn = jnp.zeros((D,), dtype=jnp.float32)
    return {
        "question_embedding": question_embedding,
        "object_features_list": object_features_list,
        "bounding_boxes": bounding_boxes,
        "batch_size": B,
        "num_obj": NUM_OBJ,
        "edge_index": edge_index,
        "batch": batch,
        "W_fuse": W_fuse,
        "b_fuse": b_fuse,
        "W_gcn": W_gcn,
        "b_gcn": b_gcn,
    }


def reference(question_embedding, object_features_list, bounding_boxes, batch_size, num_obj, edge_index, batch, W_fuse, b_fuse, W_gcn, b_gcn):
    # fusion_features: fuse per-node question embedding with object features
    # (modeled as concat + linear projection, the common MUREL/block fusion pattern)
    fused = jnp.concatenate([question_embedding, object_features_list], axis=-1) @ W_fuse + b_fuse
    x = fused @ W_gcn
    n = x.shape[0]
    # GCNConv with self-loops and symmetric normalization
    loop = jnp.arange(n, dtype=edge_index.dtype)
    src = jnp.concatenate([edge_index[0], loop])
    dst = jnp.concatenate([edge_index[1], loop])
    deg = jax.ops.segment_sum(jnp.ones_like(dst, dtype=x.dtype), dst, num_segments=n)
    dinv = jnp.where(deg > 0, deg ** -0.5, 0.0)
    norm = dinv[src] * dinv[dst]
    out = jax.ops.segment_sum(x[src] * norm[:, None], dst, num_segments=n) + b_gcn
    return out

if __name__ == "__main__":
    import jax
    _d = setup_inputs()
    print(jax.jit(kernel)(*tuple(_d.values())))

</pallas_src>

<mosaic_0001>
#map = affine_map<(d0, d1) -> (0, 0)>
#map1 = affine_map<(d0, d1) -> (0, 0, 0)>
module attributes {stable_mosaic.version = 14 : i64} {
  func.func @_sc_agg(%arg0: i32, %arg1: i32, %arg2: memref<2x160000xi32, #tpu.memory_space<hbm>>, %arg3: memref<10000x128xf32, #tpu.memory_space<hbm>>, %arg4: memref<10000x128xf32, #tpu.memory_space<hbm>>, %arg5: memref<2x5000x128xf32, #tpu.memory_space<hbm>>, %arg6: memref<2x5000x128xf32, #tpu.memory_space<hbm>>, %arg7: memref<5008x128xf32, #tpu.memory_space<vmem_shared>>, %arg8: memref<5008x128xf32, #tpu.memory_space<vmem_shared>>, %arg9: memref<!tpu.dma_semaphore, #tpu.memory_space<semaphore_mem>>, %arg10: memref<!tpu.dma_semaphore, #tpu.memory_space<semaphore_mem>>, %arg11: memref<!tpu.dma_semaphore, #tpu.memory_space<semaphore_mem>>) attributes {dimension_semantics = [#tpu.dimension_semantics<core_parallel>, #tpu.dimension_semantics<subcore_parallel>], iteration_bounds = array<i64: 2, 16>, scalar_prefetch = 0 : i64, scratch_operands = 5 : i64, tpu.core_type = #tpu.core_type<sc_vector_subcore>, window_params = [{transform_indices = #map}, {transform_indices = #map}, {transform_indices = #map}, {transform_indices = #map1}, {transform_indices = #map1}]} {
    %mul3A = arith.constant 5000 : i32
    %mul3A_0 = arith.muli %arg0, %mul3A : i32
    %add3A = arith.constant 5000 : i32
    %add3A_1 = arith.addi %mul3A_0, %add3A : i32
    %mul3A_2 = arith.constant 313 : i32
    %mul3A_3 = arith.muli %arg1, %mul3A_2 : i32
    "tpu.region"() ({
      %run_scoped3A = memref.alloca() : memref<2000xi32, #tpu.memory_space<vmem>>
      %run_scoped3A_4 = memref.alloca() : memref<2000xi32, #tpu.memory_space<vmem>>
      %run_scoped3A_5 = memref.alloca() : memref<10080xi32, #tpu.memory_space<vmem>>
      %run_scoped3A_6 = memref.alloca() : memref<10080xi32, #tpu.memory_space<vmem>>
      %run_scoped3A_7 = memref.alloca() : memref<48x128xf32, #tpu.memory_space<vmem>>
      %run_scoped3A_8 = memref.alloca() : memref<48x128xf32, #tpu.memory_space<vmem>>
      %run_scoped3A_9 = memref.alloca() : memref<48x128xf32, #tpu.memory_space<vmem>>
      %run_scoped3A_10 = memref.alloca() : memref<48x128xf32, #tpu.memory_space<vmem>>
      %lt3A = arith.constant 15 : i32
      %lt3A_11 = arith.cmpi slt, %arg1, %lt3A : i32
      %convert_element_type3A = arith.extui %lt3A_11 : i1 to i32
      %cond3A = arith.constant 0 : i32
      %cond3A_12 = arith.cmpi ne, %convert_element_type3A, %cond3A : i32
      scf.if %cond3A_12 {
        %add3A_107 = arith.addi %mul3A_0, %mul3A_3 : i32
        %add3A_108 = arith.constant 0 : i32
        %add3A_109 = arith.addi %add3A_107, %add3A_108 : i32
        "tpu.region"() ({
          %run_scoped3A_177 = tpu.sem_alloc : memref<!tpu.dma_semaphore, #tpu.memory_space<semaphore_mem>>
          %dma_start3A = arith.constant 0 : i32
          %dma_start3A_178 = arith.constant 0 : i32
          %dma_start3A_179 = tpu.memref_slice %run_scoped3A_7[%dma_start3A, %dma_start3A_178] : memref<48x128xf32, #tpu.memory_space<vmem>> -> memref<48x128xf32, #tpu.memory_space<vmem>>
          %dma_start3A_180 = arith.constant 0 : i32
          %dma_start3A_181 = tpu.memref_slice %arg3[%add3A_109, %dma_start3A_180] : memref<10000x128xf32, #tpu.memory_space<hbm>> -> memref<48x128xf32, #tpu.memory_space<hbm>>
          %dma_start3A_182 = arith.constant 0 : i32
          %dma_start3A_183 = arith.constant 0 : i32
          %dma_start3A_184 = tpu.memref_slice %run_scoped3A_7[%dma_start3A_182, %dma_start3A_183] : memref<48x128xf32, #tpu.memory_space<vmem>> -> memref<48x128xf32, #tpu.memory_space<vmem>>
          %dma_start3A_185 = arith.constant 0 : i32
          %dma_start3A_186 = tpu.memref_slice %arg3[%add3A_109, %dma_start3A_185] : memref<10000x128xf32, #tpu.memory_space<hbm>> -> memref<48x128xf32, #tpu.memory_space<hbm>>
          tpu.enqueue_dma source(%dma_start3A_186 : memref<48x128xf32, #tpu.memory_space<hbm>>) target(%dma_start3A_184 : memref<48x128xf32, #tpu.memory_space<vmem>>) target_semaphore(%run_scoped3A_177 : memref<!tpu.dma_semaphore, #tpu.memory_space<semaphore_mem>>)
          %dma_wait3A = arith.constant 0 : i32
          %dma_wait3A_187 = arith.constant 0 : i32
          %dma_wait3A_188 = tpu.memref_slice %run_scoped3A_7[%dma_wait3A, %dma_wait3A_187] : memref<48x128xf32, #tpu.memory_space<vmem>> -> memref<48x128xf32, #tpu.memory_space<vmem>>
          %dma_wait3A_189 = arith.constant 0 : i32
          %dma_wait3A_190 = tpu.memref_slice %arg3[%add3A_109, %dma_wait3A_189] : memref<10000x128xf32, #tpu.memory_space<hbm>> -> memref<48x128xf32, #tpu.memory_space<hbm>>
          %dma_wait3A_191 = arith.constant 0 : i32
          %dma_wait3A_192 = arith.constant 0 : i32
          %dma_wait3A_193 = tpu.memref_slice %run_scoped3A_7[%dma_wait3A_191, %dma_wait3A_192] : memref<48x128xf32, #tpu.memory_space<vmem>> -> memref<48x128xf32, #tpu.memory_space<vmem>>
          %dma_wait3A_194 = arith.constant 0 : i32
          %dma_wait3A_195 = tpu.memref_slice %arg3[%add3A_109, %dma_wait3A_194] : memref<10000x128xf32, #tpu.memory_space<hbm>> -> memref<48x128xf32, #tpu.memory_space<hbm>>
          tpu.wait_dma2 semaphore(%run_scoped3A_177 : memref<!tpu.dma_semaphore, #tpu.memory_space<semaphore_mem>>) src(%dma_wait3A_195 : memref<48x128xf32, #tpu.memory_space<hbm>>) dst(%dma_wait3A_193 : memref<48x128xf32, #tpu.memory_space<vmem>>)
          tpu.yield
        }) : () -> ()
        %add3A_110 = arith.addi %mul3A_0, %mul3A_3 : i32
        %add3A_111 = arith.constant 0 : i32
        %add3A_112 = arith.addi %add3A_110, %add3A_111 : i32
        "tpu.region"() ({
          %run_scoped3A_177 = tpu.sem_alloc : memref<!tpu.dma_semaphore, #tpu.memory_space<semaphore_mem>>
          %dma_start3A = arith.constant 0 : i32
          %dma_start3A_178 = arith.constant 0 : i32
          %dma_start3A_179 = tpu.memref_slice %run_scoped3A_8[%dma_start3A, %dma_start3A_178] : memref<48x128xf32, #tpu.memory_space<vmem>> -> memref<48x128xf32, #tpu.memory_space<vmem>>
          %dma_start3A_180 = arith.constant 0 : i32
          %dma_start3A_181 = tpu.memref_slice %arg4[%add3A_112, %dma_start3A_180] : memref<10000x128xf32, #tpu.memory_space<hbm>> -> memref<48x128xf32, #tpu.memory_space<hbm>>
          %dma_start3A_182 = arith.constant 0 : i32
          %dma_start3A_183 = arith.constant 0 : i32
          %dma_start3A_184 = tpu.memref_slice %run_scoped3A_8[%dma_start3A_182, %dma_start3A_183] : memref<48x128xf32, #tpu.memory_space<vmem>> -> memref<48x128xf32, #tpu.memory_space<vmem>>
          %dma_start3A_185 = arith.constant 0 : i32
          %dma_start3A_186 = tpu.memref_slice %arg4[%add3A_112, %dma_start3A_185] : memref<10000x128xf32, #tpu.memory_space<hbm>> -> memref<48x128xf32, #tpu.memory_space<hbm>>
          tpu.enqueue_dma source(%dma_start3A_186 : memref<48x128xf32, #tpu.memory_space<hbm>>) target(%dma_start3A_184 : memref<48x128xf32, #tpu.memory_space<vmem>>) target_semaphore(%run_scoped3A_177 : memref<!tpu.dma_semaphore, #tpu.memory_space<semaphore_mem>>)
          %dma_wait3A = arith.constant 0 : i32
          %dma_wait3A_187 = arith.constant 0 : i32
          %dma_wait3A_188 = tpu.memref_slice %run_scoped3A_8[%dma_wait3A, %dma_wait3A_187] : memref<48x128xf32, #tpu.memory_space<vmem>> -> memref<48x128xf32, #tpu.memory_space<vmem>>
          %dma_wait3A_189 = arith.constant 0 : i32
          %dma_wait3A_190 = tpu.memref_slice %arg4[%add3A_112, %dma_wait3A_189] : memref<10000x128xf32, #tpu.memory_space<hbm>> -> memref<48x128xf32, #tpu.memory_space<hbm>>
          %dma_wait3A_191 = arith.constant 0 : i32
          %dma_wait3A_192 = arith.constant 0 : i32
          %dma_wait3A_193 = tpu.memref_slice %run_scoped3A_8[%dma_wait3A_191, %dma_wait3A_192] : memref<48x128xf32, #tpu.memory_space<vmem>> -> memref<48x128xf32, #tpu.memory_space<vmem>>
          %dma_wait3A_194 = arith.constant 0 : i32
          %dma_wait3A_195 = tpu.memref_slice %arg4[%add3A_112, %dma_wait3A_194] : memref<10000x128xf32, #tpu.memory_space<hbm>> -> memref<48x128xf32, #tpu.memory_space<hbm>>
          tpu.wait_dma2 semaphore(%run_scoped3A_177 : memref<!tpu.dma_semaphore, #tpu.memory_space<semaphore_mem>>) src(%dma_wait3A_195 : memref<48x128xf32, #tpu.memory_space<hbm>>) dst(%dma_wait3A_193 : memref<48x128xf32, #tpu.memory_space<vmem>>)
          tpu.yield
        }) : () -> ()
        %add3A_113 = arith.constant 0 : i32
        %add3A_114 = arith.addi %mul3A_3, %add3A_113 : i32
        "tpu.region"() ({
          %run_scoped3A_177 = tpu.sem_alloc : memref<!tpu.dma_semaphore, #tpu.memory_space<semaphore_mem>>
          %dma_start3A = arith.constant 0 : i32
          %dma_start3A_178 = arith.constant 0 : i32
          %dma_start3A_179 = tpu.memref_slice %run_scoped3A_7[%dma_start3A, %dma_start3A_178] : memref<48x128xf32, #tpu.memory_space<vmem>> -> memref<48x128xf32, #tpu.memory_space<vmem>>
          %dma_start3A_180 = arith.constant 0 : i32
          %dma_start3A_181 = tpu.memref_slice %arg7[%add3A_114, %dma_start3A_180] : memref<5008x128xf32, #tpu.memory_space<vmem_shared>> -> memref<48x128xf32, #tpu.memory_space<vmem_shared>>
          %dma_start3A_182 = arith.constant 0 : i32
          %dma_start3A_183 = tpu.memref_slice %arg7[%add3A_114, %dma_start3A_182] : memref<5008x128xf32, #tpu.memory_space<vmem_shared>> -> memref<48x128xf32, #tpu.memory_space<vmem_shared>>
          %dma_start3A_184 = arith.constant 0 : i32
          %dma_start3A_185 = arith.constant 0 : i32
          %dma_start3A_186 = tpu.memref_slice %run_scoped3A_7[%dma_start3A_184, %dma_start3A_185] : memref<48x128xf32, #tpu.memory_space<vmem>> -> memref<48x128xf32, #tpu.memory_space<vmem>>
          tpu.enqueue_dma source(%dma_start3A_186 : memref<48x128xf32, #tpu.memory_space<vmem>>) target(%dma_start3A_183 : memref<48x128xf32, #tpu.memory_space<vmem_shared>>) target_semaphore(%run_scoped3A_177 : memref<!tpu.dma_semaphore, #tpu.memory_space<semaphore_mem>>)
          %dma_wait3A = arith.constant 0 : i32
          %dma_wait3A_187 = arith.constant 0 : i32
          %dma_wait3A_188 = tpu.memref_slice %run_scoped3A_7[%dma_wait3A, %dma_wait3A_187] : memref<48x128xf32, #tpu.memory_space<vmem>> -> memref<48x128xf32, #tpu.memory_space<vmem>>
          %dma_wait3A_189 = arith.constant 0 : i32
          %dma_wait3A_190 = tpu.memref_slice %arg7[%add3A_114, %dma_wait3A_189] : memref<5008x128xf32, #tpu.memory_space<vmem_shared>> -> memref<48x128xf32, #tpu.memory_space<vmem_shared>>
          %dma_wait3A_191 = arith.constant 0 : i32
          %dma_wait3A_192 = tpu.memref_slice %arg7[%add3A_114, %dma_wait3A_191] : memref<5008x128xf32, #tpu.memory_space<vmem_shared>> -> memref<48x128xf32, #tpu.memory_space<vmem_shared>>
          %dma_wait3A_193 = arith.constant 0 : i32
          %dma_wait3A_194 = arith.constant 0 : i32
          %dma_wait3A_195 = tpu.memref_slice %run_scoped3A_7[%dma_wait3A_193, %dma_wait3A_194] : memref<48x128xf32, #tpu.memory_space<vmem>> -> memref<48x128xf32, #tpu.memory_space<vmem>>
          tpu.wait_dma2 semaphore(%run_scoped3A_177 : memref<!tpu.dma_semaphore, #tpu.memory_space<semaphore_mem>>) src(%dma_wait3A_195 : memref<48x128xf32, #tpu.memory_space<vmem>>) dst(%dma_wait3A_192 : memref<48x128xf32, #tpu.memory_space<vmem_shared>>)
          tpu.yield
        }) : () -> ()
        %add3A_115 = arith.constant 0 : i32
        %add3A_116 = arith.addi %mul3A_3, %add3A_115 : i32
        "tpu.region"() ({
          %run_scoped3A_177 = tpu.sem_alloc : memref<!tpu.dma_semaphore, #tpu.memory_space<semaphore_mem>>
          %dma_start3A = arith.constant 0 : i32
          %dma_start3A_178 = arith.constant 0 : i32
          %dma_start3A_179 = tpu.memref_slice %run_scoped3A_8[%dma_start3A, %dma_start3A_178] : memref<48x128xf32, #tpu.memory_space<vmem>> -> memref<48x128xf32, #tpu.memory_space<vmem>>
          %dma_start3A_180 = arith.constant 0 : i32
          %dma_start3A_181 = tpu.memref_slice %arg8[%add3A_116, %dma_start3A_180] : memref<5008x128xf32, #tpu.memory_space<vmem_shared>> -> memref<48x128xf32, #tpu.memory_space<vmem_shared>>
          %dma_start3A_182 = arith.constant 0 : i32
          %dma_start3A_183 = tpu.memref_slice %arg8[%add3A_116, %dma_start3A_182] : memref<5008x128xf32, #tpu.memory_space<vmem_shared>> -> memref<48x128xf32, #tpu.memory_space<vmem_shared>>
          %dma_start3A_184 = arith.constant 0 : i32
          %dma_start3A_185 = arith.constant 0 : i32
          %dma_start3A_186 = tpu.memref_slice %run_scoped3A_8[%dma_start3A_184, %dma_start3A_185] : memref<48x128xf32, #tpu.memory_space<vmem>> -> memref<48x128xf32, #tpu.memory_space<vmem>>
          tpu.enqueue_dma source(%dma_start3A_186 : memref<48x128xf32, #tpu.memory_space<vmem>>) target(%dma_start3A_183 : memref<48x128xf32, #tpu.memory_space<vmem_shared>>) target_semaphore(%run_scoped3A_177 : memref<!tpu.dma_semaphore, #tpu.memory_space<semaphore_mem>>)
          %dma_wait3A = arith.constant 0 : i32
          %dma_wait3A_187 = arith.constant 0 : i32
          %dma_wait3A_188 = tpu.memref_slice %run_scoped3A_8[%dma_wait3A, %dma_wait3A_187] : memref<48x128xf32, #tpu.memory_space<vmem>> -> memref<48x128xf32, #tpu.memory_space<vmem>>
          %dma_wait3A_189 = arith.constant 0 : i32
          %dma_wait3A_190 = tpu.memref_slice %arg8[%add3A_116, %dma_wait3A_189] : memref<5008x128xf32, #tpu.memory_space<vmem_shared>> -> memref<48x128xf32, #tpu.memory_space<vmem_shared>>
          %dma_wait3A_191 = arith.constant 0 : i32
          %dma_wait3A_192 = tpu.memref_slice %arg8[%add3A_116, %dma_wait3A_191] : memref<5008x128xf32, #tpu.memory_space<vmem_shared>> -> memref<48x128xf32, #tpu.memory_space<vmem_shared>>
          %dma_wait3A_193 = arith.constant 0 : i32
          %dma_wait3A_194 = arith.constant 0 : i32
          %dma_wait3A_195 = tpu.memref_slice %run_scoped3A_8[%dma_wait3A_193, %dma_wait3A_194] : memref<48x128xf32, #tpu.memory_space<vmem>> -> memref<48x128xf32, #tpu.memory_space<vmem>>
          tpu.wait_dma2 semaphore(%run_scoped3A_177 : memref<!tpu.dma_semaphore, #tpu.memory_space<semaphore_mem>>) src(%dma_wait3A_195 : memref<48x128xf32, #tpu.memory_space<vmem>>) dst(%dma_wait3A_192 : memref<48x128xf32, #tpu.memory_space<vmem_shared>>)
          tpu.yield
        }) : () -> ()
        %add3A_117 = arith.addi %mul3A_0, %mul3A_3 : i32
        %add3A_118 = arith.constant 48 : i32
        %add3A_119 = arith.addi %add3A_117, %add3A_118 : i32
        "tpu.region"() ({
          %run_scoped3A_177 = tpu.sem_alloc : memref<!tpu.dma_semaphore, #tpu.memory_space<semaphore_mem>>
          %dma_start3A = arith.constant 0 : i32
          %dma_start3A_178 = arith.constant 0 : i32
          %dma_start3A_179 = tpu.memref_slice %run_scoped3A_7[%dma_start3A, %dma_start3A_178] : memref<48x128xf32, #tpu.memory_space<vmem>> -> memref<48x128xf32, #tpu.memory_space<vmem>>
          %dma_start3A_180 = arith.constant 0 : i32
          %dma_start3A_181 = tpu.memref_slice %arg3[%add3A_119, %dma_start3A_180] : memref<10000x128xf32, #tpu.memory_space<hbm>> -> memref<48x128xf32, #tpu.memory_space<hbm>>
          %dma_start3A_182 = arith.constant 0 : i32
          %dma_start3A_183 = arith.constant 0 : i32
          %dma_start3A_184 = tpu.memref_slice %run_scoped3A_7[%dma_start3A_182, %dma_start3A_183] : memref<48x128xf32, #tpu.memory_space<vmem>> -> memref<48x128xf32, #tpu.memory_space<vmem>>
          %dma_start3A_185 = arith.constant 0 : i32
          %dma_start3A_186 = tpu.memref_slice %arg3[%add3A_119, %dma_start3A_185] : memref<10000x128xf32, #tpu.memory_space<hbm>> -> memref<48x128xf32, #tpu.memory_space<hbm>>
          tpu.enqueue_dma source(%dma_start3A_186 : memref<48x128xf32, #tpu.memory_space<hbm>>) target(%dma_start3A_184 : memref<48x128xf32, #tpu.memory_space<vmem>>) target_semaphore(%run_scoped3A_177 : memref<!tpu.dma_semaphore, #tpu.memory_space<semaphore_mem>>)
          %dma_wait3A = arith.constant 0 : i32
          %dma_wait3A_187 = arith.constant 0 : i32
          %dma_wait3A_188 = tpu.memref_slice %run_scoped3A_7[%dma_wait3A, %dma_wait3A_187] : memref<48x128xf32, #tpu.memory_space<vmem>> -> memref<48x128xf32, #tpu.memory_space<vmem>>
          %dma_wait3A_189 = arith.constant 0 : i32
          %dma_wait3A_190 = tpu.memref_slice %arg3[%add3A_119, %dma_wait3A_189] : memref<10000x128xf32, #tpu.memory_space<hbm>> -> memref<48x128xf32, #tpu.memory_space<hbm>>
          %dma_wait3A_191 = arith.constant 0 : i32
          %dma_wait3A_192 = arith.constant 0 : i32
          %dma_wait3A_193 = tpu.memref_slice %run_scoped3A_7[%dma_wait3A_191, %dma_wait3A_192] : memref<48x128xf32, #tpu.memory_space<vmem>> -> memref<48x128xf32, #tpu.memory_space<vmem>>
          %dma_wait3A_194 = arith.constant 0 : i32
          %dma_wait3A_195 = tpu.memref_slice %arg3[%add3A_119, %dma_wait3A_194] : memref<10000x128xf32, #tpu.memory_space<hbm>> -> memref<48x128xf32, #tpu.memory_space<hbm>>
          tpu.wait_dma2 semaphore(%run_scoped3A_177 : memref<!tpu.dma_semaphore, #tpu.memory_space<semaphore_mem>>) src(%dma_wait3A_195 : memref<48x128xf32, #tpu.memory_space<hbm>>) dst(%dma_wait3A_193 : memref<48x128xf32, #tpu.memory_space<vmem>>)
          tpu.yield
        }) : () -> ()
        %add3A_120 = arith.addi %mul3A_0, %mul3A_3 : i32
        %add3A_121 = arith.constant 48 : i32
        %add3A_122 = arith.addi %add3A_120, %add3A_121 : i32
        "tpu.region"() ({
          %run_scoped3A_177 = tpu.sem_alloc : memref<!tpu.dma_semaphore, #tpu.memory_space<semaphore_mem>>
          %dma_start3A = arith.constant 0 : i32
          %dma_start3A_178 = arith.constant 0 : i32
          %dma_start3A_179 = tpu.memref_slice %run_scoped3A_8[%dma_start3A, %dma_start3A_178] : memref<48x128xf32, #tpu.memory_space<vmem>> -> memref<48x128xf32, #tpu.memory_space<vmem>>
          %dma_start3A_180 = arith.constant 0 : i32
          %dma_start3A_181 = tpu.memref_slice %arg4[%add3A_122, %dma_start3A_180] : memref<10000x128xf32, #tpu.memory_space<hbm>> -> memref<48x128xf32, #tpu.memory_space<hbm>>
          %dma_start3A_182 = arith.constant 0 : i32
          %dma_start3A_183 = arith.constant 0 : i32
          %dma_start3A_184 = tpu.memref_slice %run_scoped3A_8[%dma_start3A_182, %dma_start3A_183] : memref<48x128xf32, #tpu.memory_space<vmem>> -> memref<48x128xf32, #tpu.memory_space<vmem>>
          %dma_start3A_185 = arith.constant 0 : i32
          %dma_start3A_186 = tpu.memref_slice %arg4[%add3A_122, %dma_start3A_185] : memref<10000x128xf32, #tpu.memory_space<hbm>> -> memref<48x128xf32, #tpu.memory_space<hbm>>
          tpu.enqueue_dma source(%dma_start3A_186 : memref<48x128xf32, #tpu.memory_space<hbm>>) target(%dma_start3A_184 : memref<48x128xf32, #tpu.memory_space<vmem>>) target_semaphore(%run_scoped3A_177 : memref<!tpu.dma_semaphore, #tpu.memory_space<semaphore_mem>>)
          %dma_wait3A = arith.constant 0 : i32
          %dma_wait3A_187 = arith.constant 0 : i32
          %dma_wait3A_188 = tpu.memref_slice %run_scoped3A_8[%dma_wait3A, %dma_wait3A_187] : memref<48x128xf32, #tpu.memory_space<vmem>> -> memref<48x128xf32, #tpu.memory_space<vmem>>
          %dma_wait3A_189 = arith.constant 0 : i32
          %dma_wait3A_190 = tpu.memref_slice %arg4[%add3A_122, %dma_wait3A_189] : memref<10000x128xf32, #tpu.memory_space<hbm>> -> memref<48x128xf32, #tpu.memory_space<hbm>>
          %dma_wait3A_191 = arith.constant 0 : i32
          %dma_wait3A_192 = arith.constant 0 : i32
          %dma_wait3A_193 = tpu.memref_slice %run_scoped3A_8[%dma_wait3A_191, %dma_wait3A_192] : memref<48x128xf32, #tpu.memory_space<vmem>> -> memref<48x128xf32, #tpu.memory_space<vmem>>
          %dma_wait3A_194 = arith.constant 0 : i32
          %dma_wait3A_195 = tpu.memref_slice %arg4[%add3A_122, %dma_wait3A_194] : memref<10000x128xf32, #tpu.memory_space<hbm>> -> memref<48x128xf32, #tpu.memory_space<hbm>>
          tpu.wait_dma2 semaphore(%run_scoped3A_177 : memref<!tpu.dma_semaphore, #tpu.memory_space<semaphore_mem>>) src(%dma_wait3A_195 : memref<48x128xf32, #tpu.memory_space<hbm>>) dst(%dma_wait3A_193 : memref<48x128xf32, #tpu.memory_space<vmem>>)
          tpu.yield
        }) : () -> ()
        %add3A_123 = arith.constant 48 : i32
        %add3A_124 = arith.addi %mul3A_3, %add3A_123 : i32
        "tpu.region"() ({
          %run_scoped3A_177 = tpu.sem_alloc : memref<!tpu.dma_semaphore, #tpu.memory_space<semaphore_mem>>
          %dma_start3A = arith.constant 0 : i32
          %dma_start3A_178 = arith.constant 0 : i32
          %dma_start3A_179 = tpu.memref_slice %run_scoped3A_7[%dma_start3A, %dma_start3A_178] : memref<48x128xf32, #tpu.memory_space<vmem>> -> memref<48x128xf32, #tpu.memory_space<vmem>>
          %dma_start3A_180 = arith.constant 0 : i32
          %dma_start3A_181 = tpu.memref_slice %arg7[%add3A_124, %dma_start3A_180] : memref<5008x128xf32, #tpu.memory_space<vmem_shared>> -> memref<48x128xf32, #tpu.memory_space<vmem_shared>>
          %dma_start3A_182 = arith.constant 0 : i32
          %dma_start3A_183 = tpu.memref_slice %arg7[%add3A_124, %dma_start3A_182] : memref<5008x128xf32, #tpu.memory_space<vmem_shared>> -> memref<48x128xf32, #tpu.memory_space<vmem_shared>>
          %dma_start3A_184 = arith.constant 0 : i32
          %dma_start3A_185 = arith.constant 0 : i32
          %dma_start3A_186 = tpu.memref_slice %run_scoped3A_7[%dma_start3A_184, %dma_start3A_185] : memref<48x128xf32, #tpu.memory_space<vmem>> -> memref<48x128xf32, #tpu.memory_space<vmem>>
          tpu.enqueue_dma source(%dma_start3A_186 : memref<48x128xf32, #tpu.memory_space<vmem>>) target(%dma_start3A_183 : memref<48x128xf32, #tpu.memory_space<vmem_shared>>) target_semaphore(%run_scoped3A_177 : memref<!tpu.dma_semaphore, #tpu.memory_space<semaphore_mem>>)
          %dma_wait3A = arith.constant 0 : i32
          %dma_wait3A_187 = arith.constant 0 : i32
          %dma_wait3A_188 = tpu.memref_slice %run_scoped3A_7[%dma_wait3A, %dma_wait3A_187] : memref<48x128xf32, #tpu.memory_space<vmem>> -> memref<48x128xf32, #tpu.memory_space<vmem>>
          %dma_wait3A_189 = arith.constant 0 : i32
          %dma_wait3A_190 = tpu.memref_slice %arg7[%add3A_124, %dma_wait3A_189] : memref<5008x128xf32, #tpu.memory_space<vmem_shared>> -> memref<48x128xf32, #tpu.memory_space<vmem_shared>>
          %dma_wait3A_191 = arith.constant 0 : i32
          %dma_wait3A_192 = tpu.memref_slice %arg7[%add3A_124, %dma_wait3A_191] : memref<5008x128xf32, #tpu.memory_space<vmem_shared>> -> memref<48x128xf32, #tpu.memory_space<vmem_shared>>
          %dma_wait3A_193 = arith.constant 0 : i32
          %dma_wait3A_194 = arith.constant 0 : i32
          %dma_wait3A_195 = tpu.memref_slice %run_scoped3A_7[%dma_wait3A_193, %dma_wait3A_194] : memref<48x128xf32, #tpu.memory_space<vmem>> -> memref<48x128xf32, #tpu.memory_space<vmem>>
          tpu.wait_dma2 semaphore(%run_scoped3A_177 : memref<!tpu.dma_semaphore, #tpu.memory_space<semaphore_mem>>) src(%dma_wait3A_195 : memref<48x128xf32, #tpu.memory_space<vmem>>) dst(%dma_wait3A_192 : memref<48x128xf32, #tpu.memory_space<vmem_shared>>)
          tpu.yield
        }) : () -> ()
        %add3A_125 = arith.constant 48 : i32
        %add3A_126 = arith.addi %mul3A_3, %add3A_125 : i32
        "tpu.region"() ({
          %run_scoped3A_177 = tpu.sem_alloc : memref<!tpu.dma_semaphore, #tpu.memory_space<semaphore_mem>>
          %dma_start3A = arith.constant 0 : i32
          %dma_start3A_178 = arith.constant 0 : i32
          %dma_start3A_179 = tpu.memref_slice %run_scoped3A_8[%dma_start3A, %dma_start3A_178] : memref<48x128xf32, #tpu.memory_space<vmem>> -> memref<48x128xf32, #tpu.memory_space<vmem>>
          %dma_start3A_180 = arith.constant 0 : i32
          %dma_start3A_181 = tpu.memref_slice %arg8[%add3A_126, %dma_start3A_180] : memref<5008x128xf32, #tpu.memory_space<vmem_shared>> -> memref<48x128xf32, #tpu.memory_space<vmem_shared>>
          %dma_start3A_182 = arith.constant 0 : i32
          %dma_start3A_183 = tpu.memref_slice %arg8[%add3A_126, %dma_start3A_182] : memref<5008x128xf32, #tpu.memory_space<vmem_shared>> -> memref<48x128xf32, #tpu.memory_space<vmem_shared>>
          %dma_start3A_184 = arith.constant 0 : i32
          %dma_start3A_185 = arith.constant 0 : i32
          %dma_start3A_186 = tpu.memref_slice %run_scoped3A_8[%dma_start3A_184, %dma_start3A_185] : memref<48x128xf32, #tpu.memory_space<vmem>> -> memref<48x128xf32, #tpu.memory_space<vmem>>
          tpu.enqueue_dma source(%dma_start3A_186 : memref<48x128xf32, #tpu.memory_space<vmem>>) target(%dma_start3A_183 : memref<48x128xf32, #tpu.memory_space<vmem_shared>>) target_semaphore(%run_scoped3A_177 : memref<!tpu.dma_semaphore, #tpu.memory_space<semaphore_mem>>)
          %dma_wait3A = arith.constant 0 : i32
          %dma_wait3A_187 = arith.constant 0 : i32
          %dma_wait3A_188 = tpu.memref_slice %run_scoped3A_8[%dma_wait3A, %dma_wait3A_187] : memref<48x128xf32, #tpu.memory_space<vmem>> -> memref<48x128xf32, #tpu.memory_space<vmem>>
          %dma_wait3A_189 = arith.constant 0 : i32
          %dma_wait3A_190 = tpu.memref_slice %arg8[%add3A_126, %dma_wait3A_189] : memref<5008x128xf32, #tpu.memory_space<vmem_shared>> -> memref<48x128xf32, #tpu.memory_space<vmem_shared>>
          %dma_wait3A_191 = arith.constant 0 : i32
          %dma_wait3A_192 = tpu.memref_slice %arg8[%add3A_126, %dma_wait3A_191] : memref<5008x128xf32, #tpu.memory_space<vmem_shared>> -> memref<48x128xf32, #tpu.memory_space<vmem_shared>>
          %dma_wait3A_193 = arith.constant 0 : i32
          %dma_wait3A_194 = arith.constant 0 : i32
          %dma_wait3A_195 = tpu.memref_slice %run_scoped3A_8[%dma_wait3A_193, %dma_wait3A_194] : memref<48x128xf32, #tpu.memory_space<vmem>> -> memref<48x128xf32, #tpu.memory_space<vmem>>
          tpu.wait_dma2 semaphore(%run_scoped3A_177 : memref<!tpu.dma_semaphore, #tpu.memory_space<semaphore_mem>>) src(%dma_wait3A_195 : memref<48x128xf32, #tpu.memory_space<vmem>>) dst(%dma_wait3A_192 : memref<48x128xf32, #tpu.memory_space<vmem_shared>>)
          tpu.yield
        }) : () -> ()
        %add3A_127 = arith.addi %mul3A_0, %mul3A_3 : i32
        %add3A_128 = arith.constant 96 : i32
        %add3A_129 = arith.addi %add3A_127, %add3A_128 : i32
        "tpu.region"() ({
          %run_scoped3A_177 = tpu.sem_alloc : memref<!tpu.dma_semaphore, #tpu.memory_space<semaphore_mem>>
          %dma_start3A = arith.constant 0 : i32
          %dma_start3A_178 = arith.constant 0 : i32
          %dma_start3A_179 = tpu.memref_slice %run_scoped3A_7[%dma_start3A, %dma_start3A_178] : memref<48x128xf32, #tpu.memory_space<vmem>> -> memref<48x128xf32, #tpu.memory_space<vmem>>
          %dma_start3A_180 = arith.constant 0 : i32
          %dma_start3A_181 = tpu.memref_slice %arg3[%add3A_129, %dma_start3A_180] : memref<10000x128xf32, #tpu.memory_space<hbm>> -> memref<48x128xf32, #tpu.memory_space<hbm>>
          %dma_start3A_182 = arith.constant 0 : i32
          %dma_start3A_183 = arith.constant 0 : i32
          %dma_start3A_184 = tpu.memref_slice %run_scoped3A_7[%dma_start3A_182, %dma_start3A_183] : memref<48x128xf32, #tpu.memory_space<vmem>> -> memref<48x128xf32, #tpu.memory_space<vmem>>
          %dma_start3A_185 = arith.constant 0 : i32
          %dma_start3A_186 = tpu.memref_slice %arg3[%add3A_129, %dma_start3A_185] : memref<10000x128xf32, #tpu.memory_space<hbm>> -> memref<48x128xf32, #tpu.memory_space<hbm>>
          tpu.enqueue_dma source(%dma_start3A_186 : memref<48x128xf32, #tpu.memory_space<hbm>>) target(%dma_start3A_184 : memref<48x128xf32, #tpu.memory_space<vmem>>) target_semaphore(%run_scoped3A_177 : memref<!tpu.dma_semaphore, #tpu.memory_space<semaphore_mem>>)
          %dma_wait3A = arith.constant 0 : i32
          %dma_wait3A_187 = arith.constant 0 : i32
          %dma_wait3A_188 = tpu.memref_slice %run_scoped3A_7[%dma_wait3A, %dma_wait3A_187] : memref<48x128xf32, #tpu.memory_space<vmem>> -> memref<48x128xf32, #tpu.memory_space<vmem>>
          %dma_wait3A_189 = arith.constant 0 : i32
          %dma_wait3A_190 = tpu.memref_slice %arg3[%add3A_129, %dma_wait3A_189] : memref<10000x128xf32, #tpu.memory_space<hbm>> -> memref<48x128xf32, #tpu.memory_space<hbm>>
          %dma_wait3A_191 = arith.constant 0 : i32
          %dma_wait3A_192 = arith.constant 0 : i32
          %dma_wait3A_193 = tpu.memref_slice %run_scoped3A_7[%dma_wait3A_191, %dma_wait3A_192] : memref<48x128xf32, #tpu.memory_space<vmem>> -> memref<48x128xf32, #tpu.memory_space<vmem>>
          %dma_wait3A_194 = arith.constant 0 : i32
          %dma_wait3A_195 = tpu.memref_slice %arg3[%add3A_129, %dma_wait3A_194] : memref<10000x128xf32, #tpu.memory_space<hbm>> -> memref<48x128xf32, #tpu.memory_space<hbm>>
          tpu.wait_dma2 semaphore(%run_scoped3A_177 : memref<!tpu.dma_semaphore, #tpu.memory_space<semaphore_mem>>) src(%dma_wait3A_195 : memref<48x128xf32, #tpu.memory_space<hbm>>) dst(%dma_wait3A_193 : memref<48x128xf32, #tpu.memory_space<vmem>>)
          tpu.yield
        }) : () -> ()
        %add3A_130 = arith.addi %mul3A_0, %mul3A_3 : i32
        %add3A_131 = arith.constant 96 : i32
        %add3A_132 = arith.addi %add3A_130, %add3A_131 : i32
        "tpu.region"() ({
          %run_scoped3A_177 = tpu.sem_alloc : memref<!tpu.dma_semaphore, #tpu.memory_space<semaphore_mem>>
          %dma_start3A = arith.constant 0 : i32
          %dma_start3A_178 = arith.constant 0 : i32
          %dma_start3A_179 = tpu.memref_slice %run_scoped3A_8[%dma_start3A, %dma_start3A_178] : memref<48x128xf32, #tpu.memory_space<vmem>> -> memref<48x128xf32, #tpu.memory_space<vmem>>
          %dma_start3A_180 = arith.constant 0 : i32
          %dma_start3A_181 = tpu.memref_slice %arg4[%add3A_132, %dma_start3A_180] : memref<10000x128xf32, #tpu.memory_space<hbm>> -> memref<48x128xf32, #tpu.memory_space<hbm>>
          %dma_start3A_182 = arith.constant 0 : i32
          %dma_start3A_183 = arith.constant 0 : i32
          %dma_start3A_184 = tpu.memref_slice %run_scoped3A_8[%dma_start3A_182, %dma_start3A_183] : memref<48x128xf32, #tpu.memory_space<vmem>> -> memref<48x128xf32, #tpu.memory_space<vmem>>
          %dma_start3A_185 = arith.constant 0 : i32
          %dma_start3A_186 = tpu.memref_slice %arg4[%add3A_132, %dma_start3A_185] : memref<10000x128xf32, #tpu.memory_space<hbm>> -> memref<48x128xf32, #tpu.memory_space<hbm>>
          tpu.enqueue_dma source(%dma_start3A_186 : memref<48x128xf32, #tpu.memory_space<hbm>>) target(%dma_start3A_184 : memref<48x128xf32, #tpu.memory_space<vmem>>) target_semaphore(%run_scoped3A_177 : memref<!tpu.dma_semaphore, #tpu.memory_space<semaphore_mem>>)
          %dma_wait3A = arith.constant 0 : i32
          %dma_wait3A_187 = arith.constant 0 : i32
          %dma_wait3A_188 = tpu.memref_slice %run_scoped3A_8[%dma_wait3A, %dma_wait3A_187] : memref<48x128xf32, #tpu.memory_space<vmem>> -> memref<48x128xf32, #tpu.memory_space<vmem>>
          %dma_wait3A_189 = arith.constant 0 : i32
          %dma_wait3A_190 = tpu.memref_slice %arg4[%add3A_132, %dma_wait3A_189] : memref<10000x128xf32, #tpu.memory_space<hbm>> -> memref<48x128xf32, #tpu.memory_space<hbm>>
          %dma_wait3A_191 = arith.constant 0 : i32
          %dma_wait3A_192 = arith.constant 0 : i32
          %dma_wait3A_193 = tpu.memref_slice %run_scoped3A_8[%dma_wait3A_191, %dma_wait3A_192] : memref<48x128xf32, #tpu.memory_space<vmem>> -> memref<48x128xf32, #tpu.memory_space<vmem>>
          %dma_wait3A_194 = arith.constant 0 : i32
          %dma_wait3A_195 = tpu.memref_slice %arg4[%add3A_132, %dma_wait3A_194] : memref<10000x128xf32, #tpu.memory_space<hbm>> -> memref<48x128xf32, #tpu.memory_space<hbm>>
          tpu.wait_dma2 semaphore(%run_scoped3A_177 : memref<!tpu.dma_semaphore, #tpu.memory_space<semaphore_mem>>) src(%dma_wait3A_195 : memref<48x128xf32, #tpu.memory_space<hbm>>) dst(%dma_wait3A_193 : memref<48x128xf32, #tpu.memory_space<vmem>>)
          tpu.yield
        }) : () -> ()
        %add3A_133 = arith.constant 96 : i32
        %add3A_134 = arith.addi %mul3A_3, %add3A_133 : i32
        "tpu.region"() ({
          %run_scoped3A_177 = tpu.sem_alloc : memref<!tpu.dma_semaphore, #tpu.memory_space<semaphore_mem>>
          %dma_start3A = arith.constant 0 : i32
          %dma_start3A_178 = arith.constant 0 : i32
          %dma_start3A_179 = tpu.memref_slice %run_scoped3A_7[%dma_start3A, %dma_start3A_178] : memref<48x128xf32, #tpu.memory_space<vmem>> -> memref<48x128xf32, #tpu.memory_space<vmem>>
          %dma_start3A_180 = arith.constant 0 : i32
          %dma_start3A_181 = tpu.memref_slice %arg7[%add3A_134, %dma_start3A_180] : memref<5008x128xf32, #tpu.memory_space<vmem_shared>> -> memref<48x128xf32, #tpu.memory_space<vmem_shared>>
          %dma_start3A_182 = arith.constant 0 : i32
          %dma_start3A_183 = tpu.memref_slice %arg7[%add3A_134, %dma_start3A_182] : memref<5008x128xf32, #tpu.memory_space<vmem_shared>> -> memref<48x128xf32, #tpu.memory_space<vmem_shared>>
          %dma_start3A_184 = arith.constant 0 : i32
          %dma_start3A_185 = arith.constant 0 : i32
          %dma_start3A_186 = tpu.memref_slice %run_scoped3A_7[%dma_start3A_184, %dma_start3A_185] : memref<48x128xf32, #tpu.memory_space<vmem>> -> memref<48x128xf32, #tpu.memory_space<vmem>>
          tpu.enqueue_dma source(%dma_start3A_186 : memref<48x128xf32, #tpu.memory_space<vmem>>) target(%dma_start3A_183 : memref<48x128xf32, #tpu.memory_space<vmem_shared>>) target_semaphore(%run_scoped3A_177 : memref<!tpu.dma_semaphore, #tpu.memory_space<semaphore_mem>>)
          %dma_wait3A = arith.constant 0 : i32
          %dma_wait3A_187 = arith.constant 0 : i32
          %dma_wait3A_188 = tpu.memref_slice %run_scoped3A_7[%dma_wait3A, %dma_wait3A_187] : memref<48x128xf32, #tpu.memory_space<vmem>> -> memref<48x128xf32, #tpu.memory_space<vmem>>
          %dma_wait3A_189 = arith.constant 0 : i32
          %dma_wait3A_190 = tpu.memref_slice %arg7[%add3A_134, %dma_wait3A_189] : memref<5008x128xf32, #tpu.memory_space<vmem_shared>> -> memref<48x128xf32, #tpu.memory_space<vmem_shared>>
          %dma_wait3A_191 = arith.constant 0 : i32
          %dma_wait3A_192 = tpu.memref_slice %arg7[%add3A_134, %dma_wait3A_191] : memref<5008x128xf32, #tpu.memory_space<vmem_shared>> -> memref<48x128xf32, #tpu.memory_space<vmem_shared>>
          %dma_wait3A_193 = arith.constant 0 : i32
          %dma_wait3A_194 = arith.constant 0 : i32
          %dma_wait3A_195 = tpu.memref_slice %run_scoped3A_7[%dma_wait3A_193, %dma_wait3A_194] : memref<48x128xf32, #tpu.memory_space<vmem>> -> memref<48x128xf32, #tpu.memory_space<vmem>>
          tpu.wait_dma2 semaphore(%run_scoped3A_177 : memref<!tpu.dma_semaphore, #tpu.memory_space<semaphore_mem>>) src(%dma_wait3A_195 : memref<48x128xf32, #tpu.memory_space<vmem>>) dst(%dma_wait3A_192 : memref<48x128xf32, #tpu.memory_space<vmem_shared>>)
          tpu.yield
        }) : () -> ()
        %add3A_135 = arith.constant 96 : i32
        %add3A_136 = arith.addi %mul3A_3, %add3A_135 : i32
        "tpu.region"() ({
          %run_scoped3A_177 = tpu.sem_alloc : memref<!tpu.dma_semaphore, #tpu.memory_space<semaphore_mem>>
          %dma_start3A = arith.constant 0 : i32
          %dma_start3A_178 = arith.constant 0 : i32
          %dma_start3A_179 = tpu.memref_slice %run_scoped3A_8[%dma_start3A, %dma_start3A_178] : memref<48x128xf32, #tpu.memory_space<vmem>> -> memref<48x128xf32, #tpu.memory_space<vmem>>
          %dma_start3A_180 = arith.constant 0 : i32
          %dma_start3A_181 = tpu.memref_slice %arg8[%add3A_136, %dma_start3A_180] : memref<5008x128xf32, #tpu.memory_space<vmem_shared>> -> memref<48x128xf32, #tpu.memory_space<vmem_shared>>
          %dma_start3A_182 = arith.constant 0 : i32
          %dma_start3A_183 = tpu.memref_slice %arg8[%add3A_136, %dma_start3A_182] : memref<5008x128xf32, #tpu.memory_space<vmem_shared>> -> memref<48x128xf32, #tpu.memory_space<vmem_shared>>
          %dma_start3A_184 = arith.constant 0 : i32
          %dma_start3A_185 = arith.constant 0 : i32
          %dma_start3A_186 = tpu.memref_slice %run_scoped3A_8[%dma_start3A_184, %dma_start3A_185] : memref<48x128xf32, #tpu.memory_space<vmem>> -> memref<48x128xf32, #tpu.memory_space<vmem>>
          tpu.enqueue_dma source(%dma_start3A_186 : memref<48x128xf32, #tpu.memory_space<vmem>>) target(%dma_start3A_183 : memref<48x128xf32, #tpu.memory_space<vmem_shared>>) target_semaphore(%run_scoped3A_177 : memref<!tpu.dma_semaphore, #tpu.memory_space<semaphore_mem>>)
          %dma_wait3A = arith.constant 0 : i32
          %dma_wait3A_187 = arith.constant 0 : i32
          %dma_wait3A_188 = tpu.memref_slice %run_scoped3A_8[%dma_wait3A, %dma_wait3A_187] : memref<48x128xf32, #tpu.memory_space<vmem>> -> memref<48x128xf32, #tpu.memory_space<vmem>>
          %dma_wait3A_189 = arith.constant 0 : i32
          %dma_wait3A_190 = tpu.memref_slice %arg8[%add3A_136, %dma_wait3A_189] : memref<5008x128xf32, #tpu.memory_space<vmem_shared>> -> memref<48x128xf32, #tpu.memory_space<vmem_shared>>
          %dma_wait3A_191 = arith.constant 0 : i32
          %dma_wait3A_192 = tpu.memref_slice %arg8[%add3A_136, %dma_wait3A_191] : memref<5008x128xf32, #tpu.memory_space<vmem_shared>> -> memref<48x128xf32, #tpu.memory_space<vmem_shared>>
          %dma_wait3A_193 = arith.constant 0 : i32
          %dma_wait3A_194 = arith.constant 0 : i32
          %dma_wait3A_195 = tpu.memref_slice %run_scoped3A_8[%dma_wait3A_193, %dma_wait3A_194] : memref<48x128xf32, #tpu.memory_space<vmem>> -> memref<48x128xf32, #tpu.memory_space<vmem>>
          tpu.wait_dma2 semaphore(%run_scoped3A_177 : memref<!tpu.dma_semaphore, #tpu.memory_space<semaphore_mem>>) src(%dma_wait3A_195 : memref<48x128xf32, #tpu.memory_space<vmem>>) dst(%dma_wait3A_192 : memref<48x128xf32, #tpu.memory_space<vmem_shared>>)
          tpu.yield
        }) : () -> ()
        %add3A_137 = arith.addi %mul3A_0, %mul3A_3 : i32
        %add3A_138 = arith.constant 144 : i32
        %add3A_139 = arith.addi %add3A_137, %add3A_138 : i32
        "tpu.region"() ({
          %run_scoped3A_177 = tpu.sem_alloc : memref<!tpu.dma_semaphore, #tpu.memory_space<semaphore_mem>>
          %dma_start3A = arith.constant 0 : i32
          %dma_start3A_178 = arith.constant 0 : i32
          %dma_start3A_179 = tpu.memref_slice %run_scoped3A_7[%dma_start3A, %dma_start3A_178] : memref<48x128xf32, #tpu.memory_space<vmem>> -> memref<48x128xf32, #tpu.memory_space<vmem>>
          %dma_start3A_180 = arith.constant 0 : i32
          %dma_start3A_181 = tpu.memref_slice %arg3[%add3A_139, %dma_start3A_180] : memref<10000x128xf32, #tpu.memory_space<hbm>> -> memref<48x128xf32, #tpu.memory_space<hbm>>
          %dma_start3A_182 = arith.constant 0 : i32
          %dma_start3A_183 = arith.constant 0 : i32
          %dma_start3A_184 = tpu.memref_slice %run_scoped3A_7[%dma_start3A_182, %dma_start3A_183] : memref<48x128xf32, #tpu.memory_space<vmem>> -> memref<48x128xf32, #tpu.memory_space<vmem>>
          %dma_start3A_185 = arith.constant 0 : i32
          %dma_start3A_186 = tpu.memref_slice %arg3[%add3A_139, %dma_start3A_185] : memref<10000x128xf32, #tpu.memory_space<hbm>> -> memref<48x128xf32, #tpu.memory_space<hbm>>
          tpu.enqueue_dma source(%dma_start3A_186 : memref<48x128xf32, #tpu.memory_space<hbm>>) target(%dma_start3A_184 : memref<48x128xf32, #tpu.memory_space<vmem>>) target_semaphore(%run_scoped3A_177 : memref<!tpu.dma_semaphore, #tpu.memory_space<semaphore_mem>>)
          %dma_wait3A = arith.constant 0 : i32
          %dma_wait3A_187 = arith.constant 0 : i32
          %dma_wait3A_188 = tpu.memref_slice %run_scoped3A_7[%dma_wait3A, %dma_wait3A_187] : memref<48x128xf32, #tpu.memory_space<vmem>> -> memref<48x128xf32, #tpu.memory_space<vmem>>
          %dma_wait3A_189 = arith.constant 0 : i32
          %dma_wait3A_190 = tpu.memref_slice %arg3[%add3A_139, %dma_wait3A_189] : memref<10000x128xf32, #tpu.memory_space<hbm>> -> memref<48x128xf32, #tpu.memory_space<hbm>>
          %dma_wait3A_191 = arith.constant 0 : i32
          %dma_wait3A_192 = arith.constant 0 : i32
          %dma_wait3A_193 = tpu.memref_slice %run_scoped3A_7[%dma_wait3A_191, %dma_wait3A_192] : memref<48x128xf32, #tpu.memory_space<vmem>> -> memref<48x128xf32, #tpu.memory_space<vmem>>
          %dma_wait3A_194 = arith.constant 0 : i32
          %dma_wait3A_195 = tpu.memref_slice %arg3[%add3A_139, %dma_wait3A_194] : memref<10000x128xf32, #tpu.memory_space<hbm>> -> memref<48x128xf32, #tpu.memory_space<hbm>>
          tpu.wait_dma2 semaphore(%run_scoped3A_177 : memref<!tpu.dma_semaphore, #tpu.memory_space<semaphore_mem>>) src(%dma_wait3A_195 : memref<48x128xf32, #tpu.memory_space<hbm>>) dst(%dma_wait3A_193 : memref<48x128xf32, #tpu.memory_space<vmem>>)
          tpu.yield
        }) : () -> ()
        %add3A_140 = arith.addi %mul3A_0, %mul3A_3 : i32
        %add3A_141 = arith.constant 144 : i32
        %add3A_142 = arith.addi %add3A_140, %add3A_141 : i32
        "tpu.region"() ({
          %run_scoped3A_177 = tpu.sem_alloc : memref<!tpu.dma_semaphore, #tpu.memory_space<semaphore_mem>>
          %dma_start3A = arith.constant 0 : i32
          %dma_start3A_178 = arith.constant 0 : i32
          %dma_start3A_179 = tpu.memref_slice %run_scoped3A_8[%dma_start3A, %dma_start3A_178] : memref<48x128xf32, #tpu.memory_space<vmem>> -> memref<48x128xf32, #tpu.memory_space<vmem>>
          %dma_start3A_180 = arith.constant 0 : i32
          %dma_start3A_181 = tpu.memref_slice %arg4[%add3A_142, %dma_start3A_180] : memref<10000x128xf32, #tpu.memory_space<hbm>> -> memref<48x128xf32, #tpu.memory_space<hbm>>
          %dma_start3A_182 = arith.constant 0 : i32
          %dma_start3A_183 = arith.constant 0 : i32
          %dma_start3A_184 = tpu.memref_slice %run_scoped3A_8[%dma_start3A_182, %dma_start3A_183] : memref<48x128xf32, #tpu.memory_space<vmem>> -> memref<48x128xf32, #tpu.memory_space<vmem>>
          %dma_start3A_185 = arith.constant 0 : i32
          %dma_start3A_186 = tpu.memref_slice %arg4[%add3A_142, %dma_start3A_185] : memref<10000x128xf32, #tpu.memory_space<hbm>> -> memref<48x128xf32, #tpu.memory_space<hbm>>
          tpu.enqueue_dma source(%dma_start3A_186 : memref<48x128xf32, #tpu.memory_space<hbm>>) target(%dma_start3A_184 : memref<48x128xf32, #tpu.memory_space<vmem>>) target_semaphore(%run_scoped3A_177 : memref<!tpu.dma_semaphore, #tpu.memory_space<semaphore_mem>>)
          %dma_wait3A = arith.constant 0 : i32
          %dma_wait3A_187 = arith.constant 0 : i32
          %dma_wait3A_188 = tpu.memref_slice %run_scoped3A_8[%dma_wait3A, %dma_wait3A_187] : memref<48x128xf32, #tpu.memory_space<vmem>> -> memref<48x128xf32, #tpu.memory_space<vmem>>
          %dma_wait3A_189 = arith.constant 0 : i32
          %dma_wait3A_190 = tpu.memref_slice %arg4[%add3A_142, %dma_wait3A_189] : memref<10000x128xf32, #tpu.memory_space<hbm>> -> memref<48x128xf32, #tpu.memory_space<hbm>>
          %dma_wait3A_191 = arith.constant 0 : i32
          %dma_wait3A_192 = arith.constant 0 : i32
          %dma_wait3A_193 = tpu.memref_slice %run_scoped3A_8[%dma_wait3A_191, %dma_wait3A_192] : memref<48x128xf32, #tpu.memory_space<vmem>> -> memref<48x128xf32, #tpu.memory_space<vmem>>
          %dma_wait3A_194 = arith.constant 0 : i32
          %dma_wait3A_195 = tpu.memref_slice %arg4[%add3A_142, %dma_wait3A_194] : memref<10000x128xf32, #tpu.memory_space<hbm>> -> memref<48x128xf32, #tpu.memory_space<hbm>>
          tpu.wait_dma2 semaphore(%run_scoped3A_177 : memref<!tpu.dma_semaphore, #tpu.memory_space<semaphore_mem>>) src(%dma_wait3A_195 : memref<48x128xf32, #tpu.memory_space<hbm>>) dst(%dma_wait3A_193 : memref<48x128xf32, #tpu.memory_space<vmem>>)
          tpu.yield
        }) : () -> ()
        %add3A_143 = arith.constant 144 : i32
        %add3A_144 = arith.addi %mul3A_3, %add3A_143 : i32
        "tpu.region"() ({
          %run_scoped3A_177 = tpu.sem_alloc : memref<!tpu.dma_semaphore, #tpu.memory_space<semaphore_mem>>
          %dma_start3A = arith.constant 0 : i32
          %dma_start3A_178 = arith.constant 0 : i32
          %dma_start3A_179 = tpu.memref_slice %run_scoped3A_7[%dma_start3A, %dma_start3A_178] : memref<48x128xf32, #tpu.memory_space<vmem>> -> memref<48x128xf32, #tpu.memory_space<vmem>>
          %dma_start3A_180 = arith.constant 0 : i32
          %dma_start3A_181 = tpu.memref_slice %arg7[%add3A_144, %dma_start3A_180] : memref<5008x128xf32, #tpu.memory_space<vmem_shared>> -> memref<48x128xf32, #tpu.memory_space<vmem_shared>>
          %dma_start3A_182 = arith.constant 0 : i32
          %dma_start3A_183 = tpu.memref_slice %arg7[%add3A_144, %dma_start3A_182] : memref<5008x128xf32, #tpu.memory_space<vmem_shared>> -> memref<48x128xf32, #tpu.memory_space<vmem_shared>>
          %dma_start3A_184 = arith.constant 0 : i32
          %dma_start3A_185 = arith.constant 0 : i32
          %dma_start3A_186 = tpu.memref_slice %run_scoped3A_7[%dma_start3A_184, %dma_start3A_185] : memref<48x128xf32, #tpu.memory_space<vmem>> -> memref<48x128xf32, #tpu.memory_space<vmem>>
          tpu.enqueue_dma source(%dma_start3A_186 : memref<48x128xf32, #tpu.memory_space<vmem>>) target(%dma_start3A_183 : memref<48x128xf32, #tpu.memory_space<vmem_shared>>) target_semaphore(%run_scoped3A_177 : memref<!tpu.dma_semaphore, #tpu.memory_space<semaphore_mem>>)
          %dma_wait3A = arith.constant 0 : i32
          %dma_wait3A_187 = arith.constant 0 : i32
          %dma_wait3A_188 = tpu.memref_slice %run_scoped3A_7[%dma_wait3A, %dma_wait3A_187] : memref<48x128xf32, #tpu.memory_space<vmem>> -> memref<48x128xf32, #tpu.memory_space<vmem>>
          %dma_wait3A_189 = arith.constant 0 : i32
          %dma_wait3A_190 = tpu.memref_slice %arg7[%add3A_144, %dma_wait3A_189] : memref<5008x128xf32, #tpu.memory_space<vmem_shared>> -> memref<48x128xf32, #tpu.memory_space<vmem_shared>>
          %dma_wait3A_191 = arith.constant 0 : i32
          %dma_wait3A_192 = tpu.memref_slice %arg7[%add3A_144, %dma_wait3A_191] : memref<5008x128xf32, #tpu.memory_space<vmem_shared>> -> memref<48x128xf32, #tpu.memory_space<vmem_shared>>
          %dma_wait3A_193 = arith.constant 0 : i32
          %dma_wait3A_194 = arith.constant 0 : i32
          %dma_wait3A_195 = tpu.memref_slice %run_scoped3A_7[%dma_wait3A_193, %dma_wait3A_194] : memref<48x128xf32, #tpu.memory_space<vmem>> -> memref<48x128xf32, #tpu.memory_space<vmem>>
          tpu.wait_dma2 semaphore(%run_scoped3A_177 : memref<!tpu.dma_semaphore, #tpu.memory_space<semaphore_mem>>) src(%dma_wait3A_195 : memref<48x128xf32, #tpu.memory_space<vmem>>) dst(%dma_wait3A_192 : memref<48x128xf32, #tpu.memory_space<vmem_shared>>)
          tpu.yield
        }) : () -> ()
        %add3A_145 = arith.constant 144 : i32
        %add3A_146 = arith.addi %mul3A_3, %add3A_145 : i32
        "tpu.region"() ({
          %run_scoped3A_177 = tpu.sem_alloc : memref<!tpu.dma_semaphore, #tpu.memory_space<semaphore_mem>>
          %dma_start3A = arith.constant 0 : i32
          %dma_start3A_178 = arith.constant 0 : i32
          %dma_start3A_179 = tpu.memref_slice %run_scoped3A_8[%dma_start3A, %dma_start3A_178] : memref<48x128xf32, #tpu.memory_space<vmem>> -> memref<48x128xf32, #tpu.memory_space<vmem>>
          %dma_start3A_180 = arith.constant 0 : i32
          %dma_start3A_181 = tpu.memref_slice %arg8[%add3A_146, %dma_start3A_180] : memref<5008x128xf32, #tpu.memory_space<vmem_shared>> -> memref<48x128xf32, #tpu.memory_space<vmem_shared>>
          %dma_start3A_182 = arith.constant 0 : i32
          %dma_start3A_183 = tpu.memref_slice %arg8[%add3A_146, %dma_start3A_182] : memref<5008x128xf32, #tpu.memory_space<vmem_shared>> -> memref<48x128xf32, #tpu.memory_space<vmem_shared>>
          %dma_start3A_184 = arith.constant 0 : i32
          %dma_start3A_185 = arith.constant 0 : i32
          %dma_start3A_186 = tpu.memref_slice %run_scoped3A_8[%dma_start3A_184, %dma_start3A_185] : memref<48x128xf32, #tpu.memory_space<vmem>> -> memref<48x128xf32, #tpu.memory_space<vmem>>
          tpu.enqueue_dma source(%dma_start3A_186 : memref<48x128xf32, #tpu.memory_space<vmem>>) target(%dma_start3A_183 : memref<48x128xf32, #tpu.memory_space<vmem_shared>>) target_semaphore(%run_scoped3A_177 : memref<!tpu.dma_semaphore, #tpu.memory_space<semaphore_mem>>)
          %dma_wait3A = arith.constant 0 : i32
          %dma_wait3A_187 = arith.constant 0 : i32
          %dma_wait3A_188 = tpu.memref_slice %run_scoped3A_8[%dma_wait3A, %dma_wait3A_187] : memref<48x128xf32, #tpu.memory_space<vmem>> -> memref<48x128xf32, #tpu.memory_space<vmem>>
          %dma_wait3A_189 = arith.constant 0 : i32
          %dma_wait3A_190 = tpu.memref_slice %arg8[%add3A_146, %dma_wait3A_189] : memref<5008x128xf32, #tpu.memory_space<vmem_shared>> -> memref<48x128xf32, #tpu.memory_space<vmem_shared>>
          %dma_wait3A_191 = arith.constant 0 : i32
          %dma_wait3A_192 = tpu.memref_slice %arg8[%add3A_146, %dma_wait3A_191] : memref<5008x128xf32, #tpu.memory_space<vmem_shared>> -> memref<48x128xf32, #tpu.memory_space<vmem_shared>>
          %dma_wait3A_193 = arith.constant 0 : i32
          %dma_wait3A_194 = arith.constant 0 : i32
          %dma_wait3A_195 = tpu.memref_slice %run_scoped3A_8[%dma_wait3A_193, %dma_wait3A_194] : memref<48x128xf32, #tpu.memory_space<vmem>> -> memref<48x128xf32, #tpu.memory_space<vmem>>
          tpu.wait_dma2 semaphore(%run_scoped3A_177 : memref<!tpu.dma_semaphore, #tpu.memory_space<semaphore_mem>>) src(%dma_wait3A_195 : memref<48x128xf32, #tpu.memory_space<vmem>>) dst(%dma_wait3A_192 : memref<48x128xf32, #tpu.memory_space<vmem_shared>>)
          tpu.yield
        }) : () -> ()
        %add3A_147 = arith.addi %mul3A_0, %mul3A_3 : i32
        %add3A_148 = arith.constant 192 : i32
        %add3A_149 = arith.addi %add3A_147, %add3A_148 : i32
        "tpu.region"() ({
          %run_scoped3A_177 = tpu.sem_alloc : memref<!tpu.dma_semaphore, #tpu.memory_space<semaphore_mem>>
          %dma_start3A = arith.constant 0 : i32
          %dma_start3A_178 = arith.constant 0 : i32
          %dma_start3A_179 = tpu.memref_slice %run_scoped3A_7[%dma_start3A, %dma_start3A_178] : memref<48x128xf32, #tpu.memory_space<vmem>> -> memref<48x128xf32, #tpu.memory_space<vmem>>
          %dma_start3A_180 = arith.constant 0 : i32
          %dma_start3A_181 = tpu.memref_slice %arg3[%add3A_149, %dma_start3A_180] : memref<10000x128xf32, #tpu.memory_space<hbm>> -> memref<48x128xf32, #tpu.memory_space<hbm>>
          %dma_start3A_182 = arith.constant 0 : i32
          %dma_start3A_183 = arith.constant 0 : i32
          %dma_start3A_184 = tpu.memref_slice %run_scoped3A_7[%dma_start3A_182, %dma_start3A_183] : memref<48x128xf32, #tpu.memory_space<vmem>> -> memref<48x128xf32, #tpu.memory_space<vmem>>
          %dma_start3A_185 = arith.constant 0 : i32
          %dma_start3A_186 = tpu.memref_slice %arg3[%add3A_149, %dma_start3A_185] : memref<10000x128xf32, #tpu.memory_space<hbm>> -> memref<48x128xf32, #tpu.memory_space<hbm>>
          tpu.enqueue_dma source(%dma_start3A_186 : memref<48x128xf32, #tpu.memory_space<hbm>>) target(%dma_start3A_184 : memref<48x128xf32, #tpu.memory_space<vmem>>) target_semaphore(%run_scoped3A_177 : memref<!tpu.dma_semaphore, #tpu.memory_space<semaphore_mem>>)
          %dma_wait3A = arith.constant 0 : i32
          %dma_wait3A_187 = arith.constant 0 : i32
          %dma_wait3A_188 = tpu.memref_slice %run_scoped3A_7[%dma_wait3A, %dma_wait3A_187] : memref<48x128xf32, #tpu.memory_space<vmem>> -> memref<48x128xf32, #tpu.memory_space<vmem>>
          %dma_wait3A_189 = arith.constant 0 : i32
          %dma_wait3A_190 = tpu.memref_slice %arg3[%add3A_149, %dma_wait3A_189] : memref<10000x128xf32, #tpu.memory_space<hbm>> -> memref<48x128xf32, #tpu.memory_space<hbm>>
          %dma_wait3A_191 = arith.constant 0 : i32
          %dma_wait3A_192 = arith.constant 0 : i32
          %dma_wait3A_193 = tpu.memref_slice %run_scoped3A_7[%dma_wait3A_191, %dma_wait3A_192] : memref<48x128xf32, #tpu.memory_space<vmem>> -> memref<48x128xf32, #tpu.memory_space<vmem>>
          %dma_wait3A_194 = arith.constant 0 : i32
          %dma_wait3A_195 = tpu.memref_slice %arg3[%add3A_149, %dma_wait3A_194] : memref<10000x128xf32, #tpu.memory_space<hbm>> -> memref<48x128xf32, #tpu.memory_space<hbm>>
          tpu.wait_dma2 semaphore(%run_scoped3A_177 : memref<!tpu.dma_semaphore, #tpu.memory_space<semaphore_mem>>) src(%dma_wait3A_195 : memref<48x128xf32, #tpu.memory_space<hbm>>) dst(%dma_wait3A_193 : memref<48x128xf32, #tpu.memory_space<vmem>>)
          tpu.yield
        }) : () -> ()
        %add3A_150 = arith.addi %mul3A_0, %mul3A_3 : i32
        %add3A_151 = arith.constant 192 : i32
        %add3A_152 = arith.addi %add3A_150, %add3A_151 : i32
        "tpu.region"() ({
          %run_scoped3A_177 = tpu.sem_alloc : memref<!tpu.dma_semaphore, #tpu.memory_space<semaphore_mem>>
          %dma_start3A = arith.constant 0 : i32
          %dma_start3A_178 = arith.constant 0 : i32
          %dma_start3A_179 = tpu.memref_slice %run_scoped3A_8[%dma_start3A, %dma_start3A_178] : memref<48x128xf32, #tpu.memory_space<vmem>> -> memref<48x128xf32, #tpu.memory_space<vmem>>
          %dma_start3A_180 = arith.constant 0 : i32
          %dma_start3A_181 = tpu.memref_slice %arg4[%add3A_152, %dma_start3A_180] : memref<10000x128xf32, #tpu.memory_space<hbm>> -> memref<48x128xf32, #tpu.memory_space<hbm>>
          %dma_start3A_182 = arith.constant 0 : i32
          %dma_start3A_183 = arith.constant 0 : i32
          %dma_start3A_184 = tpu.memref_slice %run_scoped3A_8[%dma_start3A_182, %dma_start3A_183] : memref<48x128xf32, #tpu.memory_space<vmem>> -> memref<48x128xf32, #tpu.memory_space<vmem>>
          %dma_start3A_185 = arith.constant 0 : i32
          %dma_start3A_186 = tpu.memref_slice %arg4[%add3A_152, %dma_start3A_185] : memref<10000x128xf32, #tpu.memory_space<hbm>> -> memref<48x128xf32, #tpu.memory_space<hbm>>
          tpu.enqueue_dma source(%dma_start3A_186 : memref<48x128xf32, #tpu.memory_space<hbm>>) target(%dma_start3A_184 : memref<48x128xf32, #tpu.memory_space<vmem>>) target_semaphore(%run_scoped3A_177 : memref<!tpu.dma_semaphore, #tpu.memory_space<semaphore_mem>>)
          %dma_wait3A = arith.constant 0 : i32
          %dma_wait3A_187 = arith.constant 0 : i32
          %dma_wait3A_188 = tpu.memref_slice %run_scoped3A_8[%dma_wait3A, %dma_wait3A_187] : memref<48x128xf32, #tpu.memory_space<vmem>> -> memref<48x128xf32, #tpu.memory_space<vmem>>
          %dma_wait3A_189 = arith.constant 0 : i32
          %dma_wait3A_190 = tpu.memref_slice %arg4[%add3A_152, %dma_wait3A_189] : memref<10000x128xf32, #tpu.memory_space<hbm>> -> memref<48x128xf32, #tpu.memory_space<hbm>>
          %dma_wait3A_191 = arith.constant 0 : i32
          %dma_wait3A_192 = arith.constant 0 : i32
          %dma_wait3A_193 = tpu.memref_slice %run_scoped3A_8[%dma_wait3A_191, %dma_wait3A_192] : memref<48x128xf32, #tpu.memory_space<vmem>> -> memref<48x128xf32, #tpu.memory_space<vmem>>
          %dma_wait3A_194 = arith.constant 0 : i32
          %dma_wait3A_195 = tpu.memref_slice %arg4[%add3A_152, %dma_wait3A_194] : memref<10000x128xf32, #tpu.memory_space<hbm>> -> memref<48x128xf32, #tpu.memory_space<hbm>>
          tpu.wait_dma2 semaphore(%run_scoped3A_177 : memref<!tpu.dma_semaphore, #tpu.memory_space<semaphore_mem>>) src(%dma_wait3A_195 : memref<48x128xf32, #tpu.memory_space<hbm>>) dst(%dma_wait3A_193 : memref<48x128xf32, #tpu.memory_space<vmem>>)
          tpu.yield
        }) : () -> ()
        %add3A_153 = arith.constant 192 : i32
        %add3A_154 = arith.addi %mul3A_3, %add3A_153 : i32
        "tpu.region"() ({
          %run_scoped3A_177 = tpu.sem_alloc : memref<!tpu.dma_semaphore, #tpu.memory_space<semaphore_mem>>
          %dma_start3A = arith.constant 0 : i32
          %dma_start3A_178 = arith.constant 0 : i32
          %dma_start3A_179 = tpu.memref_slice %run_scoped3A_7[%dma_start3A, %dma_start3A_178] : memref<48x128xf32, #tpu.memory_space<vmem>> -> memref<48x128xf32, #tpu.memory_space<vmem>>
          %dma_start3A_180 = arith.constant 0 : i32
          %dma_start3A_181 = tpu.memref_slice %arg7[%add3A_154, %dma_start3A_180] : memref<5008x128xf32, #tpu.memory_space<vmem_shared>> -> memref<48x128xf32, #tpu.memory_space<vmem_shared>>
          %dma_start3A_182 = arith.constant 0 : i32
          %dma_start3A_183 = tpu.memref_slice %arg7[%add3A_154, %dma_start3A_182] : memref<5008x128xf32, #tpu.memory_space<vmem_shared>> -> memref<48x128xf32, #tpu.memory_space<vmem_shared>>
          %dma_start3A_184 = arith.constant 0 : i32
          %dma_start3A_185 = arith.constant 0 : i32
          %dma_start3A_186 = tpu.memref_slice %run_scoped3A_7[%dma_start3A_184, %dma_start3A_185] : memref<48x128xf32, #tpu.memory_space<vmem>> -> memref<48x128xf32, #tpu.memory_space<vmem>>
          tpu.enqueue_dma source(%dma_start3A_186 : memref<48x128xf32, #tpu.memory_space<vmem>>) target(%dma_start3A_183 : memref<48x128xf32, #tpu.memory_space<vmem_shared>>) target_semaphore(%run_scoped3A_177 : memref<!tpu.dma_semaphore, #tpu.memory_space<semaphore_mem>>)
          %dma_wait3A = arith.constant 0 : i32
          %dma_wait3A_187 = arith.constant 0 : i32
          %dma_wait3A_188 = tpu.memref_slice %run_scoped3A_7[%dma_wait3A, %dma_wait3A_187] : memref<48x128xf32, #tpu.memory_space<vmem>> -> memref<48x128xf32, #tpu.memory_space<vmem>>
          %dma_wait3A_189 = arith.constant 0 : i32
          %dma_wait3A_190 = tpu.memref_slice %arg7[%add3A_154, %dma_wait3A_189] : memref<5008x128xf32, #tpu.memory_space<vmem_shared>> -> memref<48x128xf32, #tpu.memory_space<vmem_shared>>
          %dma_wait3A_191 = arith.constant 0 : i32
          %dma_wait3A_192 = tpu.memref_slice %arg7[%add3A_154, %dma_wait3A_191] : memref<5008x128xf32, #tpu.memory_space<vmem_shared>> -> memref<48x128xf32, #tpu.memory_space<vmem_shared>>
          %dma_wait3A_193 = arith.constant 0 : i32
          %dma_wait3A_194 = arith.constant 0 : i32
          %dma_wait3A_195 = tpu.memref_slice %run_scoped3A_7[%dma_wait3A_193, %dma_wait3A_194] : memref<48x128xf32, #tpu.memory_space<vmem>> -> memref<48x128xf32, #tpu.memory_space<vmem>>
          tpu.wait_dma2 semaphore(%run_scoped3A_177 : memref<!tpu.dma_semaphore, #tpu.memory_space<semaphore_mem>>) src(%dma_wait3A_195 : memref<48x128xf32, #tpu.memory_space<vmem>>) dst(%dma_wait3A_192 : memref<48x128xf32, #tpu.memory_space<vmem_shared>>)
          tpu.yield
        }) : () -> ()
        %add3A_155 = arith.constant 192 : i32
        %add3A_156 = arith.addi %mul3A_3, %add3A_155 : i32
        "tpu.region"() ({
          %run_scoped3A_177 = tpu.sem_alloc : memref<!tpu.dma_semaphore, #tpu.memory_space<semaphore_mem>>
          %dma_start3A = arith.constant 0 : i32
          %dma_start3A_178 = arith.constant 0 : i32
          %dma_start3A_179 = tpu.memref_slice %run_scoped3A_8[%dma_start3A, %dma_start3A_178] : memref<48x128xf32, #tpu.memory_space<vmem>> -> memref<48x128xf32, #tpu.memory_space<vmem>>
          %dma_start3A_180 = arith.constant 0 : i32
          %dma_start3A_181 = tpu.memref_slice %arg8[%add3A_156, %dma_start3A_180] : memref<5008x128xf32, #tpu.memory_space<vmem_shared>> -> memref<48x128xf32, #tpu.memory_space<vmem_shared>>
          %dma_start3A_182 = arith.constant 0 : i32
          %dma_start3A_183 = tpu.memref_slice %arg8[%add3A_156, %dma_start3A_182] : memref<5008x128xf32, #tpu.memory_space<vmem_shared>> -> memref<48x128xf32, #tpu.memory_space<vmem_shared>>
          %dma_start3A_184 = arith.constant 0 : i32
          %dma_start3A_185 = arith.constant 0 : i32
          %dma_start3A_186 = tpu.memref_slice %run_scoped3A_8[%dma_start3A_184, %dma_start3A_185] : memref<48x128xf32, #tpu.memory_space<vmem>> -> memref<48x128xf32, #tpu.memory_space<vmem>>
          tpu.enqueue_dma source(%dma_start3A_186 : memref<48x128xf32, #tpu.memory_space<vmem>>) target(%dma_start3A_183 : memref<48x128xf32, #tpu.memory_space<vmem_shared>>) target_semaphore(%run_scoped3A_177 : memref<!tpu.dma_semaphore, #tpu.memory_space<semaphore_mem>>)
          %dma_wait3A = arith.constant 0 : i32
          %dma_wait3A_187 = arith.constant 0 : i32
          %dma_wait3A_188 = tpu.memref_slice %run_scoped3A_8[%dma_wait3A, %dma_wait3A_187] : memref<48x128xf32, #tpu.memory_space<vmem>> -> memref<48x128xf32, #tpu.memory_space<vmem>>
          %dma_wait3A_189 = arith.constant 0 : i32
          %dma_wait3A_190 = tpu.memref_slice %arg8[%add3A_156, %dma_wait3A_189] : memref<5008x128xf32, #tpu.memory_space<vmem_shared>> -> memref<48x128xf32, #tpu.memory_space<vmem_shared>>
          %dma_wait3A_191 = arith.constant 0 : i32
          %dma_wait3A_192 = tpu.memref_slice %arg8[%add3A_156, %dma_wait3A_191] : memref<5008x128xf32, #tpu.memory_space<vmem_shared>> -> memref<48x128xf32, #tpu.memory_space<vmem_shared>>
          %dma_wait3A_193 = arith.constant 0 : i32
          %dma_wait3A_194 = arith.constant 0 : i32
          %dma_wait3A_195 = tpu.memref_slice %run_scoped3A_8[%dma_wait3A_193, %dma_wait3A_194] : memref<48x128xf32, #tpu.memory_space<vmem>> -> memref<48x128xf32, #tpu.memory_space<vmem>>
          tpu.wait_dma2 semaphore(%run_scoped3A_177 : memref<!tpu.dma_semaphore, #tpu.memory_space<semaphore_mem>>) src(%dma_wait3A_195 : memref<48x128xf32, #tpu.memory_space<vmem>>) dst(%dma_wait3A_192 : memref<48x128xf32, #tpu.memory_space<vmem_shared>>)
          tpu.yield
        }) : () -> ()
        %add3A_157 = arith.addi %mul3A_0, %mul3A_3 : i32
        %add3A_158 = arith.constant 240 : i32
        %add3A_159 = arith.addi %add3A_157, %add3A_158 : i32
        "tpu.region"() ({
          %run_scoped3A_177 = tpu.sem_alloc : memref<!tpu.dma_semaphore, #tpu.memory_space<semaphore_mem>>
          %dma_start3A = arith.constant 0 : i32
          %dma_start3A_178 = arith.constant 0 : i32
          %dma_start3A_179 = tpu.memref_slice %run_scoped3A_7[%dma_start3A, %dma_start3A_178] : memref<48x128xf32, #tpu.memory_space<vmem>> -> memref<48x128xf32, #tpu.memory_space<vmem>>
          %dma_start3A_180 = arith.constant 0 : i32
          %dma_start3A_181 = tpu.memref_slice %arg3[%add3A_159, %dma_start3A_180] : memref<10000x128xf32, #tpu.memory_space<hbm>> -> memref<48x128xf32, #tpu.memory_space<hbm>>
          %dma_start3A_182 = arith.constant 0 : i32
          %dma_start3A_183 = arith.constant 0 : i32
          %dma_start3A_184 = tpu.memref_slice %run_scoped3A_7[%dma_start3A_182, %dma_start3A_183] : memref<48x128xf32, #tpu.memory_space<vmem>> -> memref<48x128xf32, #tpu.memory_space<vmem>>
          %dma_start3A_185 = arith.constant 0 : i32
          %dma_start3A_186 = tpu.memref_slice %arg3[%add3A_159, %dma_start3A_185] : memref<10000x128xf32, #tpu.memory_space<hbm>> -> memref<48x128xf32, #tpu.memory_space<hbm>>
          tpu.enqueue_dma source(%dma_start3A_186 : memref<48x128xf32, #tpu.memory_space<hbm>>) target(%dma_start3A_184 : memref<48x128xf32, #tpu.memory_space<vmem>>) target_semaphore(%run_scoped3A_177 : memref<!tpu.dma_semaphore, #tpu.memory_space<semaphore_mem>>)
          %dma_wait3A = arith.constant 0 : i32
          %dma_wait3A_187 = arith.constant 0 : i32
          %dma_wait3A_188 = tpu.memref_slice %run_scoped3A_7[%dma_wait3A, %dma_wait3A_187] : memref<48x128xf32, #tpu.memory_space<vmem>> -> memref<48x128xf32, #tpu.memory_space<vmem>>
          %dma_wait3A_189 = arith.constant 0 : i32
          %dma_wait3A_190 = tpu.memref_slice %arg3[%add3A_159, %dma_wait3A_189] : memref<10000x128xf32, #tpu.memory_space<hbm>> -> memref<48x128xf32, #tpu.memory_space<hbm>>
          %dma_wait3A_191 = arith.constant 0 : i32
          %dma_wait3A_192 = arith.constant 0 : i32
          %dma_wait3A_193 = tpu.memref_slice %run_scoped3A_7[%dma_wait3A_191, %dma_wait3A_192] : memref<48x128xf32, #tpu.memory_space<vmem>> -> memref<48x128xf32, #tpu.memory_space<vmem>>
          %dma_wait3A_194 = arith.constant 0 : i32
          %dma_wait3A_195 = tpu.memref_slice %arg3[%add3A_159, %dma_wait3A_194] : memref<10000x128xf32, #tpu.memory_space<hbm>> -> memref<48x128xf32, #tpu.memory_space<hbm>>
          tpu.wait_dma2 semaphore(%run_scoped3A_177 : memref<!tpu.dma_semaphore, #tpu.memory_space<semaphore_mem>>) src(%dma_wait3A_195 : memref<48x128xf32, #tpu.memory_space<hbm>>) dst(%dma_wait3A_193 : memref<48x128xf32, #tpu.memory_space<vmem>>)
          tpu.yield
        }) : () -> ()
        %add3A_160 = arith.addi %mul3A_0, %mul3A_3 : i32
        %add3A_161 = arith.constant 240 : i32
        %add3A_162 = arith.addi %add3A_160, %add3A_161 : i32
        "tpu.region"() ({
          %run_scoped3A_177 = tpu.sem_alloc : memref<!tpu.dma_semaphore, #tpu.memory_space<semaphore_mem>>
          %dma_start3A = arith.constant 0 : i32
          %dma_start3A_178 = arith.constant 0 : i32
          %dma_start3A_179 = tpu.memref_slice %run_scoped3A_8[%dma_start3A, %dma_start3A_178] : memref<48x128xf32, #tpu.memory_space<vmem>> -> memref<48x128xf32, #tpu.memory_space<vmem>>
          %dma_start3A_180 = arith.constant 0 : i32
          %dma_start3A_181 = tpu.memref_slice %arg4[%add3A_162, %dma_start3A_180] : memref<10000x128xf32, #tpu.memory_space<hbm>> -> memref<48x128xf32, #tpu.memory_space<hbm>>
          %dma_start3A_182 = arith.constant 0 : i32
          %dma_start3A_183 = arith.constant 0 : i32
          %dma_start3A_184 = tpu.memref_slice %run_scoped3A_8[%dma_start3A_182, %dma_start3A_183] : memref<48x128xf32, #tpu.memory_space<vmem>> -> memref<48x128xf32, #tpu.memory_space<vmem>>
          %dma_start3A_185 = arith.constant 0 : i32
          %dma_start3A_186 = tpu.memref_slice %arg4[%add3A_162, %dma_start3A_185] : memref<10000x128xf32, #tpu.memory_space<hbm>> -> memref<48x128xf32, #tpu.memory_space<hbm>>
          tpu.enqueue_dma source(%dma_start3A_186 : memref<48x128xf32, #tpu.memory_space<hbm>>) target(%dma_start3A_184 : memref<48x128xf32, #tpu.memory_space<vmem>>) target_semaphore(%run_scoped3A_177 : memref<!tpu.dma_semaphore, #tpu.memory_space<semaphore_mem>>)
          %dma_wait3A = arith.constant 0 : i32
          %dma_wait3A_187 = arith.constant 0 : i32
          %dma_wait3A_188 = tpu.memref_slice %run_scoped3A_8[%dma_wait3A, %dma_wait3A_187] : memref<48x128xf32, #tpu.memory_space<vmem>> -> memref<48x128xf32, #tpu.memory_space<vmem>>
          %dma_wait3A_189 = arith.constant 0 : i32
          %dma_wait3A_190 = tpu.memref_slice %arg4[%add3A_162, %dma_wait3A_189] : memref<10000x128xf32, #tpu.memory_space<hbm>> -> memref<48x128xf32, #tpu.memory_space<hbm>>
          %dma_wait3A_191 = arith.constant 0 : i32
          %dma_wait3A_192 = arith.constant 0 : i32
          %dma_wait3A_193 = tpu.memref_slice %run_scoped3A_8[%dma_wait3A_191, %dma_wait3A_192] : memref<48x128xf32, #tpu.memory_space<vmem>> -> memref<48x128xf32, #tpu.memory_space<vmem>>
          %dma_wait3A_194 = arith.constant 0 : i32
          %dma_wait3A_195 = tpu.memref_slice %arg4[%add3A_162, %dma_wait3A_194] : memref<10000x128xf32, #tpu.memory_space<hbm>> -> memref<48x128xf32, #tpu.memory_space<hbm>>
          tpu.wait_dma2 semaphore(%run_scoped3A_177 : memref<!tpu.dma_semaphore, #tpu.memory_space<semaphore_mem>>) src(%dma_wait3A_195 : memref<48x128xf32, #tpu.memory_space<hbm>>) dst(%dma_wait3A_193 : memref<48x128xf32, #tpu.memory_space<vmem>>)
          tpu.yield
        }) : () -> ()
        %add3A_163 = arith.constant 240 : i32
        %add3A_164 = arith.addi %mul3A_3, %add3A_163 : i32
        "tpu.region"() ({
          %run_scoped3A_177 = tpu.sem_alloc : memref<!tpu.dma_semaphore, #tpu.memory_space<semaphore_mem>>
          %dma_start3A = arith.constant 0 : i32
          %dma_start3A_178 = arith.constant 0 : i32
          %dma_start3A_179 = tpu.memref_slice %run_scoped3A_7[%dma_start3A, %dma_start3A_178] : memref<48x128xf32, #tpu.memory_space<vmem>> -> memref<48x128xf32, #tpu.memory_space<vmem>>
          %dma_start3A_180 = arith.constant 0 : i32
          %dma_start3A_181 = tpu.memref_slice %arg7[%add3A_164, %dma_start3A_180] : memref<5008x128xf32, #tpu.memory_space<vmem_shared>> -> memref<48x128xf32, #tpu.memory_space<vmem_shared>>
          %dma_start3A_182 = arith.constant 0 : i32
          %dma_start3A_183 = tpu.memref_slice %arg7[%add3A_164, %dma_start3A_182] : memref<5008x128xf32, #tpu.memory_space<vmem_shared>> -> memref<48x128xf32, #tpu.memory_space<vmem_shared>>
          %dma_start3A_184 = arith.constant 0 : i32
          %dma_start3A_185 = arith.constant 0 : i32
          %dma_start3A_186 = tpu.memref_slice %run_scoped3A_7[%dma_start3A_184, %dma_start3A_185] : memref<48x128xf32, #tpu.memory_space<vmem>> -> memref<48x128xf32, #tpu.memory_space<vmem>>
          tpu.enqueue_dma source(%dma_start3A_186 : memref<48x128xf32, #tpu.memory_space<vmem>>) target(%dma_start3A_183 : memref<48x128xf32, #tpu.memory_space<vmem_shared>>) target_semaphore(%run_scoped3A_177 : memref<!tpu.dma_semaphore, #tpu.memory_space<semaphore_mem>>)
          %dma_wait3A = arith.constant 0 : i32
          %dma_wait3A_187 = arith.constant 0 : i32
          %dma_wait3A_188 = tpu.memref_slice %run_scoped3A_7[%dma_wait3A, %dma_wait3A_187] : memref<48x128xf32, #tpu.memory_space<vmem>> -> memref<48x128xf32, #tpu.memory_space<vmem>>
          %dma_wait3A_189 = arith.constant 0 : i32
          %dma_wait3A_190 = tpu.memref_slice %arg7[%add3A_164, %dma_wait3A_189] : memref<5008x128xf32, #tpu.memory_space<vmem_shared>> -> memref<48x128xf32, #tpu.memory_space<vmem_shared>>
          %dma_wait3A_191 = arith.constant 0 : i32
          %dma_wait3A_192 = tpu.memref_slice %arg7[%add3A_164, %dma_wait3A_191] : memref<5008x128xf32, #tpu.memory_space<vmem_shared>> -> memref<48x128xf32, #tpu.memory_space<vmem_shared>>
          %dma_wait3A_193 = arith.constant 0 : i32
          %dma_wait3A_194 = arith.constant 0 : i32
          %dma_wait3A_195 = tpu.memref_slice %run_scoped3A_7[%dma_wait3A_193, %dma_wait3A_194] : memref<48x128xf32, #tpu.memory_space<vmem>> -> memref<48x128xf32, #tpu.memory_space<vmem>>
          tpu.wait_dma2 semaphore(%run_scoped3A_177 : memref<!tpu.dma_semaphore, #tpu.memory_space<semaphore_mem>>) src(%dma_wait3A_195 : memref<48x128xf32, #tpu.memory_space<vmem>>) dst(%dma_wait3A_192 : memref<48x128xf32, #tpu.memory_space<vmem_shared>>)
          tpu.yield
        }) : () -> ()
        %add3A_165 = arith.constant 240 : i32
        %add3A_166 = arith.addi %mul3A_3, %add3A_165 : i32
        "tpu.region"() ({
          %run_scoped3A_177 = tpu.sem_alloc : memref<!tpu.dma_semaphore, #tpu.memory_space<semaphore_mem>>
          %dma_start3A = arith.constant 0 : i32
          %dma_start3A_178 = arith.constant 0 : i32
          %dma_start3A_179 = tpu.memref_slice %run_scoped3A_8[%dma_start3A, %dma_start3A_178] : memref<48x128xf32, #tpu.memory_space<vmem>> -> memref<48x128xf32, #tpu.memory_space<vmem>>
          %dma_start3A_180 = arith.constant 0 : i32
          %dma_start3A_181 = tpu.memref_slice %arg8[%add3A_166, %dma_start3A_180] : memref<5008x128xf32, #tpu.memory_space<vmem_shared>> -> memref<48x128xf32, #tpu.memory_space<vmem_shared>>
          %dma_start3A_182 = arith.constant 0 : i32
          %dma_start3A_183 = tpu.memref_slice %arg8[%add3A_166, %dma_start3A_182] : memref<5008x128xf32, #tpu.memory_space<vmem_shared>> -> memref<48x128xf32, #tpu.memory_space<vmem_shared>>
          %dma_start3A_184 = arith.constant 0 : i32
          %dma_start3A_185 = arith.constant 0 : i32
          %dma_start3A_186 = tpu.memref_slice %run_scoped3A_8[%dma_start3A_184, %dma_start3A_185] : memref<48x128xf32, #tpu.memory_space<vmem>> -> memref<48x128xf32, #tpu.memory_space<vmem>>
          tpu.enqueue_dma source(%dma_start3A_186 : memref<48x128xf32, #tpu.memory_space<vmem>>) target(%dma_start3A_183 : memref<48x128xf32, #tpu.memory_space<vmem_shared>>) target_semaphore(%run_scoped3A_177 : memref<!tpu.dma_semaphore, #tpu.memory_space<semaphore_mem>>)
          %dma_wait3A = arith.constant 0 : i32
          %dma_wait3A_187 = arith.constant 0 : i32
          %dma_wait3A_188 = tpu.memref_slice %run_scoped3A_8[%dma_wait3A, %dma_wait3A_187] : memref<48x128xf32, #tpu.memory_space<vmem>> -> memref<48x128xf32, #tpu.memory_space<vmem>>
          %dma_wait3A_189 = arith.constant 0 : i32
          %dma_wait3A_190 = tpu.memref_slice %arg8[%add3A_166, %dma_wait3A_189] : memref<5008x128xf32, #tpu.memory_space<vmem_shared>> -> memref<48x128xf32, #tpu.memory_space<vmem_shared>>
          %dma_wait3A_191 = arith.constant 0 : i32
          %dma_wait3A_192 = tpu.memref_slice %arg8[%add3A_166, %dma_wait3A_191] : memref<5008x128xf32, #tpu.memory_space<vmem_shared>> -> memref<48x128xf32, #tpu.memory_space<vmem_shared>>
          %dma_wait3A_193 = arith.constant 0 : i32
          %dma_wait3A_194 = arith.constant 0 : i32
          %dma_wait3A_195 = tpu.memref_slice %run_scoped3A_8[%dma_wait3A_193, %dma_wait3A_194] : memref<48x128xf32, #tpu.memory_space<vmem>> -> memref<48x128xf32, #tpu.memory_space<vmem>>
          tpu.wait_dma2 semaphore(%run_scoped3A_177 : memref<!tpu.dma_semaphore, #tpu.memory_space<semaphore_mem>>) src(%dma_wait3A_195 : memref<48x128xf32, #tpu.memory_space<vmem>>) dst(%dma_wait3A_192 : memref<48x128xf32, #tpu.memory_space<vmem_shared>>)
          tpu.yield
        }) : () -> ()
        %add3A_167 = arith.addi %mul3A_0, %mul3A_3 : i32
        %add3A_168 = arith.constant 288 : i32
        %add3A_169 = arith.addi %add3A_167, %add3A_168 : i32
        "tpu.region"() ({
          %run_scoped3A_177 = tpu.sem_alloc : memref<!tpu.dma_semaphore, #tpu.memory_space<semaphore_mem>>
          %dma_start3A = arith.constant 0 : i32
          %dma_start3A_178 = arith.constant 0 : i32
          %dma_start3A_179 = tpu.memref_slice %run_scoped3A_7[%dma_start3A, %dma_start3A_178] : memref<48x128xf32, #tpu.memory_space<vmem>> -> memref<25x128xf32, #tpu.memory_space<vmem>>
          %dma_start3A_180 = arith.constant 0 : i32
          %dma_start3A_181 = tpu.memref_slice %arg3[%add3A_169, %dma_start3A_180] : memref<10000x128xf32, #tpu.memory_space<hbm>> -> memref<25x128xf32, #tpu.memory_space<hbm>>
          %dma_start3A_182 = arith.constant 0 : i32
          %dma_start3A_183 = arith.constant 0 : i32
          %dma_start3A_184 = tpu.memref_slice %run_scoped3A_7[%dma_start3A_182, %dma_start3A_183] : memref<48x128xf32, #tpu.memory_space<vmem>> -> memref<25x128xf32, #tpu.memory_space<vmem>>
          %dma_start3A_185 = arith.constant 0 : i32
          %dma_start3A_186 = tpu.memref_slice %arg3[%add3A_169, %dma_start3A_185] : memref<10000x128xf32, #tpu.memory_space<hbm>> -> memref<25x128xf32, #tpu.memory_space<hbm>>
          tpu.enqueue_dma source(%dma_start3A_186 : memref<25x128xf32, #tpu.memory_space<hbm>>) target(%dma_start3A_184 : memref<25x128xf32, #tpu.memory_space<vmem>>) target_semaphore(%run_scoped3A_177 : memref<!tpu.dma_semaphore, #tpu.memory_space<semaphore_mem>>)
          %dma_wait3A = arith.constant 0 : i32
          %dma_wait3A_187 = arith.constant 0 : i32
          %dma_wait3A_188 = tpu.memref_slice %run_scoped3A_7[%dma_wait3A, %dma_wait3A_187] : memref<48x128xf32, #tpu.memory_space<vmem>> -> memref<25x128xf32, #tpu.memory_space<vmem>>
          %dma_wait3A_189 = arith.constant 0 : i32
          %dma_wait3A_190 = tpu.memref_slice %arg3[%add3A_169, %dma_wait3A_189] : memref<10000x128xf32, #tpu.memory_space<hbm>> -> memref<25x128xf32, #tpu.memory_space<hbm>>
          %dma_wait3A_191 = arith.constant 0 : i32
          %dma_wait3A_192 = arith.constant 0 : i32
          %dma_wait3A_193 = tpu.memref_slice %run_scoped3A_7[%dma_wait3A_191, %dma_wait3A_192] : memref<48x128xf32, #tpu.memory_space<vmem>> -> memref<25x128xf32, #tpu.memory_space<vmem>>
          %dma_wait3A_194 = arith.constant 0 : i32
          %dma_wait3A_195 = tpu.memref_slice %arg3[%add3A_169, %dma_wait3A_194] : memref<10000x128xf32, #tpu.memory_space<hbm>> -> memref<25x128xf32, #tpu.memory_space<hbm>>
          tpu.wait_dma2 semaphore(%run_scoped3A_177 : memref<!tpu.dma_semaphore, #tpu.memory_space<semaphore_mem>>) src(%dma_wait3A_195 : memref<25x128xf32, #tpu.memory_space<hbm>>) dst(%dma_wait3A_193 : memref<25x128xf32, #tpu.memory_space<vmem>>)
          tpu.yield
        }) : () -> ()
        %add3A_170 = arith.addi %mul3A_0, %mul3A_3 : i32
        %add3A_171 = arith.constant 288 : i32
        %add3A_172 = arith.addi %add3A_170, %add3A_171 : i32
        "tpu.region"() ({
          %run_scoped3A_177 = tpu.sem_alloc : memref<!tpu.dma_semaphore, #tpu.memory_space<semaphore_mem>>
          %dma_start3A = arith.constant 0 : i32
          %dma_start3A_178 = arith.constant 0 : i32
          %dma_start3A_179 = tpu.memref_slice %run_scoped3A_8[%dma_start3A, %dma_start3A_178] : memref<48x128xf32, #tpu.memory_space<vmem>> -> memref<25x128xf32, #tpu.memory_space<vmem>>
          %dma_start3A_180 = arith.constant 0 : i32
          %dma_start3A_181 = tpu.memref_slice %arg4[%add3A_172, %dma_start3A_180] : memref<10000x128xf32, #tpu.memory_space<hbm>> -> memref<25x128xf32, #tpu.memory_space<hbm>>
          %dma_start3A_182 = arith.constant 0 : i32
          %dma_start3A_183 = arith.constant 0 : i32
          %dma_start3A_184 = tpu.memref_slice %run_scoped3A_8[%dma_start3A_182, %dma_start3A_183] : memref<48x128xf32, #tpu.memory_space<vmem>> -> memref<25x128xf32, #tpu.memory_space<vmem>>
          %dma_start3A_185 = arith.constant 0 : i32
          %dma_start3A_186 = tpu.memref_slice %arg4[%add3A_172, %dma_start3A_185] : memref<10000x128xf32, #tpu.memory_space<hbm>> -> memref<25x128xf32, #tpu.memory_space<hbm>>
          tpu.enqueue_dma source(%dma_start3A_186 : memref<25x128xf32, #tpu.memory_space<hbm>>) target(%dma_start3A_184 : memref<25x128xf32, #tpu.memory_space<vmem>>) target_semaphore(%run_scoped3A_177 : memref<!tpu.dma_semaphore, #tpu.memory_space<semaphore_mem>>)
          %dma_wait3A = arith.constant 0 : i32
          %dma_wait3A_187 = arith.constant 0 : i32
          %dma_wait3A_188 = tpu.memref_slice %run_scoped3A_8[%dma_wait3A, %dma_wait3A_187] : memref<48x128xf32, #tpu.memory_space<vmem>> -> memref<25x128xf32, #tpu.memory_space<vmem>>
          %dma_wait3A_189 = arith.constant 0 : i32
          %dma_wait3A_190 = tpu.memref_slice %arg4[%add3A_172, %dma_wait3A_189] : memref<10000x128xf32, #tpu.memory_space<hbm>> -> memref<25x128xf32, #tpu.memory_space<hbm>>
          %dma_wait3A_191 = arith.constant 0 : i32
          %dma_wait3A_192 = arith.constant 0 : i32
          %dma_wait3A_193 = tpu.memref_slice %run_scoped3A_8[%dma_wait3A_191, %dma_wait3A_192] : memref<48x128xf32, #tpu.memory_space<vmem>> -> memref<25x128xf32, #tpu.memory_space<vmem>>
          %dma_wait3A_194 = arith.constant 0 : i32
          %dma_wait3A_195 = tpu.memref_slice %arg4[%add3A_172, %dma_wait3A_194] : memref<10000x128xf32, #tpu.memory_space<hbm>> -> memref<25x128xf32, #tpu.memory_space<hbm>>
          tpu.wait_dma2 semaphore(%run_scoped3A_177 : memref<!tpu.dma_semaphore, #tpu.memory_space<semaphore_mem>>) src(%dma_wait3A_195 : memref<25x128xf32, #tpu.memory_space<hbm>>) dst(%dma_wait3A_193 : memref<25x128xf32, #tpu.memory_space<vmem>>)
          tpu.yield
        }) : () -> ()
        %add3A_173 = arith.constant 288 : i32
        %add3A_174 = arith.addi %mul3A_3, %add3A_173 : i32
        "tpu.region"() ({
          %run_scoped3A_177 = tpu.sem_alloc : memref<!tpu.dma_semaphore, #tpu.memory_space<semaphore_mem>>
          %dma_start3A = arith.constant 0 : i32
          %dma_start3A_178 = arith.constant 0 : i32
          %dma_start3A_179 = tpu.memref_slice %run_scoped3A_7[%dma_start3A, %dma_start3A_178] : memref<48x128xf32, #tpu.memory_space<vmem>> -> memref<25x128xf32, #tpu.memory_space<vmem>>
          %dma_start3A_180 = arith.constant 0 : i32
          %dma_start3A_181 = tpu.memref_slice %arg7[%add3A_174, %dma_start3A_180] : memref<5008x128xf32, #tpu.memory_space<vmem_shared>> -> memref<25x128xf32, #tpu.memory_space<vmem_shared>>
          %dma_start3A_182 = arith.constant 0 : i32
          %dma_start3A_183 = tpu.memref_slice %arg7[%add3A_174, %dma_start3A_182] : memref<5008x128xf32, #tpu.memory_space<vmem_shared>> -> memref<25x128xf32, #tpu.memory_space<vmem_shared>>
          %dma_start3A_184 = arith.constant 0 : i32
          %dma_start3A_185 = arith.constant 0 : i32
          %dma_start3A_186 = tpu.memref_slice %run_scoped3A_7[%dma_start3A_184, %dma_start3A_185] : memref<48x128xf32, #tpu.memory_space<vmem>> -> memref<25x128xf32, #tpu.memory_space<vmem>>
          tpu.enqueue_dma source(%dma_start3A_186 : memref<25x128xf32, #tpu.memory_space<vmem>>) target(%dma_start3A_183 : memref<25x128xf32, #tpu.memory_space<vmem_shared>>) target_semaphore(%run_scoped3A_177 : memref<!tpu.dma_semaphore, #tpu.memory_space<semaphore_mem>>)
          %dma_wait3A = arith.constant 0 : i32
          %dma_wait3A_187 = arith.constant 0 : i32
          %dma_wait3A_188 = tpu.memref_slice %run_scoped3A_7[%dma_wait3A, %dma_wait3A_187] : memref<48x128xf32, #tpu.memory_space<vmem>> -> memref<25x128xf32, #tpu.memory_space<vmem>>
          %dma_wait3A_189 = arith.constant 0 : i32
          %dma_wait3A_190 = tpu.memref_slice %arg7[%add3A_174, %dma_wait3A_189] : memref<5008x128xf32, #tpu.memory_space<vmem_shared>> -> memref<25x128xf32, #tpu.memory_space<vmem_shared>>
          %dma_wait3A_191 = arith.constant 0 : i32
          %dma_wait3A_192 = tpu.memref_slice %arg7[%add3A_174, %dma_wait3A_191] : memref<5008x128xf32, #tpu.memory_space<vmem_shared>> -> memref<25x128xf32, #tpu.memory_space<vmem_shared>>
          %dma_wait3A_193 = arith.constant 0 : i32
          %dma_wait3A_194 = arith.constant 0 : i32
          %dma_wait3A_195 = tpu.memref_slice %run_scoped3A_7[%dma_wait3A_193, %dma_wait3A_194] : memref<48x128xf32, #tpu.memory_space<vmem>> -> memref<25x128xf32, #tpu.memory_space<vmem>>
          tpu.wait_dma2 semaphore(%run_scoped3A_177 : memref<!tpu.dma_semaphore, #tpu.memory_space<semaphore_mem>>) src(%dma_wait3A_195 : memref<25x128xf32, #tpu.memory_space<vmem>>) dst(%dma_wait3A_192 : memref<25x128xf32, #tpu.memory_space<vmem_shared>>)
          tpu.yield
        }) : () -> ()
        %add3A_175 = arith.constant 288 : i32
        %add3A_176 = arith.addi %mul3A_3, %add3A_175 : i32
        "tpu.region"() ({
          %run_scoped3A_177 = tpu.sem_alloc : memref<!tpu.dma_semaphore, #tpu.memory_space<semaphore_mem>>
          %dma_start3A = arith.constant 0 : i32
          %dma_start3A_178 = arith.constant 0 : i32
          %dma_start3A_179 = tpu.memref_slice %run_scoped3A_8[%dma_start3A, %dma_start3A_178] : memref<48x128xf32, #tpu.memory_space<vmem>> -> memref<25x128xf32, #tpu.memory_space<vmem>>
          %dma_start3A_180 = arith.constant 0 : i32
          %dma_start3A_181 = tpu.memref_slice %arg8[%add3A_176, %dma_start3A_180] : memref<5008x128xf32, #tpu.memory_space<vmem_shared>> -> memref<25x128xf32, #tpu.memory_space<vmem_shared>>
          %dma_start3A_182 = arith.constant 0 : i32
          %dma_start3A_183 = tpu.memref_slice %arg8[%add3A_176, %dma_start3A_182] : memref<5008x128xf32, #tpu.memory_space<vmem_shared>> -> memref<25x128xf32, #tpu.memory_space<vmem_shared>>
          %dma_start3A_184 = arith.constant 0 : i32
          %dma_start3A_185 = arith.constant 0 : i32
          %dma_start3A_186 = tpu.memref_slice %run_scoped3A_8[%dma_start3A_184, %dma_start3A_185] : memref<48x128xf32, #tpu.memory_space<vmem>> -> memref<25x128xf32, #tpu.memory_space<vmem>>
          tpu.enqueue_dma source(%dma_start3A_186 : memref<25x128xf32, #tpu.memory_space<vmem>>) target(%dma_start3A_183 : memref<25x128xf32, #tpu.memory_space<vmem_shared>>) target_semaphore(%run_scoped3A_177 : memref<!tpu.dma_semaphore, #tpu.memory_space<semaphore_mem>>)
          %dma_wait3A = arith.constant 0 : i32
          %dma_wait3A_187 = arith.constant 0 : i32
          %dma_wait3A_188 = tpu.memref_slice %run_scoped3A_8[%dma_wait3A, %dma_wait3A_187] : memref<48x128xf32, #tpu.memory_space<vmem>> -> memref<25x128xf32, #tpu.memory_space<vmem>>
          %dma_wait3A_189 = arith.constant 0 : i32
          %dma_wait3A_190 = tpu.memref_slice %arg8[%add3A_176, %dma_wait3A_189] : memref<5008x128xf32, #tpu.memory_space<vmem_shared>> -> memref<25x128xf32, #tpu.memory_space<vmem_shared>>
          %dma_wait3A_191 = arith.constant 0 : i32
          %dma_wait3A_192 = tpu.memref_slice %arg8[%add3A_176, %dma_wait3A_191] : memref<5008x128xf32, #tpu.memory_space<vmem_shared>> -> memref<25x128xf32, #tpu.memory_space<vmem_shared>>
          %dma_wait3A_193 = arith.constant 0 : i32
          %dma_wait3A_194 = arith.constant 0 : i32
          %dma_wait3A_195 = tpu.memref_slice %run_scoped3A_8[%dma_wait3A_193, %dma_wait3A_194] : memref<48x128xf32, #tpu.memory_space<vmem>> -> memref<25x128xf32, #tpu.memory_space<vmem>>
          tpu.wait_dma2 semaphore(%run_scoped3A_177 : memref<!tpu.dma_semaphore, #tpu.memory_space<semaphore_mem>>) src(%dma_wait3A_195 : memref<25x128xf32, #tpu.memory_space<vmem>>) dst(%dma_wait3A_192 : memref<25x128xf32, #tpu.memory_space<vmem_shared>>)
          tpu.yield
        }) : () -> ()
      } else {
      }
      %eq3A = arith.constant 15 : i32
      %eq3A_13 = arith.cmpi eq, %arg1, %eq3A : i32
      %convert_element_type3A_14 = arith.extui %eq3A_13 : i1 to i32
      %cond3A_15 = arith.constant 0 : i32
      %cond3A_16 = arith.cmpi ne, %convert_element_type3A_14, %cond3A_15 : i32
      scf.if %cond3A_16 {
        %add3A_107 = arith.addi %mul3A_0, %mul3A_3 : i32
        %add3A_108 = arith.constant 0 : i32
        %add3A_109 = arith.addi %add3A_107, %add3A_108 : i32
        "tpu.region"() ({
          %run_scoped3A_177 = tpu.sem_alloc : memref<!tpu.dma_semaphore, #tpu.memory_space<semaphore_mem>>
          %dma_start3A = arith.constant 0 : i32
          %dma_start3A_178 = arith.constant 0 : i32
          %dma_start3A_179 = tpu.memref_slice %run_scoped3A_7[%dma_start3A, %dma_start3A_178] : memref<48x128xf32, #tpu.memory_space<vmem>> -> memref<48x128xf32, #tpu.memory_space<vmem>>
          %dma_start3A_180 = arith.constant 0 : i32
          %dma_start3A_181 = tpu.memref_slice %arg3[%add3A_109, %dma_start3A_180] : memref<10000x128xf32, #tpu.memory_space<hbm>> -> memref<48x128xf32, #tpu.memory_space<hbm>>
          %dma_start3A_182 = arith.constant 0 : i32
          %dma_start3A_183 = arith.constant 0 : i32
          %dma_start3A_184 = tpu.memref_slice %run_scoped3A_7[%dma_start3A_182, %dma_start3A_183] : memref<48x128xf32, #tpu.memory_space<vmem>> -> memref<48x128xf32, #tpu.memory_space<vmem>>
          %dma_start3A_185 = arith.constant 0 : i32
          %dma_start3A_186 = tpu.memref_slice %arg3[%add3A_109, %dma_start3A_185] : memref<10000x128xf32, #tpu.memory_space<hbm>> -> memref<48x128xf32, #tpu.memory_space<hbm>>
          tpu.enqueue_dma source(%dma_start3A_186 : memref<48x128xf32, #tpu.memory_space<hbm>>) target(%dma_start3A_184 : memref<48x128xf32, #tpu.memory_space<vmem>>) target_semaphore(%run_scoped3A_177 : memref<!tpu.dma_semaphore, #tpu.memory_space<semaphore_mem>>)
          %dma_wait3A = arith.constant 0 : i32
          %dma_wait3A_187 = arith.constant 0 : i32
          %dma_wait3A_188 = tpu.memref_slice %run_scoped3A_7[%dma_wait3A, %dma_wait3A_187] : memref<48x128xf32, #tpu.memory_space<vmem>> -> memref<48x128xf32, #tpu.memory_space<vmem>>
          %dma_wait3A_189 = arith.constant 0 : i32
          %dma_wait3A_190 = tpu.memref_slice %arg3[%add3A_109, %dma_wait3A_189] : memref<10000x128xf32, #tpu.memory_space<hbm>> -> memref<48x128xf32, #tpu.memory_space<hbm>>
          %dma_wait3A_191 = arith.constant 0 : i32
          %dma_wait3A_192 = arith.constant 0 : i32
          %dma_wait3A_193 = tpu.memref_slice %run_scoped3A_7[%dma_wait3A_191, %dma_wait3A_192] : memref<48x128xf32, #tpu.memory_space<vmem>> -> memref<48x128xf32, #tpu.memory_space<vmem>>
          %dma_wait3A_194 = arith.constant 0 : i32
          %dma_wait3A_195 = tpu.memref_slice %arg3[%add3A_109, %dma_wait3A_194] : memref<10000x128xf32, #tpu.memory_space<hbm>> -> memref<48x128xf32, #tpu.memory_space<hbm>>
          tpu.wait_dma2 semaphore(%run_scoped3A_177 : memref<!tpu.dma_semaphore, #tpu.memory_space<semaphore_mem>>) src(%dma_wait3A_195 : memref<48x128xf32, #tpu.memory_space<hbm>>) dst(%dma_wait3A_193 : memref<48x128xf32, #tpu.memory_space<vmem>>)
          tpu.yield
        }) : () -> ()
        %add3A_110 = arith.addi %mul3A_0, %mul3A_3 : i32
        %add3A_111 = arith.constant 0 : i32
        %add3A_112 = arith.addi %add3A_110, %add3A_111 : i32
        "tpu.region"() ({
          %run_scoped3A_177 = tpu.sem_alloc : memref<!tpu.dma_semaphore, #tpu.memory_space<semaphore_mem>>
          %dma_start3A = arith.constant 0 : i32
          %dma_start3A_178 = arith.constant 0 : i32
          %dma_start3A_179 = tpu.memref_slice %run_scoped3A_8[%dma_start3A, %dma_start3A_178] : memref<48x128xf32, #tpu.memory_space<vmem>> -> memref<48x128xf32, #tpu.memory_space<vmem>>
          %dma_start3A_180 = arith.constant 0 : i32
          %dma_start3A_181 = tpu.memref_slice %arg4[%add3A_112, %dma_start3A_180] : memref<10000x128xf32, #tpu.memory_space<hbm>> -> memref<48x128xf32, #tpu.memory_space<hbm>>
          %dma_start3A_182 = arith.constant 0 : i32
          %dma_start3A_183 = arith.constant 0 : i32
          %dma_start3A_184 = tpu.memref_slice %run_scoped3A_8[%dma_start3A_182, %dma_start3A_183] : memref<48x128xf32, #tpu.memory_space<vmem>> -> memref<48x128xf32, #tpu.memory_space<vmem>>
          %dma_start3A_185 = arith.constant 0 : i32
          %dma_start3A_186 = tpu.memref_slice %arg4[%add3A_112, %dma_start3A_185] : memref<10000x128xf32, #tpu.memory_space<hbm>> -> memref<48x128xf32, #tpu.memory_space<hbm>>
          tpu.enqueue_dma source(%dma_start3A_186 : memref<48x128xf32, #tpu.memory_space<hbm>>) target(%dma_start3A_184 : memref<48x128xf32, #tpu.memory_space<vmem>>) target_semaphore(%run_scoped3A_177 : memref<!tpu.dma_semaphore, #tpu.memory_space<semaphore_mem>>)
          %dma_wait3A = arith.constant 0 : i32
          %dma_wait3A_187 = arith.constant 0 : i32
          %dma_wait3A_188 = tpu.memref_slice %run_scoped3A_8[%dma_wait3A, %dma_wait3A_187] : memref<48x128xf32, #tpu.memory_space<vmem>> -> memref<48x128xf32, #tpu.memory_space<vmem>>
          %dma_wait3A_189 = arith.constant 0 : i32
          %dma_wait3A_190 = tpu.memref_slice %arg4[%add3A_112, %dma_wait3A_189] : memref<10000x128xf32, #tpu.memory_space<hbm>> -> memref<48x128xf32, #tpu.memory_space<hbm>>
          %dma_wait3A_191 = arith.constant 0 : i32
          %dma_wait3A_192 = arith.constant 0 : i32
          %dma_wait3A_193 = tpu.memref_slice %run_scoped3A_8[%dma_wait3A_191, %dma_wait3A_192] : memref<48x128xf32, #tpu.memory_space<vmem>> -> memref<48x128xf32, #tpu.memory_space<vmem>>
          %dma_wait3A_194 = arith.constant 0 : i32
          %dma_wait3A_195 = tpu.memref_slice %arg4[%add3A_112, %dma_wait3A_194] : memref<10000x128xf32, #tpu.memory_space<hbm>> -> memref<48x128xf32, #tpu.memory_space<hbm>>
          tpu.wait_dma2 semaphore(%run_scoped3A_177 : memref<!tpu.dma_semaphore, #tpu.memory_space<semaphore_mem>>) src(%dma_wait3A_195 : memref<48x128xf32, #tpu.memory_space<hbm>>) dst(%dma_wait3A_193 : memref<48x128xf32, #tpu.memory_space<vmem>>)
          tpu.yield
        }) : () -> ()
        %add3A_113 = arith.constant 0 : i32
        %add3A_114 = arith.addi %mul3A_3, %add3A_113 : i32
        "tpu.region"() ({
          %run_scoped3A_177 = tpu.sem_alloc : memref<!tpu.dma_semaphore, #tpu.memory_space<semaphore_mem>>
          %dma_start3A = arith.constant 0 : i32
          %dma_start3A_178 = arith.constant 0 : i32
          %dma_start3A_179 = tpu.memref_slice %run_scoped3A_7[%dma_start3A, %dma_start3A_178] : memref<48x128xf32, #tpu.memory_space<vmem>> -> memref<48x128xf32, #tpu.memory_space<vmem>>
          %dma_start3A_180 = arith.constant 0 : i32
          %dma_start3A_181 = tpu.memref_slice %arg7[%add3A_114, %dma_start3A_180] : memref<5008x128xf32, #tpu.memory_space<vmem_shared>> -> memref<48x128xf32, #tpu.memory_space<vmem_shared>>
          %dma_start3A_182 = arith.constant 0 : i32
          %dma_start3A_183 = tpu.memref_slice %arg7[%add3A_114, %dma_start3A_182] : memref<5008x128xf32, #tpu.memory_space<vmem_shared>> -> memref<48x128xf32, #tpu.memory_space<vmem_shared>>
          %dma_start3A_184 = arith.constant 0 : i32
          %dma_start3A_185 = arith.constant 0 : i32
          %dma_start3A_186 = tpu.memref_slice %run_scoped3A_7[%dma_start3A_184, %dma_start3A_185] : memref<48x128xf32, #tpu.memory_space<vmem>> -> memref<48x128xf32, #tpu.memory_space<vmem>>
          tpu.enqueue_dma source(%dma_start3A_186 : memref<48x128xf32, #tpu.memory_space<vmem>>) target(%dma_start3A_183 : memref<48x128xf32, #tpu.memory_space<vmem_shared>>) target_semaphore(%run_scoped3A_177 : memref<!tpu.dma_semaphore, #tpu.memory_space<semaphore_mem>>)
          %dma_wait3A = arith.constant 0 : i32
          %dma_wait3A_187 = arith.constant 0 : i32
          %dma_wait3A_188 = tpu.memref_slice %run_scoped3A_7[%dma_wait3A, %dma_wait3A_187] : memref<48x128xf32, #tpu.memory_space<vmem>> -> memref<48x128xf32, #tpu.memory_space<vmem>>
          %dma_wait3A_189 = arith.constant 0 : i32
          %dma_wait3A_190 = tpu.memref_slice %arg7[%add3A_114, %dma_wait3A_189] : memref<5008x128xf32, #tpu.memory_space<vmem_shared>> -> memref<48x128xf32, #tpu.memory_space<vmem_shared>>
          %dma_wait3A_191 = arith.constant 0 : i32
          %dma_wait3A_192 = tpu.memref_slice %arg7[%add3A_114, %dma_wait3A_191] : memref<5008x128xf32, #tpu.memory_space<vmem_shared>> -> memref<48x128xf32, #tpu.memory_space<vmem_shared>>
          %dma_wait3A_193 = arith.constant 0 : i32
          %dma_wait3A_194 = arith.constant 0 : i32
          %dma_wait3A_195 = tpu.memref_slice %run_scoped3A_7[%dma_wait3A_193, %dma_wait3A_194] : memref<48x128xf32, #tpu.memory_space<vmem>> -> memref<48x128xf32, #tpu.memory_space<vmem>>
          tpu.wait_dma2 semaphore(%run_scoped3A_177 : memref<!tpu.dma_semaphore, #tpu.memory_space<semaphore_mem>>) src(%dma_wait3A_195 : memref<48x128xf32, #tpu.memory_space<vmem>>) dst(%dma_wait3A_192 : memref<48x128xf32, #tpu.memory_space<vmem_shared>>)
          tpu.yield
        }) : () -> ()
        %add3A_115 = arith.constant 0 : i32
        %add3A_116 = arith.addi %mul3A_3, %add3A_115 : i32
        "tpu.region"() ({
          %run_scoped3A_177 = tpu.sem_alloc : memref<!tpu.dma_semaphore, #tpu.memory_space<semaphore_mem>>
          %dma_start3A = arith.constant 0 : i32
          %dma_start3A_178 = arith.constant 0 : i32
          %dma_start3A_179 = tpu.memref_slice %run_scoped3A_8[%dma_start3A, %dma_start3A_178] : memref<48x128xf32, #tpu.memory_space<vmem>> -> memref<48x128xf32, #tpu.memory_space<vmem>>
          %dma_start3A_180 = arith.constant 0 : i32
          %dma_start3A_181 = tpu.memref_slice %arg8[%add3A_116, %dma_start3A_180] : memref<5008x128xf32, #tpu.memory_space<vmem_shared>> -> memref<48x128xf32, #tpu.memory_space<vmem_shared>>
          %dma_start3A_182 = arith.constant 0 : i32
          %dma_start3A_183 = tpu.memref_slice %arg8[%add3A_116, %dma_start3A_182] : memref<5008x128xf32, #tpu.memory_space<vmem_shared>> -> memref<48x128xf32, #tpu.memory_space<vmem_shared>>
          %dma_start3A_184 = arith.constant 0 : i32
          %dma_start3A_185 = arith.constant 0 : i32
          %dma_start3A_186 = tpu.memref_slice %run_scoped3A_8[%dma_start3A_184, %dma_start3A_185] : memref<48x128xf32, #tpu.memory_space<vmem>> -> memref<48x128xf32, #tpu.memory_space<vmem>>
          tpu.enqueue_dma source(%dma_start3A_186 : memref<48x128xf32, #tpu.memory_space<vmem>>) target(%dma_start3A_183 : memref<48x128xf32, #tpu.memory_space<vmem_shared>>) target_semaphore(%run_scoped3A_177 : memref<!tpu.dma_semaphore, #tpu.memory_space<semaphore_mem>>)
          %dma_wait3A = arith.constant 0 : i32
          %dma_wait3A_187 = arith.constant 0 : i32
          %dma_wait3A_188 = tpu.memref_slice %run_scoped3A_8[%dma_wait3A, %dma_wait3A_187] : memref<48x128xf32, #tpu.memory_space<vmem>> -> memref<48x128xf32, #tpu.memory_space<vmem>>
          %dma_wait3A_189 = arith.constant 0 : i32
          %dma_wait3A_190 = tpu.memref_slice %arg8[%add3A_116, %dma_wait3A_189] : memref<5008x128xf32, #tpu.memory_space<vmem_shared>> -> memref<48x128xf32, #tpu.memory_space<vmem_shared>>
          %dma_wait3A_191 = arith.constant 0 : i32
          %dma_wait3A_192 = tpu.memref_slice %arg8[%add3A_116, %dma_wait3A_191] : memref<5008x128xf32, #tpu.memory_space<vmem_shared>> -> memref<48x128xf32, #tpu.memory_space<vmem_shared>>
          %dma_wait3A_193 = arith.constant 0 : i32
          %dma_wait3A_194 = arith.constant 0 : i32
          %dma_wait3A_195 = tpu.memref_slice %run_scoped3A_8[%dma_wait3A_193, %dma_wait3A_194] : memref<48x128xf32, #tpu.memory_space<vmem>> -> memref<48x128xf32, #tpu.memory_space<vmem>>
          tpu.wait_dma2 semaphore(%run_scoped3A_177 : memref<!tpu.dma_semaphore, #tpu.memory_space<semaphore_mem>>) src(%dma_wait3A_195 : memref<48x128xf32, #tpu.memory_space<vmem>>) dst(%dma_wait3A_192 : memref<48x128xf32, #tpu.memory_space<vmem_shared>>)
          tpu.yield
        }) : () -> ()
        %add3A_117 = arith.addi %mul3A_0, %mul3A_3 : i32
        %add3A_118 = arith.constant 48 : i32
        %add3A_119 = arith.addi %add3A_117, %add3A_118 : i32
        "tpu.region"() ({
          %run_scoped3A_177 = tpu.sem_alloc : memref<!tpu.dma_semaphore, #tpu.memory_space<semaphore_mem>>
          %dma_start3A = arith.constant 0 : i32
          %dma_start3A_178 = arith.constant 0 : i32
          %dma_start3A_179 = tpu.memref_slice %run_scoped3A_7[%dma_start3A, %dma_start3A_178] : memref<48x128xf32, #tpu.memory_space<vmem>> -> memref<48x128xf32, #tpu.memory_space<vmem>>
          %dma_start3A_180 = arith.constant 0 : i32
          %dma_start3A_181 = tpu.memref_slice %arg3[%add3A_119, %dma_start3A_180] : memref<10000x128xf32, #tpu.memory_space<hbm>> -> memref<48x128xf32, #tpu.memory_space<hbm>>
          %dma_start3A_182 = arith.constant 0 : i32
          %dma_start3A_183 = arith.constant 0 : i32
          %dma_start3A_184 = tpu.memref_slice %run_scoped3A_7[%dma_start3A_182, %dma_start3A_183] : memref<48x128xf32, #tpu.memory_space<vmem>> -> memref<48x128xf32, #tpu.memory_space<vmem>>
          %dma_start3A_185 = arith.constant 0 : i32
          %dma_start3A_186 = tpu.memref_slice %arg3[%add3A_119, %dma_start3A_185] : memref<10000x128xf32, #tpu.memory_space<hbm>> -> memref<48x128xf32, #tpu.memory_space<hbm>>
          tpu.enqueue_dma source(%dma_start3A_186 : memref<48x128xf32, #tpu.memory_space<hbm>>) target(%dma_start3A_184 : memref<48x128xf32, #tpu.memory_space<vmem>>) target_semaphore(%run_scoped3A_177 : memref<!tpu.dma_semaphore, #tpu.memory_space<semaphore_mem>>)
          %dma_wait3A = arith.constant 0 : i32
          %dma_wait3A_187 = arith.constant 0 : i32
          %dma_wait3A_188 = tpu.memref_slice %run_scoped3A_7[%dma_wait3A, %dma_wait3A_187] : memref<48x128xf32, #tpu.memory_space<vmem>> -> memref<48x128xf32, #tpu.memory_space<vmem>>
          %dma_wait3A_189 = arith.constant 0 : i32
          %dma_wait3A_190 = tpu.memref_slice %arg3[%add3A_119, %dma_wait3A_189] : memref<10000x128xf32, #tpu.memory_space<hbm>> -> memref<48x128xf32, #tpu.memory_space<hbm>>
          %dma_wait3A_191 = arith.constant 0 : i32
          %dma_wait3A_192 = arith.constant 0 : i32
          %dma_wait3A_193 = tpu.memref_slice %run_scoped3A_7[%dma_wait3A_191, %dma_wait3A_192] : memref<48x128xf32, #tpu.memory_space<vmem>> -> memref<48x128xf32, #tpu.memory_space<vmem>>
          %dma_wait3A_194 = arith.constant 0 : i32
          %dma_wait3A_195 = tpu.memref_slice %arg3[%add3A_119, %dma_wait3A_194] : memref<10000x128xf32, #tpu.memory_space<hbm>> -> memref<48x128xf32, #tpu.memory_space<hbm>>
          tpu.wait_dma2 semaphore(%run_scoped3A_177 : memref<!tpu.dma_semaphore, #tpu.memory_space<semaphore_mem>>) src(%dma_wait3A_195 : memref<48x128xf32, #tpu.memory_space<hbm>>) dst(%dma_wait3A_193 : memref<48x128xf32, #tpu.memory_space<vmem>>)
          tpu.yield
        }) : () -> ()
        %add3A_120 = arith.addi %mul3A_0, %mul3A_3 : i32
        %add3A_121 = arith.constant 48 : i32
        %add3A_122 = arith.addi %add3A_120, %add3A_121 : i32
        "tpu.region"() ({
          %run_scoped3A_177 = tpu.sem_alloc : memref<!tpu.dma_semaphore, #tpu.memory_space<semaphore_mem>>
          %dma_start3A = arith.constant 0 : i32
          %dma_start3A_178 = arith.constant 0 : i32
          %dma_start3A_179 = tpu.memref_slice %run_scoped3A_8[%dma_start3A, %dma_start3A_178] : memref<48x128xf32, #tpu.memory_space<vmem>> -> memref<48x128xf32, #tpu.memory_space<vmem>>
          %dma_start3A_180 = arith.constant 0 : i32
          %dma_start3A_181 = tpu.memref_slice %arg4[%add3A_122, %dma_start3A_180] : memref<10000x128xf32, #tpu.memory_space<hbm>> -> memref<48x128xf32, #tpu.memory_space<hbm>>
          %dma_start3A_182 = arith.constant 0 : i32
          %dma_start3A_183 = arith.constant 0 : i32
          %dma_start3A_184 = tpu.memref_slice %run_scoped3A_8[%dma_start3A_182, %dma_start3A_183] : memref<48x128xf32, #tpu.memory_space<vmem>> -> memref<48x128xf32, #tpu.memory_space<vmem>>
          %dma_start3A_185 = arith.constant 0 : i32
          %dma_start3A_186 = tpu.memref_slice %arg4[%add3A_122, %dma_start3A_185] : memref<10000x128xf32, #tpu.memory_space<hbm>> -> memref<48x128xf32, #tpu.memory_space<hbm>>
          tpu.enqueue_dma source(%dma_start3A_186 : memref<48x128xf32, #tpu.memory_space<hbm>>) target(%dma_start3A_184 : memref<48x128xf32, #tpu.memory_space<vmem>>) target_semaphore(%run_scoped3A_177 : memref<!tpu.dma_semaphore, #tpu.memory_space<semaphore_mem>>)
          %dma_wait3A = arith.constant 0 : i32
          %dma_wait3A_187 = arith.constant 0 : i32
          %dma_wait3A_188 = tpu.memref_slice %run_scoped3A_8[%dma_wait3A, %dma_wait3A_187] : memref<48x128xf32, #tpu.memory_space<vmem>> -> memref<48x128xf32, #tpu.memory_space<vmem>>
          %dma_wait3A_189 = arith.constant 0 : i32
          %dma_wait3A_190 = tpu.memref_slice %arg4[%add3A_122, %dma_wait3A_189] : memref<10000x128xf32, #tpu.memory_space<hbm>> -> memref<48x128xf32, #tpu.memory_space<hbm>>
          %dma_wait3A_191 = arith.constant 0 : i32
          %dma_wait3A_192 = arith.constant 0 : i32
          %dma_wait3A_193 = tpu.memref_slice %run_scoped3A_8[%dma_wait3A_191, %dma_wait3A_192] : memref<48x128xf32, #tpu.memory_space<vmem>> -> memref<48x128xf32, #tpu.memory_space<vmem>>
          %dma_wait3A_194 = arith.constant 0 : i32
          %dma_wait3A_195 = tpu.memref_slice %arg4[%add3A_122, %dma_wait3A_194] : memref<10000x128xf32, #tpu.memory_space<hbm>> -> memref<48x128xf32, #tpu.memory_space<hbm>>
          tpu.wait_dma2 semaphore(%run_scoped3A_177 : memref<!tpu.dma_semaphore, #tpu.memory_space<semaphore_mem>>) src(%dma_wait3A_195 : memref<48x128xf32, #tpu.memory_space<hbm>>) dst(%dma_wait3A_193 : memref<48x128xf32, #tpu.memory_space<vmem>>)
          tpu.yield
        }) : () -> ()
        %add3A_123 = arith.constant 48 : i32
        %add3A_124 = arith.addi %mul3A_3, %add3A_123 : i32
        "tpu.region"() ({
          %run_scoped3A_177 = tpu.sem_alloc : memref<!tpu.dma_semaphore, #tpu.memory_space<semaphore_mem>>
          %dma_start3A = arith.constant 0 : i32
          %dma_start3A_178 = arith.constant 0 : i32
          %dma_start3A_179 = tpu.memref_slice %run_scoped3A_7[%dma_start3A, %dma_start3A_178] : memref<48x128xf32, #tpu.memory_space<vmem>> -> memref<48x128xf32, #tpu.memory_space<vmem>>
          %dma_start3A_180 = arith.constant 0 : i32
          %dma_start3A_181 = tpu.memref_slice %arg7[%add3A_124, %dma_start3A_180] : memref<5008x128xf32, #tpu.memory_space<vmem_shared>> -> memref<48x128xf32, #tpu.memory_space<vmem_shared>>
          %dma_start3A_182 = arith.constant 0 : i32
          %dma_start3A_183 = tpu.memref_slice %arg7[%add3A_124, %dma_start3A_182] : memref<5008x128xf32, #tpu.memory_space<vmem_shared>> -> memref<48x128xf32, #tpu.memory_space<vmem_shared>>
          %dma_start3A_184 = arith.constant 0 : i32
          %dma_start3A_185 = arith.constant 0 : i32
          %dma_start3A_186 = tpu.memref_slice %run_scoped3A_7[%dma_start3A_184, %dma_start3A_185] : memref<48x128xf32, #tpu.memory_space<vmem>> -> memref<48x128xf32, #tpu.memory_space<vmem>>
          tpu.enqueue_dma source(%dma_start3A_186 : memref<48x128xf32, #tpu.memory_space<vmem>>) target(%dma_start3A_183 : memref<48x128xf32, #tpu.memory_space<vmem_shared>>) target_semaphore(%run_scoped3A_177 : memref<!tpu.dma_semaphore, #tpu.memory_space<semaphore_mem>>)
          %dma_wait3A = arith.constant 0 : i32
          %dma_wait3A_187 = arith.constant 0 : i32
          %dma_wait3A_188 = tpu.memref_slice %run_scoped3A_7[%dma_wait3A, %dma_wait3A_187] : memref<48x128xf32, #tpu.memory_space<vmem>> -> memref<48x128xf32, #tpu.memory_space<vmem>>
          %dma_wait3A_189 = arith.constant 0 : i32
          %dma_wait3A_190 = tpu.memref_slice %arg7[%add3A_124, %dma_wait3A_189] : memref<5008x128xf32, #tpu.memory_space<vmem_shared>> -> memref<48x128xf32, #tpu.memory_space<vmem_shared>>
          %dma_wait3A_191 = arith.constant 0 : i32
          %dma_wait3A_192 = tpu.memref_slice %arg7[%add3A_124, %dma_wait3A_191] : memref<5008x128xf32, #tpu.memory_space<vmem_shared>> -> memref<48x128xf32, #tpu.memory_space<vmem_shared>>
          %dma_wait3A_193 = arith.constant 0 : i32
          %dma_wait3A_194 = arith.constant 0 : i32
          %dma_wait3A_195 = tpu.memref_slice %run_scoped3A_7[%dma_wait3A_193, %dma_wait3A_194] : memref<48x128xf32, #tpu.memory_space<vmem>> -> memref<48x128xf32, #tpu.memory_space<vmem>>
          tpu.wait_dma2 semaphore(%run_scoped3A_177 : memref<!tpu.dma_semaphore, #tpu.memory_space<semaphore_mem>>) src(%dma_wait3A_195 : memref<48x128xf32, #tpu.memory_space<vmem>>) dst(%dma_wait3A_192 : memref<48x128xf32, #tpu.memory_space<vmem_shared>>)
          tpu.yield
        }) : () -> ()
        %add3A_125 = arith.constant 48 : i32
        %add3A_126 = arith.addi %mul3A_3, %add3A_125 : i32
        "tpu.region"() ({
          %run_scoped3A_177 = tpu.sem_alloc : memref<!tpu.dma_semaphore, #tpu.memory_space<semaphore_mem>>
          %dma_start3A = arith.constant 0 : i32
          %dma_start3A_178 = arith.constant 0 : i32
          %dma_start3A_179 = tpu.memref_slice %run_scoped3A_8[%dma_start3A, %dma_start3A_178] : memref<48x128xf32, #tpu.memory_space<vmem>> -> memref<48x128xf32, #tpu.memory_space<vmem>>
          %dma_start3A_180 = arith.constant 0 : i32
          %dma_start3A_181 = tpu.memref_slice %arg8[%add3A_126, %dma_start3A_180] : memref<5008x128xf32, #tpu.memory_space<vmem_shared>> -> memref<48x128xf32, #tpu.memory_space<vmem_shared>>
          %dma_start3A_182 = arith.constant 0 : i32
          %dma_start3A_183 = tpu.memref_slice %arg8[%add3A_126, %dma_start3A_182] : memref<5008x128xf32, #tpu.memory_space<vmem_shared>> -> memref<48x128xf32, #tpu.memory_space<vmem_shared>>
          %dma_start3A_184 = arith.constant 0 : i32
          %dma_start3A_185 = arith.constant 0 : i32
          %dma_start3A_186 = tpu.memref_slice %run_scoped3A_8[%dma_start3A_184, %dma_start3A_185] : memref<48x128xf32, #tpu.memory_space<vmem>> -> memref<48x128xf32, #tpu.memory_space<vmem>>
          tpu.enqueue_dma source(%dma_start3A_186 : memref<48x128xf32, #tpu.memory_space<vmem>>) target(%dma_start3A_183 : memref<48x128xf32, #tpu.memory_space<vmem_shared>>) target_semaphore(%run_scoped3A_177 : memref<!tpu.dma_semaphore, #tpu.memory_space<semaphore_mem>>)
          %dma_wait3A = arith.constant 0 : i32
          %dma_wait3A_187 = arith.constant 0 : i32
          %dma_wait3A_188 = tpu.memref_slice %run_scoped3A_8[%dma_wait3A, %dma_wait3A_187] : memref<48x128xf32, #tpu.memory_space<vmem>> -> memref<48x128xf32, #tpu.memory_space<vmem>>
          %dma_wait3A_189 = arith.constant 0 : i32
          %dma_wait3A_190 = tpu.memref_slice %arg8[%add3A_126, %dma_wait3A_189] : memref<5008x128xf32, #tpu.memory_space<vmem_shared>> -> memref<48x128xf32, #tpu.memory_space<vmem_shared>>
          %dma_wait3A_191 = arith.constant 0 : i32
          %dma_wait3A_192 = tpu.memref_slice %arg8[%add3A_126, %dma_wait3A_191] : memref<5008x128xf32, #tpu.memory_space<vmem_shared>> -> memref<48x128xf32, #tpu.memory_space<vmem_shared>>
          %dma_wait3A_193 = arith.constant 0 : i32
          %dma_wait3A_194 = arith.constant 0 : i32
          %dma_wait3A_195 = tpu.memref_slice %run_scoped3A_8[%dma_wait3A_193, %dma_wait3A_194] : memref<48x128xf32, #tpu.memory_space<vmem>> -> memref<48x128xf32, #tpu.memory_space<vmem>>
          tpu.wait_dma2 semaphore(%run_scoped3A_177 : memref<!tpu.dma_semaphore, #tpu.memory_space<semaphore_mem>>) src(%dma_wait3A_195 : memref<48x128xf32, #tpu.memory_space<vmem>>) dst(%dma_wait3A_192 : memref<48x128xf32, #tpu.memory_space<vmem_shared>>)
          tpu.yield
        }) : () -> ()
        %add3A_127 = arith.addi %mul3A_0, %mul3A_3 : i32
        %add3A_128 = arith.constant 96 : i32
        %add3A_129 = arith.addi %add3A_127, %add3A_128 : i32
        "tpu.region"() ({
          %run_scoped3A_177 = tpu.sem_alloc : memref<!tpu.dma_semaphore, #tpu.memory_space<semaphore_mem>>
          %dma_start3A = arith.constant 0 : i32
          %dma_start3A_178 = arith.constant 0 : i32
          %dma_start3A_179 = tpu.memref_slice %run_scoped3A_7[%dma_start3A, %dma_start3A_178] : memref<48x128xf32, #tpu.memory_space<vmem>> -> memref<48x128xf32, #tpu.memory_space<vmem>>
          %dma_start3A_180 = arith.constant 0 : i32
          %dma_start3A_181 = tpu.memref_slice %arg3[%add3A_129, %dma_start3A_180] : memref<10000x128xf32, #tpu.memory_space<hbm>> -> memref<48x128xf32, #tpu.memory_space<hbm>>
          %dma_start3A_182 = arith.constant 0 : i32
          %dma_start3A_183 = arith.constant 0 : i32
          %dma_start3A_184 = tpu.memref_slice %run_scoped3A_7[%dma_start3A_182, %dma_start3A_183] : memref<48x128xf32, #tpu.memory_space<vmem>> -> memref<48x128xf32, #tpu.memory_space<vmem>>
          %dma_start3A_185 = arith.constant 0 : i32
          %dma_start3A_186 = tpu.memref_slice %arg3[%add3A_129, %dma_start3A_185] : memref<10000x128xf32, #tpu.memory_space<hbm>> -> memref<48x128xf32, #tpu.memory_space<hbm>>
          tpu.enqueue_dma source(%dma_start3A_186 : memref<48x128xf32, #tpu.memory_space<hbm>>) target(%dma_start3A_184 : memref<48x128xf32, #tpu.memory_space<vmem>>) target_semaphore(%run_scoped3A_177 : memref<!tpu.dma_semaphore, #tpu.memory_space<semaphore_mem>>)
          %dma_wait3A = arith.constant 0 : i32
          %dma_wait3A_187 = arith.constant 0 : i32
          %dma_wait3A_188 = tpu.memref_slice %run_scoped3A_7[%dma_wait3A, %dma_wait3A_187] : memref<48x128xf32, #tpu.memory_space<vmem>> -> memref<48x128xf32, #tpu.memory_space<vmem>>
          %dma_wait3A_189 = arith.constant 0 : i32
          %dma_wait3A_190 = tpu.memref_slice %arg3[%add3A_129, %dma_wait3A_189] : memref<10000x128xf32, #tpu.memory_space<hbm>> -> memref<48x128xf32, #tpu.memory_space<hbm>>
          %dma_wait3A_191 = arith.constant 0 : i32
          %dma_wait3A_192 = arith.constant 0 : i32
          %dma_wait3A_193 = tpu.memref_slice %run_scoped3A_7[%dma_wait3A_191, %dma_wait3A_192] : memref<48x128xf32, #tpu.memory_space<vmem>> -> memref<48x128xf32, #tpu.memory_space<vmem>>
          %dma_wait3A_194 = arith.constant 0 : i32
          %dma_wait3A_195 = tpu.memref_slice %arg3[%add3A_129, %dma_wait3A_194] : memref<10000x128xf32, #tpu.memory_space<hbm>> -> memref<48x128xf32, #tpu.memory_space<hbm>>
          tpu.wait_dma2 semaphore(%run_scoped3A_177 : memref<!tpu.dma_semaphore, #tpu.memory_space<semaphore_mem>>) src(%dma_wait3A_195 : memref<48x128xf32, #tpu.memory_space<hbm>>) dst(%dma_wait3A_193 : memref<48x128xf32, #tpu.memory_space<vmem>>)
          tpu.yield
        }) : () -> ()
        %add3A_130 = arith.addi %mul3A_0, %mul3A_3 : i32
        %add3A_131 = arith.constant 96 : i32
        %add3A_132 = arith.addi %add3A_130, %add3A_131 : i32
        "tpu.region"() ({
          %run_scoped3A_177 = tpu.sem_alloc : memref<!tpu.dma_semaphore, #tpu.memory_space<semaphore_mem>>
          %dma_start3A = arith.constant 0 : i32
          %dma_start3A_178 = arith.constant 0 : i32
          %dma_start3A_179 = tpu.memref_slice %run_scoped3A_8[%dma_start3A, %dma_start3A_178] : memref<48x128xf32, #tpu.memory_space<vmem>> -> memref<48x128xf32, #tpu.memory_space<vmem>>
          %dma_start3A_180 = arith.constant 0 : i32
          %dma_start3A_181 = tpu.memref_slice %arg4[%add3A_132, %dma_start3A_180] : memref<10000x128xf32, #tpu.memory_space<hbm>> -> memref<48x128xf32, #tpu.memory_space<hbm>>
          %dma_start3A_182 = arith.constant 0 : i32
          %dma_start3A_183 = arith.constant 0 : i32
          %dma_start3A_184 = tpu.memref_slice %run_scoped3A_8[%dma_start3A_182, %dma_start3A_183] : memref<48x128xf32, #tpu.memory_space<vmem>> -> memref<48x128xf32, #tpu.memory_space<vmem>>
          %dma_start3A_185 = arith.constant 0 : i32
          %dma_start3A_186 = tpu.memref_slice %arg4[%add3A_132, %dma_start3A_185] : memref<10000x128xf32, #tpu.memory_space<hbm>> -> memref<48x128xf32, #tpu.memory_space<hbm>>
          tpu.enqueue_dma source(%dma_start3A_186 : memref<48x128xf32, #tpu.memory_space<hbm>>) target(%dma_start3A_184 : memref<48x128xf32, #tpu.memory_space<vmem>>) target_semaphore(%run_scoped3A_177 : memref<!tpu.dma_semaphore, #tpu.memory_space<semaphore_mem>>)
          %dma_wait3A = arith.constant 0 : i32
          %dma_wait3A_187 = arith.constant 0 : i32
          %dma_wait3A_188 = tpu.memref_slice %run_scoped3A_8[%dma_wait3A, %dma_wait3A_187] : memref<48x128xf32, #tpu.memory_space<vmem>> -> memref<48x128xf32, #tpu.memory_space<vmem>>
          %dma_wait3A_189 = arith.constant 0 : i32
          %dma_wait3A_190 = tpu.memref_slice %arg4[%add3A_132, %dma_wait3A_189] : memref<10000x128xf32, #tpu.memory_space<hbm>> -> memref<48x128xf32, #tpu.memory_space<hbm>>
          %dma_wait3A_191 = arith.constant 0 : i32
          %dma_wait3A_192 = arith.constant 0 : i32
          %dma_wait3A_193 = tpu.memref_slice %run_scoped3A_8[%dma_wait3A_191, %dma_wait3A_192] : memref<48x128xf32, #tpu.memory_space<vmem>> -> memref<48x128xf32, #tpu.memory_space<vmem>>
          %dma_wait3A_194 = arith.constant 0 : i32
          %dma_wait3A_195 = tpu.memref_slice %arg4[%add3A_132, %dma_wait3A_194] : memref<10000x128xf32, #tpu.memory_space<hbm>> -> memref<48x128xf32, #tpu.memory_space<hbm>>
          tpu.wait_dma2 semaphore(%run_scoped3A_177 : memref<!tpu.dma_semaphore, #tpu.memory_space<semaphore_mem>>) src(%dma_wait3A_195 : memref<48x128xf32, #tpu.memory_space<hbm>>) dst(%dma_wait3A_193 : memref<48x128xf32, #tpu.memory_space<vmem>>)
          tpu.yield
        }) : () -> ()
        %add3A_133 = arith.constant 96 : i32
        %add3A_134 = arith.addi %mul3A_3, %add3A_133 : i32
        "tpu.region"() ({
          %run_scoped3A_177 = tpu.sem_alloc : memref<!tpu.dma_semaphore, #tpu.memory_space<semaphore_mem>>
          %dma_start3A = arith.constant 0 : i32
          %dma_start3A_178 = arith.constant 0 : i32
          %dma_start3A_179 = tpu.memref_slice %run_scoped3A_7[%dma_start3A, %dma_start3A_178] : memref<48x128xf32, #tpu.memory_space<vmem>> -> memref<48x128xf32, #tpu.memory_space<vmem>>
          %dma_start3A_180 = arith.constant 0 : i32
          %dma_start3A_181 = tpu.memref_slice %arg7[%add3A_134, %dma_start3A_180] : memref<5008x128xf32, #tpu.memory_space<vmem_shared>> -> memref<48x128xf32, #tpu.memory_space<vmem_shared>>
          %dma_start3A_182 = arith.constant 0 : i32
          %dma_start3A_183 = tpu.memref_slice %arg7[%add3A_134, %dma_start3A_182] : memref<5008x128xf32, #tpu.memory_space<vmem_shared>> -> memref<48x128xf32, #tpu.memory_space<vmem_shared>>
          %dma_start3A_184 = arith.constant 0 : i32
          %dma_start3A_185 = arith.constant 0 : i32
          %dma_start3A_186 = tpu.memref_slice %run_scoped3A_7[%dma_start3A_184, %dma_start3A_185] : memref<48x128xf32, #tpu.memory_space<vmem>> -> memref<48x128xf32, #tpu.memory_space<vmem>>
          tpu.enqueue_dma source(%dma_start3A_186 : memref<48x128xf32, #tpu.memory_space<vmem>>) target(%dma_start3A_183 : memref<48x128xf32, #tpu.memory_space<vmem_shared>>) target_semaphore(%run_scoped3A_177 : memref<!tpu.dma_semaphore, #tpu.memory_space<semaphore_mem>>)
          %dma_wait3A = arith.constant 0 : i32
          %dma_wait3A_187 = arith.constant 0 : i32
          %dma_wait3A_188 = tpu.memref_slice %run_scoped3A_7[%dma_wait3A, %dma_wait3A_187] : memref<48x128xf32, #tpu.memory_space<vmem>> -> memref<48x128xf32, #tpu.memory_space<vmem>>
          %dma_wait3A_189 = arith.constant 0 : i32
          %dma_wait3A_190 = tpu.memref_slice %arg7[%add3A_134, %dma_wait3A_189] : memref<5008x128xf32, #tpu.memory_space<vmem_shared>> -> memref<48x128xf32, #tpu.memory_space<vmem_shared>>
          %dma_wait3A_191 = arith.constant 0 : i32
          %dma_wait3A_192 = tpu.memref_slice %arg7[%add3A_134, %dma_wait3A_191] : memref<5008x128xf32, #tpu.memory_space<vmem_shared>> -> memref<48x128xf32, #tpu.memory_space<vmem_shared>>
          %dma_wait3A_193 = arith.constant 0 : i32
          %dma_wait3A_194 = arith.constant 0 : i32
          %dma_wait3A_195 = tpu.memref_slice %run_scoped3A_7[%dma_wait3A_193, %dma_wait3A_194] : memref<48x128xf32, #tpu.memory_space<vmem>> -> memref<48x128xf32, #tpu.memory_space<vmem>>
          tpu.wait_dma2 semaphore(%run_scoped3A_177 : memref<!tpu.dma_semaphore, #tpu.memory_space<semaphore_mem>>) src(%dma_wait3A_195 : memref<48x128xf32, #tpu.memory_space<vmem>>) dst(%dma_wait3A_192 : memref<48x128xf32, #tpu.memory_space<vmem_shared>>)
          tpu.yield
        }) : () -> ()
        %add3A_135 = arith.constant 96 : i32
        %add3A_136 = arith.addi %mul3A_3, %add3A_135 : i32
        "tpu.region"() ({
          %run_scoped3A_177 = tpu.sem_alloc : memref<!tpu.dma_semaphore, #tpu.memory_space<semaphore_mem>>
          %dma_start3A = arith.constant 0 : i32
          %dma_start3A_178 = arith.constant 0 : i32
          %dma_start3A_179 = tpu.memref_slice %run_scoped3A_8[%dma_start3A, %dma_start3A_178] : memref<48x128xf32, #tpu.memory_space<vmem>> -> memref<48x128xf32, #tpu.memory_space<vmem>>
          %dma_start3A_180 = arith.constant 0 : i32
          %dma_start3A_181 = tpu.memref_slice %arg8[%add3A_136, %dma_start3A_180] : memref<5008x128xf32, #tpu.memory_space<vmem_shared>> -> memref<48x128xf32, #tpu.memory_space<vmem_shared>>
          %dma_start3A_182 = arith.constant 0 : i32
          %dma_start3A_183 = tpu.memref_slice %arg8[%add3A_136, %dma_start3A_182] : memref<5008x128xf32, #tpu.memory_space<vmem_shared>> -> memref<48x128xf32, #tpu.memory_space<vmem_shared>>
          %dma_start3A_184 = arith.constant 0 : i32
          %dma_start3A_185 = arith.constant 0 : i32
          %dma_start3A_186 = tpu.memref_slice %run_scoped3A_8[%dma_start3A_184, %dma_start3A_185] : memref<48x128xf32, #tpu.memory_space<vmem>> -> memref<48x128xf32, #tpu.memory_space<vmem>>
          tpu.enqueue_dma source(%dma_start3A_186 : memref<48x128xf32, #tpu.memory_space<vmem>>) target(%dma_start3A_183 : memref<48x128xf32, #tpu.memory_space<vmem_shared>>) target_semaphore(%run_scoped3A_177 : memref<!tpu.dma_semaphore, #tpu.memory_space<semaphore_mem>>)
          %dma_wait3A = arith.constant 0 : i32
          %dma_wait3A_187 = arith.constant 0 : i32
          %dma_wait3A_188 = tpu.memref_slice %run_scoped3A_8[%dma_wait3A, %dma_wait3A_187] : memref<48x128xf32, #tpu.memory_space<vmem>> -> memref<48x128xf32, #tpu.memory_space<vmem>>
          %dma_wait3A_189 = arith.constant 0 : i32
          %dma_wait3A_190 = tpu.memref_slice %arg8[%add3A_136, %dma_wait3A_189] : memref<5008x128xf32, #tpu.memory_space<vmem_shared>> -> memref<48x128xf32, #tpu.memory_space<vmem_shared>>
          %dma_wait3A_191 = arith.constant 0 : i32
          %dma_wait3A_192 = tpu.memref_slice %arg8[%add3A_136, %dma_wait3A_191] : memref<5008x128xf32, #tpu.memory_space<vmem_shared>> -> memref<48x128xf32, #tpu.memory_space<vmem_shared>>
          %dma_wait3A_193 = arith.constant 0 : i32
          %dma_wait3A_194 = arith.constant 0 : i32
          %dma_wait3A_195 = tpu.memref_slice %run_scoped3A_8[%dma_wait3A_193, %dma_wait3A_194] : memref<48x128xf32, #tpu.memory_space<vmem>> -> memref<48x128xf32, #tpu.memory_space<vmem>>
          tpu.wait_dma2 semaphore(%run_scoped3A_177 : memref<!tpu.dma_semaphore, #tpu.memory_space<semaphore_mem>>) src(%dma_wait3A_195 : memref<48x128xf32, #tpu.memory_space<vmem>>) dst(%dma_wait3A_192 : memref<48x128xf32, #tpu.memory_space<vmem_shared>>)
          tpu.yield
        }) : () -> ()
        %add3A_137 = arith.addi %mul3A_0, %mul3A_3 : i32
        %add3A_138 = arith.constant 144 : i32
        %add3A_139 = arith.addi %add3A_137, %add3A_138 : i32
        "tpu.region"() ({
          %run_scoped3A_177 = tpu.sem_alloc : memref<!tpu.dma_semaphore, #tpu.memory_space<semaphore_mem>>
          %dma_start3A = arith.constant 0 : i32
          %dma_start3A_178 = arith.constant 0 : i32
          %dma_start3A_179 = tpu.memref_slice %run_scoped3A_7[%dma_start3A, %dma_start3A_178] : memref<48x128xf32, #tpu.memory_space<vmem>> -> memref<48x128xf32, #tpu.memory_space<vmem>>
          %dma_start3A_180 = arith.constant 0 : i32
          %dma_start3A_181 = tpu.memref_slice %arg3[%add3A_139, %dma_start3A_180] : memref<10000x128xf32, #tpu.memory_space<hbm>> -> memref<48x128xf32, #tpu.memory_space<hbm>>
          %dma_start3A_182 = arith.constant 0 : i32
          %dma_start3A_183 = arith.constant 0 : i32
          %dma_start3A_184 = tpu.memref_slice %run_scoped3A_7[%dma_start3A_182, %dma_start3A_183] : memref<48x128xf32, #tpu.memory_space<vmem>> -> memref<48x128xf32, #tpu.memory_space<vmem>>
          %dma_start3A_185 = arith.constant 0 : i32
          %dma_start3A_186 = tpu.memref_slice %arg3[%add3A_139, %dma_start3A_185] : memref<10000x128xf32, #tpu.memory_space<hbm>> -> memref<48x128xf32, #tpu.memory_space<hbm>>
          tpu.enqueue_dma source(%dma_start3A_186 : memref<48x128xf32, #tpu.memory_space<hbm>>) target(%dma_start3A_184 : memref<48x128xf32, #tpu.memory_space<vmem>>) target_semaphore(%run_scoped3A_177 : memref<!tpu.dma_semaphore, #tpu.memory_space<semaphore_mem>>)
          %dma_wait3A = arith.constant 0 : i32
          %dma_wait3A_187 = arith.constant 0 : i32
          %dma_wait3A_188 = tpu.memref_slice %run_scoped3A_7[%dma_wait3A, %dma_wait3A_187] : memref<48x128xf32, #tpu.memory_space<vmem>> -> memref<48x128xf32, #tpu.memory_space<vmem>>
          %dma_wait3A_189 = arith.constant 0 : i32
          %dma_wait3A_190 = tpu.memref_slice %arg3[%add3A_139, %dma_wait3A_189] : memref<10000x128xf32, #tpu.memory_space<hbm>> -> memref<48x128xf32, #tpu.memory_space<hbm>>
          %dma_wait3A_191 = arith.constant 0 : i32
          %dma_wait3A_192 = arith.constant 0 : i32
          %dma_wait3A_193 = tpu.memref_slice %run_scoped3A_7[%dma_wait3A_191, %dma_wait3A_192] : memref<48x128xf32, #tpu.memory_space<vmem>> -> memref<48x128xf32, #tpu.memory_space<vmem>>
          %dma_wait3A_194 = arith.constant 0 : i32
          %dma_wait3A_195 = tpu.memref_slice %arg3[%add3A_139, %dma_wait3A_194] : memref<10000x128xf32, #tpu.memory_space<hbm>> -> memref<48x128xf32, #tpu.memory_space<hbm>>
          tpu.wait_dma2 semaphore(%run_scoped3A_177 : memref<!tpu.dma_semaphore, #tpu.memory_space<semaphore_mem>>) src(%dma_wait3A_195 : memref<48x128xf32, #tpu.memory_space<hbm>>) dst(%dma_wait3A_193 : memref<48x128xf32, #tpu.memory_space<vmem>>)
          tpu.yield
        }) : () -> ()
        %add3A_140 = arith.addi %mul3A_0, %mul3A_3 : i32
        %add3A_141 = arith.constant 144 : i32
        %add3A_142 = arith.addi %add3A_140, %add3A_141 : i32
        "tpu.region"() ({
          %run_scoped3A_177 = tpu.sem_alloc : memref<!tpu.dma_semaphore, #tpu.memory_space<semaphore_mem>>
          %dma_start3A = arith.constant 0 : i32
          %dma_start3A_178 = arith.constant 0 : i32
          %dma_start3A_179 = tpu.memref_slice %run_scoped3A_8[%dma_start3A, %dma_start3A_178] : memref<48x128xf32, #tpu.memory_space<vmem>> -> memref<48x128xf32, #tpu.memory_space<vmem>>
          %dma_start3A_180 = arith.constant 0 : i32
          %dma_start3A_181 = tpu.memref_slice %arg4[%add3A_142, %dma_start3A_180] : memref<10000x128xf32, #tpu.memory_space<hbm>> -> memref<48x128xf32, #tpu.memory_space<hbm>>
          %dma_start3A_182 = arith.constant 0 : i32
          %dma_start3A_183 = arith.constant 0 : i32
          %dma_start3A_184 = tpu.memref_slice %run_scoped3A_8[%dma_start3A_182, %dma_start3A_183] : memref<48x128xf32, #tpu.memory_space<vmem>> -> memref<48x128xf32, #tpu.memory_space<vmem>>
          %dma_start3A_185 = arith.constant 0 : i32
          %dma_start3A_186 = tpu.memref_slice %arg4[%add3A_142, %dma_start3A_185] : memref<10000x128xf32, #tpu.memory_space<hbm>> -> memref<48x128xf32, #tpu.memory_space<hbm>>
          tpu.enqueue_dma source(%dma_start3A_186 : memref<48x128xf32, #tpu.memory_space<hbm>>) target(%dma_start3A_184 : memref<48x128xf32, #tpu.memory_space<vmem>>) target_semaphore(%run_scoped3A_177 : memref<!tpu.dma_semaphore, #tpu.memory_space<semaphore_mem>>)
          %dma_wait3A = arith.constant 0 : i32
          %dma_wait3A_187 = arith.constant 0 : i32
          %dma_wait3A_188 = tpu.memref_slice %run_scoped3A_8[%dma_wait3A, %dma_wait3A_187] : memref<48x128xf32, #tpu.memory_space<vmem>> -> memref<48x128xf32, #tpu.memory_space<vmem>>
          %dma_wait3A_189 = arith.constant 0 : i32
          %dma_wait3A_190 = tpu.memref_slice %arg4[%add3A_142, %dma_wait3A_189] : memref<10000x128xf32, #tpu.memory_space<hbm>> -> memref<48x128xf32, #tpu.memory_space<hbm>>
          %dma_wait3A_191 = arith.constant 0 : i32
          %dma_wait3A_192 = arith.constant 0 : i32
          %dma_wait3A_193 = tpu.memref_slice %run_scoped3A_8[%dma_wait3A_191, %dma_wait3A_192] : memref<48x128xf32, #tpu.memory_space<vmem>> -> memref<48x128xf32, #tpu.memory_space<vmem>>
          %dma_wait3A_194 = arith.constant 0 : i32
          %dma_wait3A_195 = tpu.memref_slice %arg4[%add3A_142, %dma_wait3A_194] : memref<10000x128xf32, #tpu.memory_space<hbm>> -> memref<48x128xf32, #tpu.memory_space<hbm>>
          tpu.wait_dma2 semaphore(%run_scoped3A_177 : memref<!tpu.dma_semaphore, #tpu.memory_space<semaphore_mem>>) src(%dma_wait3A_195 : memref<48x128xf32, #tpu.memory_space<hbm>>) dst(%dma_wait3A_193 : memref<48x128xf32, #tpu.memory_space<vmem>>)
          tpu.yield
        }) : () -> ()
        %add3A_143 = arith.constant 144 : i32
        %add3A_144 = arith.addi %mul3A_3, %add3A_143 : i32
        "tpu.region"() ({
          %run_scoped3A_177 = tpu.sem_alloc : memref<!tpu.dma_semaphore, #tpu.memory_space<semaphore_mem>>
          %dma_start3A = arith.constant 0 : i32
          %dma_start3A_178 = arith.constant 0 : i32
          %dma_start3A_179 = tpu.memref_slice %run_scoped3A_7[%dma_start3A, %dma_start3A_178] : memref<48x128xf32, #tpu.memory_space<vmem>> -> memref<48x128xf32, #tpu.memory_space<vmem>>
          %dma_start3A_180 = arith.constant 0 : i32
          %dma_start3A_181 = tpu.memref_slice %arg7[%add3A_144, %dma_start3A_180] : memref<5008x128xf32, #tpu.memory_space<vmem_shared>> -> memref<48x128xf32, #tpu.memory_space<vmem_shared>>
          %dma_start3A_182 = arith.constant 0 : i32
          %dma_start3A_183 = tpu.memref_slice %arg7[%add3A_144, %dma_start3A_182] : memref<5008x128xf32, #tpu.memory_space<vmem_shared>> -> memref<48x128xf32, #tpu.memory_space<vmem_shared>>
          %dma_start3A_184 = arith.constant 0 : i32
          %dma_start3A_185 = arith.constant 0 : i32
          %dma_start3A_186 = tpu.memref_slice %run_scoped3A_7[%dma_start3A_184, %dma_start3A_185] : memref<48x128xf32, #tpu.memory_space<vmem>> -> memref<48x128xf32, #tpu.memory_space<vmem>>
          tpu.enqueue_dma source(%dma_start3A_186 : memref<48x128xf32, #tpu.memory_space<vmem>>) target(%dma_start3A_183 : memref<48x128xf32, #tpu.memory_space<vmem_shared>>) target_semaphore(%run_scoped3A_177 : memref<!tpu.dma_semaphore, #tpu.memory_space<semaphore_mem>>)
          %dma_wait3A = arith.constant 0 : i32
          %dma_wait3A_187 = arith.constant 0 : i32
          %dma_wait3A_188 = tpu.memref_slice %run_scoped3A_7[%dma_wait3A, %dma_wait3A_187] : memref<48x128xf32, #tpu.memory_space<vmem>> -> memref<48x128xf32, #tpu.memory_space<vmem>>
          %dma_wait3A_189 = arith.constant 0 : i32
          %dma_wait3A_190 = tpu.memref_slice %arg7[%add3A_144, %dma_wait3A_189] : memref<5008x128xf32, #tpu.memory_space<vmem_shared>> -> memref<48x128xf32, #tpu.memory_space<vmem_shared>>
          %dma_wait3A_191 = arith.constant 0 : i32
          %dma_wait3A_192 = tpu.memref_slice %arg7[%add3A_144, %dma_wait3A_191] : memref<5008x128xf32, #tpu.memory_space<vmem_shared>> -> memref<48x128xf32, #tpu.memory_space<vmem_shared>>
          %dma_wait3A_193 = arith.constant 0 : i32
          %dma_wait3A_194 = arith.constant 0 : i32
          %dma_wait3A_195 = tpu.memref_slice %run_scoped3A_7[%dma_wait3A_193, %dma_wait3A_194] : memref<48x128xf32, #tpu.memory_space<vmem>> -> memref<48x128xf32, #tpu.memory_space<vmem>>
          tpu.wait_dma2 semaphore(%run_scoped3A_177 : memref<!tpu.dma_semaphore, #tpu.memory_space<semaphore_mem>>) src(%dma_wait3A_195 : memref<48x128xf32, #tpu.memory_space<vmem>>) dst(%dma_wait3A_192 : memref<48x128xf32, #tpu.memory_space<vmem_shared>>)
          tpu.yield
        }) : () -> ()
        %add3A_145 = arith.constant 144 : i32
        %add3A_146 = arith.addi %mul3A_3, %add3A_145 : i32
        "tpu.region"() ({
          %run_scoped3A_177 = tpu.sem_alloc : memref<!tpu.dma_semaphore, #tpu.memory_space<semaphore_mem>>
          %dma_start3A = arith.constant 0 : i32
          %dma_start3A_178 = arith.constant 0 : i32
          %dma_start3A_179 = tpu.memref_slice %run_scoped3A_8[%dma_start3A, %dma_start3A_178] : memref<48x128xf32, #tpu.memory_space<vmem>> -> memref<48x128xf32, #tpu.memory_space<vmem>>
          %dma_start3A_180 = arith.constant 0 : i32
          %dma_start3A_181 = tpu.memref_slice %arg8[%add3A_146, %dma_start3A_180] : memref<5008x128xf32, #tpu.memory_space<vmem_shared>> -> memref<48x128xf32, #tpu.memory_space<vmem_shared>>
          %dma_start3A_182 = arith.constant 0 : i32
          %dma_start3A_183 = tpu.memref_slice %arg8[%add3A_146, %dma_start3A_182] : memref<5008x128xf32, #tpu.memory_space<vmem_shared>> -> memref<48x128xf32, #tpu.memory_space<vmem_shared>>
          %dma_start3A_184 = arith.constant 0 : i32
          %dma_start3A_185 = arith.constant 0 : i32
          %dma_start3A_186 = tpu.memref_slice %run_scoped3A_8[%dma_start3A_184, %dma_start3A_185] : memref<48x128xf32, #tpu.memory_space<vmem>> -> memref<48x128xf32, #tpu.memory_space<vmem>>
          tpu.enqueue_dma source(%dma_start3A_186 : memref<48x128xf32, #tpu.memory_space<vmem>>) target(%dma_start3A_183 : memref<48x128xf32, #tpu.memory_space<vmem_shared>>) target_semaphore(%run_scoped3A_177 : memref<!tpu.dma_semaphore, #tpu.memory_space<semaphore_mem>>)
          %dma_wait3A = arith.constant 0 : i32
          %dma_wait3A_187 = arith.constant 0 : i32
          %dma_wait3A_188 = tpu.memref_slice %run_scoped3A_8[%dma_wait3A, %dma_wait3A_187] : memref<48x128xf32, #tpu.memory_space<vmem>> -> memref<48x128xf32, #tpu.memory_space<vmem>>
          %dma_wait3A_189 = arith.constant 0 : i32
          %dma_wait3A_190 = tpu.memref_slice %arg8[%add3A_146, %dma_wait3A_189] : memref<5008x128xf32, #tpu.memory_space<vmem_shared>> -> memref<48x128xf32, #tpu.memory_space<vmem_shared>>
          %dma_wait3A_191 = arith.constant 0 : i32
          %dma_wait3A_192 = tpu.memref_slice %arg8[%add3A_146, %dma_wait3A_191] : memref<5008x128xf32, #tpu.memory_space<vmem_shared>> -> memref<48x128xf32, #tpu.memory_space<vmem_shared>>
          %dma_wait3A_193 = arith.constant 0 : i32
          %dma_wait3A_194 = arith.constant 0 : i32
          %dma_wait3A_195 = tpu.memref_slice %run_scoped3A_8[%dma_wait3A_193, %dma_wait3A_194] : memref<48x128xf32, #tpu.memory_space<vmem>> -> memref<48x128xf32, #tpu.memory_space<vmem>>
          tpu.wait_dma2 semaphore(%run_scoped3A_177 : memref<!tpu.dma_semaphore, #tpu.memory_space<semaphore_mem>>) src(%dma_wait3A_195 : memref<48x128xf32, #tpu.memory_space<vmem>>) dst(%dma_wait3A_192 : memref<48x128xf32, #tpu.memory_space<vmem_shared>>)
          tpu.yield
        }) : () -> ()
        %add3A_147 = arith.addi %mul3A_0, %mul3A_3 : i32
        %add3A_148 = arith.constant 192 : i32
        %add3A_149 = arith.addi %add3A_147, %add3A_148 : i32
        "tpu.region"() ({
          %run_scoped3A_177 = tpu.sem_alloc : memref<!tpu.dma_semaphore, #tpu.memory_space<semaphore_mem>>
          %dma_start3A = arith.constant 0 : i32
          %dma_start3A_178 = arith.constant 0 : i32
          %dma_start3A_179 = tpu.memref_slice %run_scoped3A_7[%dma_start3A, %dma_start3A_178] : memref<48x128xf32, #tpu.memory_space<vmem>> -> memref<48x128xf32, #tpu.memory_space<vmem>>
          %dma_start3A_180 = arith.constant 0 : i32
          %dma_start3A_181 = tpu.memref_slice %arg3[%add3A_149, %dma_start3A_180] : memref<10000x128xf32, #tpu.memory_space<hbm>> -> memref<48x128xf32, #tpu.memory_space<hbm>>
          %dma_start3A_182 = arith.constant 0 : i32
          %dma_start3A_183 = arith.constant 0 : i32
          %dma_start3A_184 = tpu.memref_slice %run_scoped3A_7[%dma_start3A_182, %dma_start3A_183] : memref<48x128xf32, #tpu.memory_space<vmem>> -> memref<48x128xf32, #tpu.memory_space<vmem>>
          %dma_start3A_185 = arith.constant 0 : i32
          %dma_start3A_186 = tpu.memref_slice %arg3[%add3A_149, %dma_start3A_185] : memref<10000x128xf32, #tpu.memory_space<hbm>> -> memref<48x128xf32, #tpu.memory_space<hbm>>
          tpu.enqueue_dma source(%dma_start3A_186 : memref<48x128xf32, #tpu.memory_space<hbm>>) target(%dma_start3A_184 : memref<48x128xf32, #tpu.memory_space<vmem>>) target_semaphore(%run_scoped3A_177 : memref<!tpu.dma_semaphore, #tpu.memory_space<semaphore_mem>>)
          %dma_wait3A = arith.constant 0 : i32
          %dma_wait3A_187 = arith.constant 0 : i32
          %dma_wait3A_188 = tpu.memref_slice %run_scoped3A_7[%dma_wait3A, %dma_wait3A_187] : memref<48x128xf32, #tpu.memory_space<vmem>> -> memref<48x128xf32, #tpu.memory_space<vmem>>
          %dma_wait3A_189 = arith.constant 0 : i32
          %dma_wait3A_190 = tpu.memref_slice %arg3[%add3A_149, %dma_wait3A_189] : memref<10000x128xf32, #tpu.memory_space<hbm>> -> memref<48x128xf32, #tpu.memory_space<hbm>>
          %dma_wait3A_191 = arith.constant 0 : i32
          %dma_wait3A_192 = arith.constant 0 : i32
          %dma_wait3A_193 = tpu.memref_slice %run_scoped3A_7[%dma_wait3A_191, %dma_wait3A_192] : memref<48x128xf32, #tpu.memory_space<vmem>> -> memref<48x128xf32, #tpu.memory_space<vmem>>
          %dma_wait3A_194 = arith.constant 0 : i32
          %dma_wait3A_195 = tpu.memref_slice %arg3[%add3A_149, %dma_wait3A_194] : memref<10000x128xf32, #tpu.memory_space<hbm>> -> memref<48x128xf32, #tpu.memory_space<hbm>>
          tpu.wait_dma2 semaphore(%run_scoped3A_177 : memref<!tpu.dma_semaphore, #tpu.memory_space<semaphore_mem>>) src(%dma_wait3A_195 : memref<48x128xf32, #tpu.memory_space<hbm>>) dst(%dma_wait3A_193 : memref<48x128xf32, #tpu.memory_space<vmem>>)
          tpu.yield
        }) : () -> ()
        %add3A_150 = arith.addi %mul3A_0, %mul3A_3 : i32
        %add3A_151 = arith.constant 192 : i32
        %add3A_152 = arith.addi %add3A_150, %add3A_151 : i32
        "tpu.region"() ({
          %run_scoped3A_177 = tpu.sem_alloc : memref<!tpu.dma_semaphore, #tpu.memory_space<semaphore_mem>>
          %dma_start3A = arith.constant 0 : i32
          %dma_start3A_178 = arith.constant 0 : i32
          %dma_start3A_179 = tpu.memref_slice %run_scoped3A_8[%dma_start3A, %dma_start3A_178] : memref<48x128xf32, #tpu.memory_space<vmem>> -> memref<48x128xf32, #tpu.memory_space<vmem>>
          %dma_start3A_180 = arith.constant 0 : i32
          %dma_start3A_181 = tpu.memref_slice %arg4[%add3A_152, %dma_start3A_180] : memref<10000x128xf32, #tpu.memory_space<hbm>> -> memref<48x128xf32, #tpu.memory_space<hbm>>
          %dma_start3A_182 = arith.constant 0 : i32
          %dma_start3A_183 = arith.constant 0 : i32
          %dma_start3A_184 = tpu.memref_slice %run_scoped3A_8[%dma_start3A_182, %dma_start3A_183] : memref<48x128xf32, #tpu.memory_space<vmem>> -> memref<48x128xf32, #tpu.memory_space<vmem>>
          %dma_start3A_185 = arith.constant 0 : i32
          %dma_start3A_186 = tpu.memref_slice %arg4[%add3A_152, %dma_start3A_185] : memref<10000x128xf32, #tpu.memory_space<hbm>> -> memref<48x128xf32, #tpu.memory_space<hbm>>
          tpu.enqueue_dma source(%dma_start3A_186 : memref<48x128xf32, #tpu.memory_space<hbm>>) target(%dma_start3A_184 : memref<48x128xf32, #tpu.memory_space<vmem>>) target_semaphore(%run_scoped3A_177 : memref<!tpu.dma_semaphore, #tpu.memory_space<semaphore_mem>>)
          %dma_wait3A = arith.constant 0 : i32
          %dma_wait3A_187 = arith.constant 0 : i32
          %dma_wait3A_188 = tpu.memref_slice %run_scoped3A_8[%dma_wait3A, %dma_wait3A_187] : memref<48x128xf32, #tpu.memory_space<vmem>> -> memref<48x128xf32, #tpu.memory_space<vmem>>
          %dma_wait3A_189 = arith.constant 0 : i32
          %dma_wait3A_190 = tpu.memref_slice %arg4[%add3A_152, %dma_wait3A_189] : memref<10000x128xf32, #tpu.memory_space<hbm>> -> memref<48x128xf32, #tpu.memory_space<hbm>>
          %dma_wait3A_191 = arith.constant 0 : i32
          %dma_wait3A_192 = arith.constant 0 : i32
          %dma_wait3A_193 = tpu.memref_slice %run_scoped3A_8[%dma_wait3A_191, %dma_wait3A_192] : memref<48x128xf32, #tpu.memory_space<vmem>> -> memref<48x128xf32, #tpu.memory_space<vmem>>
          %dma_wait3A_194 = arith.constant 0 : i32
          %dma_wait3A_195 = tpu.memref_slice %arg4[%add3A_152, %dma_wait3A_194] : memref<10000x128xf32, #tpu.memory_space<hbm>> -> memref<48x128xf32, #tpu.memory_space<hbm>>
          tpu.wait_dma2 semaphore(%run_scoped3A_177 : memref<!tpu.dma_semaphore, #tpu.memory_space<semaphore_mem>>) src(%dma_wait3A_195 : memref<48x128xf32, #tpu.memory_space<hbm>>) dst(%dma_wait3A_193 : memref<48x128xf32, #tpu.memory_space<vmem>>)
          tpu.yield
        }) : () -> ()
        %add3A_153 = arith.constant 192 : i32
        %add3A_154 = arith.addi %mul3A_3, %add3A_153 : i32
        "tpu.region"() ({
          %run_scoped3A_177 = tpu.sem_alloc : memref<!tpu.dma_semaphore, #tpu.memory_space<semaphore_mem>>
          %dma_start3A = arith.constant 0 : i32
          %dma_start3A_178 = arith.constant 0 : i32
          %dma_start3A_179 = tpu.memref_slice %run_scoped3A_7[%dma_start3A, %dma_start3A_178] : memref<48x128xf32, #tpu.memory_space<vmem>> -> memref<48x128xf32, #tpu.memory_space<vmem>>
          %dma_start3A_180 = arith.constant 0 : i32
          %dma_start3A_181 = tpu.memref_slice %arg7[%add3A_154, %dma_start3A_180] : memref<5008x128xf32, #tpu.memory_space<vmem_shared>> -> memref<48x128xf32, #tpu.memory_space<vmem_shared>>
          %dma_start3A_182 = arith.constant 0 : i32
          %dma_start3A_183 = tpu.memref_slice %arg7[%add3A_154, %dma_start3A_182] : memref<5008x128xf32, #tpu.memory_space<vmem_shared>> -> memref<48x128xf32, #tpu.memory_space<vmem_shared>>
          %dma_start3A_184 = arith.constant 0 : i32
          %dma_start3A_185 = arith.constant 0 : i32
          %dma_start3A_186 = tpu.memref_slice %run_scoped3A_7[%dma_start3A_184, %dma_start3A_185] : memref<48x128xf32, #tpu.memory_space<vmem>> -> memref<48x128xf32, #tpu.memory_space<vmem>>
          tpu.enqueue_dma source(%dma_start3A_186 : memref<48x128xf32, #tpu.memory_space<vmem>>) target(%dma_start3A_183 : memref<48x128xf32, #tpu.memory_space<vmem_shared>>) target_semaphore(%run_scoped3A_177 : memref<!tpu.dma_semaphore, #tpu.memory_space<semaphore_mem>>)
          %dma_wait3A = arith.constant 0 : i32
          %dma_wait3A_187 = arith.constant 0 : i32
          %dma_wait3A_188 = tpu.memref_slice %run_scoped3A_7[%dma_wait3A, %dma_wait3A_187] : memref<48x128xf32, #tpu.memory_space<vmem>> -> memref<48x128xf32, #tpu.memory_space<vmem>>
          %dma_wait3A_189 = arith.constant 0 : i32
          %dma_wait3A_190 = tpu.memref_slice %arg7[%add3A_154, %dma_wait3A_189] : memref<5008x128xf32, #tpu.memory_space<vmem_shared>> -> memref<48x128xf32, #tpu.memory_space<vmem_shared>>
          %dma_wait3A_191 = arith.constant 0 : i32
          %dma_wait3A_192 = tpu.memref_slice %arg7[%add3A_154, %dma_wait3A_191] : memref<5008x128xf32, #tpu.memory_space<vmem_shared>> -> memref<48x128xf32, #tpu.memory_space<vmem_shared>>
          %dma_wait3A_193 = arith.constant 0 : i32
          %dma_wait3A_194 = arith.constant 0 : i32
          %dma_wait3A_195 = tpu.memref_slice %run_scoped3A_7[%dma_wait3A_193, %dma_wait3A_194] : memref<48x128xf32, #tpu.memory_space<vmem>> -> memref<48x128xf32, #tpu.memory_space<vmem>>
          tpu.wait_dma2 semaphore(%run_scoped3A_177 : memref<!tpu.dma_semaphore, #tpu.memory_space<semaphore_mem>>) src(%dma_wait3A_195 : memref<48x128xf32, #tpu.memory_space<vmem>>) dst(%dma_wait3A_192 : memref<48x128xf32, #tpu.memory_space<vmem_shared>>)
          tpu.yield
        }) : () -> ()
        %add3A_155 = arith.constant 192 : i32
        %add3A_156 = arith.addi %mul3A_3, %add3A_155 : i32
        "tpu.region"() ({
          %run_scoped3A_177 = tpu.sem_alloc : memref<!tpu.dma_semaphore, #tpu.memory_space<semaphore_mem>>
          %dma_start3A = arith.constant 0 : i32
          %dma_start3A_178 = arith.constant 0 : i32
          %dma_start3A_179 = tpu.memref_slice %run_scoped3A_8[%dma_start3A, %dma_start3A_178] : memref<48x128xf32, #tpu.memory_space<vmem>> -> memref<48x128xf32, #tpu.memory_space<vmem>>
          %dma_start3A_180 = arith.constant 0 : i32
          %dma_start3A_181 = tpu.memref_slice %arg8[%add3A_156, %dma_start3A_180] : memref<5008x128xf32, #tpu.memory_space<vmem_shared>> -> memref<48x128xf32, #tpu.memory_space<vmem_shared>>
          %dma_start3A_182 = arith.constant 0 : i32
          %dma_start3A_183 = tpu.memref_slice %arg8[%add3A_156, %dma_start3A_182] : memref<5008x128xf32, #tpu.memory_space<vmem_shared>> -> memref<48x128xf32, #tpu.memory_space<vmem_shared>>
          %dma_start3A_184 = arith.constant 0 : i32
          %dma_start3A_185 = arith.constant 0 : i32
          %dma_start3A_186 = tpu.memref_slice %run_scoped3A_8[%dma_start3A_184, %dma_start3A_185] : memref<48x128xf32, #tpu.memory_space<vmem>> -> memref<48x128xf32, #tpu.memory_space<vmem>>
          tpu.enqueue_dma source(%dma_start3A_186 : memref<48x128xf32, #tpu.memory_space<vmem>>) target(%dma_start3A_183 : memref<48x128xf32, #tpu.memory_space<vmem_shared>>) target_semaphore(%run_scoped3A_177 : memref<!tpu.dma_semaphore, #tpu.memory_space<semaphore_mem>>)
          %dma_wait3A = arith.constant 0 : i32
          %dma_wait3A_187 = arith.constant 0 : i32
          %dma_wait3A_188 = tpu.memref_slice %run_scoped3A_8[%dma_wait3A, %dma_wait3A_187] : memref<48x128xf32, #tpu.memory_space<vmem>> -> memref<48x128xf32, #tpu.memory_space<vmem>>
          %dma_wait3A_189 = arith.constant 0 : i32
          %dma_wait3A_190 = tpu.memref_slice %arg8[%add3A_156, %dma_wait3A_189] : memref<5008x128xf32, #tpu.memory_space<vmem_shared>> -> memref<48x128xf32, #tpu.memory_space<vmem_shared>>
          %dma_wait3A_191 = arith.constant 0 : i32
          %dma_wait3A_192 = tpu.memref_slice %arg8[%add3A_156, %dma_wait3A_191] : memref<5008x128xf32, #tpu.memory_space<vmem_shared>> -> memref<48x128xf32, #tpu.memory_space<vmem_shared>>
          %dma_wait3A_193 = arith.constant 0 : i32
          %dma_wait3A_194 = arith.constant 0 : i32
          %dma_wait3A_195 = tpu.memref_slice %run_scoped3A_8[%dma_wait3A_193, %dma_wait3A_194] : memref<48x128xf32, #tpu.memory_space<vmem>> -> memref<48x128xf32, #tpu.memory_space<vmem>>
          tpu.wait_dma2 semaphore(%run_scoped3A_177 : memref<!tpu.dma_semaphore, #tpu.memory_space<semaphore_mem>>) src(%dma_wait3A_195 : memref<48x128xf32, #tpu.memory_space<vmem>>) dst(%dma_wait3A_192 : memref<48x128xf32, #tpu.memory_space<vmem_shared>>)
          tpu.yield
        }) : () -> ()
        %add3A_157 = arith.addi %mul3A_0, %mul3A_3 : i32
        %add3A_158 = arith.constant 240 : i32
        %add3A_159 = arith.addi %add3A_157, %add3A_158 : i32
        "tpu.region"() ({
          %run_scoped3A_177 = tpu.sem_alloc : memref<!tpu.dma_semaphore, #tpu.memory_space<semaphore_mem>>
          %dma_start3A = arith.constant 0 : i32
          %dma_start3A_178 = arith.constant 0 : i32
          %dma_start3A_179 = tpu.memref_slice %run_scoped3A_7[%dma_start3A, %dma_start3A_178] : memref<48x128xf32, #tpu.memory_space<vmem>> -> memref<48x128xf32, #tpu.memory_space<vmem>>
          %dma_start3A_180 = arith.constant 0 : i32
          %dma_start3A_181 = tpu.memref_slice %arg3[%add3A_159, %dma_start3A_180] : memref<10000x128xf32, #tpu.memory_space<hbm>> -> memref<48x128xf32, #tpu.memory_space<hbm>>
          %dma_start3A_182 = arith.constant 0 : i32
          %dma_start3A_183 = arith.constant 0 : i32
          %dma_start3A_184 = tpu.memref_slice %run_scoped3A_7[%dma_start3A_182, %dma_start3A_183] : memref<48x128xf32, #tpu.memory_space<vmem>> -> memref<48x128xf32, #tpu.memory_space<vmem>>
          %dma_start3A_185 = arith.constant 0 : i32
          %dma_start3A_186 = tpu.memref_slice %arg3[%add3A_159, %dma_start3A_185] : memref<10000x128xf32, #tpu.memory_space<hbm>> -> memref<48x128xf32, #tpu.memory_space<hbm>>
          tpu.enqueue_dma source(%dma_start3A_186 : memref<48x128xf32, #tpu.memory_space<hbm>>) target(%dma_start3A_184 : memref<48x128xf32, #tpu.memory_space<vmem>>) target_semaphore(%run_scoped3A_177 : memref<!tpu.dma_semaphore, #tpu.memory_space<semaphore_mem>>)
          %dma_wait3A = arith.constant 0 : i32
          %dma_wait3A_187 = arith.constant 0 : i32
          %dma_wait3A_188 = tpu.memref_slice %run_scoped3A_7[%dma_wait3A, %dma_wait3A_187] : memref<48x128xf32, #tpu.memory_space<vmem>> -> memref<48x128xf32, #tpu.memory_space<vmem>>
          %dma_wait3A_189 = arith.constant 0 : i32
          %dma_wait3A_190 = tpu.memref_slice %arg3[%add3A_159, %dma_wait3A_189] : memref<10000x128xf32, #tpu.memory_space<hbm>> -> memref<48x128xf32, #tpu.memory_space<hbm>>
          %dma_wait3A_191 = arith.constant 0 : i32
          %dma_wait3A_192 = arith.constant 0 : i32
          %dma_wait3A_193 = tpu.memref_slice %run_scoped3A_7[%dma_wait3A_191, %dma_wait3A_192] : memref<48x128xf32, #tpu.memory_space<vmem>> -> memref<48x128xf32, #tpu.memory_space<vmem>>
          %dma_wait3A_194 = arith.constant 0 : i32
          %dma_wait3A_195 = tpu.memref_slice %arg3[%add3A_159, %dma_wait3A_194] : memref<10000x128xf32, #tpu.memory_space<hbm>> -> memref<48x128xf32, #tpu.memory_space<hbm>>
          tpu.wait_dma2 semaphore(%run_scoped3A_177 : memref<!tpu.dma_semaphore, #tpu.memory_space<semaphore_mem>>) src(%dma_wait3A_195 : memref<48x128xf32, #tpu.memory_space<hbm>>) dst(%dma_wait3A_193 : memref<48x128xf32, #tpu.memory_space<vmem>>)
          tpu.yield
        }) : () -> ()
        %add3A_160 = arith.addi %mul3A_0, %mul3A_3 : i32
        %add3A_161 = arith.constant 240 : i32
        %add3A_162 = arith.addi %add3A_160, %add3A_161 : i32
        "tpu.region"() ({
          %run_scoped3A_177 = tpu.sem_alloc : memref<!tpu.dma_semaphore, #tpu.memory_space<semaphore_mem>>
          %dma_start3A = arith.constant 0 : i32
          %dma_start3A_178 = arith.constant 0 : i32
          %dma_start3A_179 = tpu.memref_slice %run_scoped3A_8[%dma_start3A, %dma_start3A_178] : memref<48x128xf32, #tpu.memory_space<vmem>> -> memref<48x128xf32, #tpu.memory_space<vmem>>
          %dma_start3A_180 = arith.constant 0 : i32
          %dma_start3A_181 = tpu.memref_slice %arg4[%add3A_162, %dma_start3A_180] : memref<10000x128xf32, #tpu.memory_space<hbm>> -> memref<48x128xf32, #tpu.memory_space<hbm>>
          %dma_start3A_182 = arith.constant 0 : i32
          %dma_start3A_183 = arith.constant 0 : i32
          %dma_start3A_184 = tpu.memref_slice %run_scoped3A_8[%dma_start3A_182, %dma_start3A_183] : memref<48x128xf32, #tpu.memory_space<vmem>> -> memref<48x128xf32, #tpu.memory_space<vmem>>
          %dma_start3A_185 = arith.constant 0 : i32
          %dma_start3A_186 = tpu.memref_slice %arg4[%add3A_162, %dma_start3A_185] : memref<10000x128xf32, #tpu.memory_space<hbm>> -> memref<48x128xf32, #tpu.memory_space<hbm>>
          tpu.enqueue_dma source(%dma_start3A_186 : memref<48x128xf32, #tpu.memory_space<hbm>>) target(%dma_start3A_184 : memref<48x128xf32, #tpu.memory_space<vmem>>) target_semaphore(%run_scoped3A_177 : memref<!tpu.dma_semaphore, #tpu.memory_space<semaphore_mem>>)
          %dma_wait3A = arith.constant 0 : i32
          %dma_wait3A_187 = arith.constant 0 : i32
          %dma_wait3A_188 = tpu.memref_slice %run_scoped3A_8[%dma_wait3A, %dma_wait3A_187] : memref<48x128xf32, #tpu.memory_space<vmem>> -> memref<48x128xf32, #tpu.memory_space<vmem>>
          %dma_wait3A_189 = arith.constant 0 : i32
          %dma_wait3A_190 = tpu.memref_slice %arg4[%add3A_162, %dma_wait3A_189] : memref<10000x128xf32, #tpu.memory_space<hbm>> -> memref<48x128xf32, #tpu.memory_space<hbm>>
          %dma_wait3A_191 = arith.constant 0 : i32
          %dma_wait3A_192 = arith.constant 0 : i32
          %dma_wait3A_193 = tpu.memref_slice %run_scoped3A_8[%dma_wait3A_191, %dma_wait3A_192] : memref<48x128xf32, #tpu.memory_space<vmem>> -> memref<48x128xf32, #tpu.memory_space<vmem>>
          %dma_wait3A_194 = arith.constant 0 : i32
          %dma_wait3A_195 = tpu.memref_slice %arg4[%add3A_162, %dma_wait3A_194] : memref<10000x128xf32, #tpu.memory_space<hbm>> -> memref<48x128xf32, #tpu.memory_space<hbm>>
          tpu.wait_dma2 semaphore(%run_scoped3A_177 : memref<!tpu.dma_semaphore, #tpu.memory_space<semaphore_mem>>) src(%dma_wait3A_195 : memref<48x128xf32, #tpu.memory_space<hbm>>) dst(%dma_wait3A_193 : memref<48x128xf32, #tpu.memory_space<vmem>>)
          tpu.yield
        }) : () -> ()
        %add3A_163 = arith.constant 240 : i32
        %add3A_164 = arith.addi %mul3A_3, %add3A_163 : i32
        "tpu.region"() ({
          %run_scoped3A_177 = tpu.sem_alloc : memref<!tpu.dma_semaphore, #tpu.memory_space<semaphore_mem>>
          %dma_start3A = arith.constant 0 : i32
          %dma_start3A_178 = arith.constant 0 : i32
          %dma_start3A_179 = tpu.memref_slice %run_scoped3A_7[%dma_start3A, %dma_start3A_178] : memref<48x128xf32, #tpu.memory_space<vmem>> -> memref<48x128xf32, #tpu.memory_space<vmem>>
          %dma_start3A_180 = arith.constant 0 : i32
          %dma_start3A_181 = tpu.memref_slice %arg7[%add3A_164, %dma_start3A_180] : memref<5008x128xf32, #tpu.memory_space<vmem_shared>> -> memref<48x128xf32, #tpu.memory_space<vmem_shared>>
          %dma_start3A_182 = arith.constant 0 : i32
          %dma_start3A_183 = tpu.memref_slice %arg7[%add3A_164, %dma_start3A_182] : memref<5008x128xf32, #tpu.memory_space<vmem_shared>> -> memref<48x128xf32, #tpu.memory_space<vmem_shared>>
          %dma_start3A_184 = arith.constant 0 : i32
          %dma_start3A_185 = arith.constant 0 : i32
          %dma_start3A_186 = tpu.memref_slice %run_scoped3A_7[%dma_start3A_184, %dma_start3A_185] : memref<48x128xf32, #tpu.memory_space<vmem>> -> memref<48x128xf32, #tpu.memory_space<vmem>>
          tpu.enqueue_dma source(%dma_start3A_186 : memref<48x128xf32, #tpu.memory_space<vmem>>) target(%dma_start3A_183 : memref<48x128xf32, #tpu.memory_space<vmem_shared>>) target_semaphore(%run_scoped3A_177 : memref<!tpu.dma_semaphore, #tpu.memory_space<semaphore_mem>>)
          %dma_wait3A = arith.constant 0 : i32
          %dma_wait3A_187 = arith.constant 0 : i32
          %dma_wait3A_188 = tpu.memref_slice %run_scoped3A_7[%dma_wait3A, %dma_wait3A_187] : memref<48x128xf32, #tpu.memory_space<vmem>> -> memref<48x128xf32, #tpu.memory_space<vmem>>
          %dma_wait3A_189 = arith.constant 0 : i32
          %dma_wait3A_190 = tpu.memref_slice %arg7[%add3A_164, %dma_wait3A_189] : memref<5008x128xf32, #tpu.memory_space<vmem_shared>> -> memref<48x128xf32, #tpu.memory_space<vmem_shared>>
          %dma_wait3A_191 = arith.constant 0 : i32
          %dma_wait3A_192 = tpu.memref_slice %arg7[%add3A_164, %dma_wait3A_191] : memref<5008x128xf32, #tpu.memory_space<vmem_shared>> -> memref<48x128xf32, #tpu.memory_space<vmem_shared>>
          %dma_wait3A_193 = arith.constant 0 : i32
          %dma_wait3A_194 = arith.constant 0 : i32
          %dma_wait3A_195 = tpu.memref_slice %run_scoped3A_7[%dma_wait3A_193, %dma_wait3A_194] : memref<48x128xf32, #tpu.memory_space<vmem>> -> memref<48x128xf32, #tpu.memory_space<vmem>>
          tpu.wait_dma2 semaphore(%run_scoped3A_177 : memref<!tpu.dma_semaphore, #tpu.memory_space<semaphore_mem>>) src(%dma_wait3A_195 : memref<48x128xf32, #tpu.memory_space<vmem>>) dst(%dma_wait3A_192 : memref<48x128xf32, #tpu.memory_space<vmem_shared>>)
          tpu.yield
        }) : () -> ()
        %add3A_165 = arith.constant 240 : i32
        %add3A_166 = arith.addi %mul3A_3, %add3A_165 : i32
        "tpu.region"() ({
          %run_scoped3A_177 = tpu.sem_alloc : memref<!tpu.dma_semaphore, #tpu.memory_space<semaphore_mem>>
          %dma_start3A = arith.constant 0 : i32
          %dma_start3A_178 = arith.constant 0 : i32
          %dma_start3A_179 = tpu.memref_slice %run_scoped3A_8[%dma_start3A, %dma_start3A_178] : memref<48x128xf32, #tpu.memory_space<vmem>> -> memref<48x128xf32, #tpu.memory_space<vmem>>
          %dma_start3A_180 = arith.constant 0 : i32
          %dma_start3A_181 = tpu.memref_slice %arg8[%add3A_166, %dma_start3A_180] : memref<5008x128xf32, #tpu.memory_space<vmem_shared>> -> memref<48x128xf32, #tpu.memory_space<vmem_shared>>
          %dma_start3A_182 = arith.constant 0 : i32
          %dma_start3A_183 = tpu.memref_slice %arg8[%add3A_166, %dma_start3A_182] : memref<5008x128xf32, #tpu.memory_space<vmem_shared>> -> memref<48x128xf32, #tpu.memory_space<vmem_shared>>
          %dma_start3A_184 = arith.constant 0 : i32
          %dma_start3A_185 = arith.constant 0 : i32
          %dma_start3A_186 = tpu.memref_slice %run_scoped3A_8[%dma_start3A_184, %dma_start3A_185] : memref<48x128xf32, #tpu.memory_space<vmem>> -> memref<48x128xf32, #tpu.memory_space<vmem>>
          tpu.enqueue_dma source(%dma_start3A_186 : memref<48x128xf32, #tpu.memory_space<vmem>>) target(%dma_start3A_183 : memref<48x128xf32, #tpu.memory_space<vmem_shared>>) target_semaphore(%run_scoped3A_177 : memref<!tpu.dma_semaphore, #tpu.memory_space<semaphore_mem>>)
          %dma_wait3A = arith.constant 0 : i32
          %dma_wait3A_187 = arith.constant 0 : i32
          %dma_wait3A_188 = tpu.memref_slice %run_scoped3A_8[%dma_wait3A, %dma_wait3A_187] : memref<48x128xf32, #tpu.memory_space<vmem>> -> memref<48x128xf32, #tpu.memory_space<vmem>>
          %dma_wait3A_189 = arith.constant 0 : i32
          %dma_wait3A_190 = tpu.memref_slice %arg8[%add3A_166, %dma_wait3A_189] : memref<5008x128xf32, #tpu.memory_space<vmem_shared>> -> memref<48x128xf32, #tpu.memory_space<vmem_shared>>
          %dma_wait3A_191 = arith.constant 0 : i32
          %dma_wait3A_192 = tpu.memref_slice %arg8[%add3A_166, %dma_wait3A_191] : memref<5008x128xf32, #tpu.memory_space<vmem_shared>> -> memref<48x128xf32, #tpu.memory_space<vmem_shared>>
          %dma_wait3A_193 = arith.constant 0 : i32
          %dma_wait3A_194 = arith.constant 0 : i32
          %dma_wait3A_195 = tpu.memref_slice %run_scoped3A_8[%dma_wait3A_193, %dma_wait3A_194] : memref<48x128xf32, #tpu.memory_space<vmem>> -> memref<48x128xf32, #tpu.memory_space<vmem>>
          tpu.wait_dma2 semaphore(%run_scoped3A_177 : memref<!tpu.dma_semaphore, #tpu.memory_space<semaphore_mem>>) src(%dma_wait3A_195 : memref<48x128xf32, #tpu.memory_space<vmem>>) dst(%dma_wait3A_192 : memref<48x128xf32, #tpu.memory_space<vmem_shared>>)
          tpu.yield
        }) : () -> ()
        %add3A_167 = arith.addi %mul3A_0, %mul3A_3 : i32
        %add3A_168 = arith.constant 288 : i32
        %add3A_169 = arith.addi %add3A_167, %add3A_168 : i32
        "tpu.region"() ({
          %run_scoped3A_177 = tpu.sem_alloc : memref<!tpu.dma_semaphore, #tpu.memory_space<semaphore_mem>>
          %dma_start3A = arith.constant 0 : i32
          %dma_start3A_178 = arith.constant 0 : i32
          %dma_start3A_179 = tpu.memref_slice %run_scoped3A_7[%dma_start3A, %dma_start3A_178] : memref<48x128xf32, #tpu.memory_space<vmem>> -> memref<17x128xf32, #tpu.memory_space<vmem>>
          %dma_start3A_180 = arith.constant 0 : i32
          %dma_start3A_181 = tpu.memref_slice %arg3[%add3A_169, %dma_start3A_180] : memref<10000x128xf32, #tpu.memory_space<hbm>> -> memref<17x128xf32, #tpu.memory_space<hbm>>
          %dma_start3A_182 = arith.constant 0 : i32
          %dma_start3A_183 = arith.constant 0 : i32
          %dma_start3A_184 = tpu.memref_slice %run_scoped3A_7[%dma_start3A_182, %dma_start3A_183] : memref<48x128xf32, #tpu.memory_space<vmem>> -> memref<17x128xf32, #tpu.memory_space<vmem>>
          %dma_start3A_185 = arith.constant 0 : i32
          %dma_start3A_186 = tpu.memref_slice %arg3[%add3A_169, %dma_start3A_185] : memref<10000x128xf32, #tpu.memory_space<hbm>> -> memref<17x128xf32, #tpu.memory_space<hbm>>
          tpu.enqueue_dma source(%dma_start3A_186 : memref<17x128xf32, #tpu.memory_space<hbm>>) target(%dma_start3A_184 : memref<17x128xf32, #tpu.memory_space<vmem>>) target_semaphore(%run_scoped3A_177 : memref<!tpu.dma_semaphore, #tpu.memory_space<semaphore_mem>>)
          %dma_wait3A = arith.constant 0 : i32
          %dma_wait3A_187 = arith.constant 0 : i32
          %dma_wait3A_188 = tpu.memref_slice %run_scoped3A_7[%dma_wait3A, %dma_wait3A_187] : memref<48x128xf32, #tpu.memory_space<vmem>> -> memref<17x128xf32, #tpu.memory_space<vmem>>
          %dma_wait3A_189 = arith.constant 0 : i32
          %dma_wait3A_190 = tpu.memref_slice %arg3[%add3A_169, %dma_wait3A_189] : memref<10000x128xf32, #tpu.memory_space<hbm>> -> memref<17x128xf32, #tpu.memory_space<hbm>>
          %dma_wait3A_191 = arith.constant 0 : i32
          %dma_wait3A_192 = arith.constant 0 : i32
          %dma_wait3A_193 = tpu.memref_slice %run_scoped3A_7[%dma_wait3A_191, %dma_wait3A_192] : memref<48x128xf32, #tpu.memory_space<vmem>> -> memref<17x128xf32, #tpu.memory_space<vmem>>
          %dma_wait3A_194 = arith.constant 0 : i32
          %dma_wait3A_195 = tpu.memref_slice %arg3[%add3A_169, %dma_wait3A_194] : memref<10000x128xf32, #tpu.memory_space<hbm>> -> memref<17x128xf32, #tpu.memory_space<hbm>>
          tpu.wait_dma2 semaphore(%run_scoped3A_177 : memref<!tpu.dma_semaphore, #tpu.memory_space<semaphore_mem>>) src(%dma_wait3A_195 : memref<17x128xf32, #tpu.memory_space<hbm>>) dst(%dma_wait3A_193 : memref<17x128xf32, #tpu.memory_space<vmem>>)
          tpu.yield
        }) : () -> ()
        %add3A_170 = arith.addi %mul3A_0, %mul3A_3 : i32
        %add3A_171 = arith.constant 288 : i32
        %add3A_172 = arith.addi %add3A_170, %add3A_171 : i32
        "tpu.region"() ({
          %run_scoped3A_177 = tpu.sem_alloc : memref<!tpu.dma_semaphore, #tpu.memory_space<semaphore_mem>>
          %dma_start3A = arith.constant 0 : i32
          %dma_start3A_178 = arith.constant 0 : i32
          %dma_start3A_179 = tpu.memref_slice %run_scoped3A_8[%dma_start3A, %dma_start3A_178] : memref<48x128xf32, #tpu.memory_space<vmem>> -> memref<17x128xf32, #tpu.memory_space<vmem>>
          %dma_start3A_180 = arith.constant 0 : i32
          %dma_start3A_181 = tpu.memref_slice %arg4[%add3A_172, %dma_start3A_180] : memref<10000x128xf32, #tpu.memory_space<hbm>> -> memref<17x128xf32, #tpu.memory_space<hbm>>
          %dma_start3A_182 = arith.constant 0 : i32
          %dma_start3A_183 = arith.constant 0 : i32
          %dma_start3A_184 = tpu.memref_slice %run_scoped3A_8[%dma_start3A_182, %dma_start3A_183] : memref<48x128xf32, #tpu.memory_space<vmem>> -> memref<17x128xf32, #tpu.memory_space<vmem>>
          %dma_start3A_185 = arith.constant 0 : i32
          %dma_start3A_186 = tpu.memref_slice %arg4[%add3A_172, %dma_start3A_185] : memref<10000x128xf32, #tpu.memory_space<hbm>> -> memref<17x128xf32, #tpu.memory_space<hbm>>
          tpu.enqueue_dma source(%dma_start3A_186 : memref<17x128xf32, #tpu.memory_space<hbm>>) target(%dma_start3A_184 : memref<17x128xf32, #tpu.memory_space<vmem>>) target_semaphore(%run_scoped3A_177 : memref<!tpu.dma_semaphore, #tpu.memory_space<semaphore_mem>>)
          %dma_wait3A = arith.constant 0 : i32
          %dma_wait3A_187 = arith.constant 0 : i32
          %dma_wait3A_188 = tpu.memref_slice %run_scoped3A_8[%dma_wait3A, %dma_wait3A_187] : memref<48x128xf32, #tpu.memory_space<vmem>> -> memref<17x128xf32, #tpu.memory_space<vmem>>
          %dma_wait3A_189 = arith.constant 0 : i32
          %dma_wait3A_190 = tpu.memref_slice %arg4[%add3A_172, %dma_wait3A_189] : memref<10000x128xf32, #tpu.memory_space<hbm>> -> memref<17x128xf32, #tpu.memory_space<hbm>>
          %dma_wait3A_191 = arith.constant 0 : i32
          %dma_wait3A_192 = arith.constant 0 : i32
          %dma_wait3A_193 = tpu.memref_slice %run_scoped3A_8[%dma_wait3A_191, %dma_wait3A_192] : memref<48x128xf32, #tpu.memory_space<vmem>> -> memref<17x128xf32, #tpu.memory_space<vmem>>
          %dma_wait3A_194 = arith.constant 0 : i32
          %dma_wait3A_195 = tpu.memref_slice %arg4[%add3A_172, %dma_wait3A_194] : memref<10000x128xf32, #tpu.memory_space<hbm>> -> memref<17x128xf32, #tpu.memory_space<hbm>>
          tpu.wait_dma2 semaphore(%run_scoped3A_177 : memref<!tpu.dma_semaphore, #tpu.memory_space<semaphore_mem>>) src(%dma_wait3A_195 : memref<17x128xf32, #tpu.memory_space<hbm>>) dst(%dma_wait3A_193 : memref<17x128xf32, #tpu.memory_space<vmem>>)
          tpu.yield
        }) : () -> ()
        %add3A_173 = arith.constant 288 : i32
        %add3A_174 = arith.addi %mul3A_3, %add3A_173 : i32
        "tpu.region"() ({
          %run_scoped3A_177 = tpu.sem_alloc : memref<!tpu.dma_semaphore, #tpu.memory_space<semaphore_mem>>
          %dma_start3A = arith.constant 0 : i32
          %dma_start3A_178 = arith.constant 0 : i32
          %dma_start3A_179 = tpu.memref_slice %run_scoped3A_7[%dma_start3A, %dma_start3A_178] : memref<48x128xf32, #tpu.memory_space<vmem>> -> memref<17x128xf32, #tpu.memory_space<vmem>>
          %dma_start3A_180 = arith.constant 0 : i32
          %dma_start3A_181 = tpu.memref_slice %arg7[%add3A_174, %dma_start3A_180] : memref<5008x128xf32, #tpu.memory_space<vmem_shared>> -> memref<17x128xf32, #tpu.memory_space<vmem_shared>>
          %dma_start3A_182 = arith.constant 0 : i32
          %dma_start3A_183 = tpu.memref_slice %arg7[%add3A_174, %dma_start3A_182] : memref<5008x128xf32, #tpu.memory_space<vmem_shared>> -> memref<17x128xf32, #tpu.memory_space<vmem_shared>>
          %dma_start3A_184 = arith.constant 0 : i32
          %dma_start3A_185 = arith.constant 0 : i32
          %dma_start3A_186 = tpu.memref_slice %run_scoped3A_7[%dma_start3A_184, %dma_start3A_185] : memref<48x128xf32, #tpu.memory_space<vmem>> -> memref<17x128xf32, #tpu.memory_space<vmem>>
          tpu.enqueue_dma source(%dma_start3A_186 : memref<17x128xf32, #tpu.memory_space<vmem>>) target(%dma_start3A_183 : memref<17x128xf32, #tpu.memory_space<vmem_shared>>) target_semaphore(%run_scoped3A_177 : memref<!tpu.dma_semaphore, #tpu.memory_space<semaphore_mem>>)
          %dma_wait3A = arith.constant 0 : i32
          %dma_wait3A_187 = arith.constant 0 : i32
          %dma_wait3A_188 = tpu.memref_slice %run_scoped3A_7[%dma_wait3A, %dma_wait3A_187] : memref<48x128xf32, #tpu.memory_space<vmem>> -> memref<17x128xf32, #tpu.memory_space<vmem>>
          %dma_wait3A_189 = arith.constant 0 : i32
          %dma_wait3A_190 = tpu.memref_slice %arg7[%add3A_174, %dma_wait3A_189] : memref<5008x128xf32, #tpu.memory_space<vmem_shared>> -> memref<17x128xf32, #tpu.memory_space<vmem_shared>>
          %dma_wait3A_191 = arith.constant 0 : i32
          %dma_wait3A_192 = tpu.memref_slice %arg7[%add3A_174, %dma_wait3A_191] : memref<5008x128xf32, #tpu.memory_space<vmem_shared>> -> memref<17x128xf32, #tpu.memory_space<vmem_shared>>
          %dma_wait3A_193 = arith.constant 0 : i32
          %dma_wait3A_194 = arith.constant 0 : i32
          %dma_wait3A_195 = tpu.memref_slice %run_scoped3A_7[%dma_wait3A_193, %dma_wait3A_194] : memref<48x128xf32, #tpu.memory_space<vmem>> -> memref<17x128xf32, #tpu.memory_space<vmem>>
          tpu.wait_dma2 semaphore(%run_scoped3A_177 : memref<!tpu.dma_semaphore, #tpu.memory_space<semaphore_mem>>) src(%dma_wait3A_195 : memref<17x128xf32, #tpu.memory_space<vmem>>) dst(%dma_wait3A_192 : memref<17x128xf32, #tpu.memory_space<vmem_shared>>)
          tpu.yield
        }) : () -> ()
        %add3A_175 = arith.constant 288 : i32
        %add3A_176 = arith.addi %mul3A_3, %add3A_175 : i32
        "tpu.region"() ({
          %run_scoped3A_177 = tpu.sem_alloc : memref<!tpu.dma_semaphore, #tpu.memory_space<semaphore_mem>>
          %dma_start3A = arith.constant 0 : i32
          %dma_start3A_178 = arith.constant 0 : i32
          %dma_start3A_179 = tpu.memref_slice %run_scoped3A_8[%dma_start3A, %dma_start3A_178] : memref<48x128xf32, #tpu.memory_space<vmem>> -> memref<17x128xf32, #tpu.memory_space<vmem>>
          %dma_start3A_180 = arith.constant 0 : i32
          %dma_start3A_181 = tpu.memref_slice %arg8[%add3A_176, %dma_start3A_180] : memref<5008x128xf32, #tpu.memory_space<vmem_shared>> -> memref<17x128xf32, #tpu.memory_space<vmem_shared>>
          %dma_start3A_182 = arith.constant 0 : i32
          %dma_start3A_183 = tpu.memref_slice %arg8[%add3A_176, %dma_start3A_182] : memref<5008x128xf32, #tpu.memory_space<vmem_shared>> -> memref<17x128xf32, #tpu.memory_space<vmem_shared>>
          %dma_start3A_184 = arith.constant 0 : i32
          %dma_start3A_185 = arith.constant 0 : i32
          %dma_start3A_186 = tpu.memref_slice %run_scoped3A_8[%dma_start3A_184, %dma_start3A_185] : memref<48x128xf32, #tpu.memory_space<vmem>> -> memref<17x128xf32, #tpu.memory_space<vmem>>
          tpu.enqueue_dma source(%dma_start3A_186 : memref<17x128xf32, #tpu.memory_space<vmem>>) target(%dma_start3A_183 : memref<17x128xf32, #tpu.memory_space<vmem_shared>>) target_semaphore(%run_scoped3A_177 : memref<!tpu.dma_semaphore, #tpu.memory_space<semaphore_mem>>)
          %dma_wait3A = arith.constant 0 : i32
          %dma_wait3A_187 = arith.constant 0 : i32
          %dma_wait3A_188 = tpu.memref_slice %run_scoped3A_8[%dma_wait3A, %dma_wait3A_187] : memref<48x128xf32, #tpu.memory_space<vmem>> -> memref<17x128xf32, #tpu.memory_space<vmem>>
          %dma_wait3A_189 = arith.constant 0 : i32
          %dma_wait3A_190 = tpu.memref_slice %arg8[%add3A_176, %dma_wait3A_189] : memref<5008x128xf32, #tpu.memory_space<vmem_shared>> -> memref<17x128xf32, #tpu.memory_space<vmem_shared>>
          %dma_wait3A_191 = arith.constant 0 : i32
          %dma_wait3A_192 = tpu.memref_slice %arg8[%add3A_176, %dma_wait3A_191] : memref<5008x128xf32, #tpu.memory_space<vmem_shared>> -> memref<17x128xf32, #tpu.memory_space<vmem_shared>>
          %dma_wait3A_193 = arith.constant 0 : i32
          %dma_wait3A_194 = arith.constant 0 : i32
          %dma_wait3A_195 = tpu.memref_slice %run_scoped3A_8[%dma_wait3A_193, %dma_wait3A_194] : memref<48x128xf32, #tpu.memory_space<vmem>> -> memref<17x128xf32, #tpu.memory_space<vmem>>
          tpu.wait_dma2 semaphore(%run_scoped3A_177 : memref<!tpu.dma_semaphore, #tpu.memory_space<semaphore_mem>>) src(%dma_wait3A_195 : memref<17x128xf32, #tpu.memory_space<vmem>>) dst(%dma_wait3A_192 : memref<17x128xf32, #tpu.memory_space<vmem_shared>>)
          tpu.yield
        }) : () -> ()
      } else {
      }
      %broadcast_in_dim3A = arith.constant 0 : i32
      %broadcast_in_dim3A_17 = vector.broadcast %broadcast_in_dim3A : i32 to vector<16xi32>
      %broadcast_in_dim3A_18 = arith.constant 5000 : i32
      %broadcast_in_dim3A_19 = vector.broadcast %broadcast_in_dim3A_18 : i32 to vector<16xi32>
      %scan3A = arith.constant 0 : i32
      %scan3A_20 = arith.constant 0 : i32
      %scan3A_21 = arith.constant 5 : i32
      %scan3A_22 = arith.addi %scan3A_20, %scan3A_21 : i32
      %scan3A_23 = arith.constant 1 : i32
      %scan3A_24 = scf.for %scan3A_107 = %scan3A_20 to %scan3A_22 step %scan3A_23 iter_args(%scan3A_108 = %scan3A) -> (i32)  : i32 {
        %mul3A_109 = arith.constant 10000 : i32
        %mul3A_110 = arith.muli %arg1, %mul3A_109 : i32
        %mul3A_111 = arith.constant 2000 : i32
        %mul3A_112 = arith.muli %scan3A_107, %mul3A_111 : i32
        %add3A_113 = arith.addi %mul3A_110, %mul3A_112 : i32
        %run_scoped3A_114 = arith.constant 0 : i32
        "tpu.region"() ({
          %run_scoped3A_122 = tpu.sem_alloc : memref<!tpu.dma_semaphore, #tpu.memory_space<semaphore_mem>>
          %dma_start3A = tpu.memref_slice %arg2[%run_scoped3A_114, %add3A_113] : memref<2x160000xi32, #tpu.memory_space<hbm>> -> memref<1x2000xi32, #tpu.memory_space<hbm>>
          %dma_start3A_123 = tpu.memref_squeeze %dma_start3A : memref<1x2000xi32, #tpu.memory_space<hbm>> -> memref<2000xi32, #tpu.memory_space<hbm>>
          %dma_start3A_124 = tpu.memref_slice %arg2[%run_scoped3A_114, %add3A_113] : memref<2x160000xi32, #tpu.memory_space<hbm>> -> memref<1x2000xi32, #tpu.memory_space<hbm>>
          %dma_start3A_125 = tpu.memref_squeeze %dma_start3A_124 : memref<1x2000xi32, #tpu.memory_space<hbm>> -> memref<2000xi32, #tpu.memory_space<hbm>>
          tpu.enqueue_dma source(%dma_start3A_125 : memref<2000xi32, #tpu.memory_space<hbm>>) target(%run_scoped3A : memref<2000xi32, #tpu.memory_space<vmem>>) target_semaphore(%run_scoped3A_122 : memref<!tpu.dma_semaphore, #tpu.memory_space<semaphore_mem>>)
          %dma_wait3A = tpu.memref_slice %arg2[%run_scoped3A_114, %add3A_113] : memref<2x160000xi32, #tpu.memory_space<hbm>> -> memref<1x2000xi32, #tpu.memory_space<hbm>>
          %dma_wait3A_126 = tpu.memref_squeeze %dma_wait3A : memref<1x2000xi32, #tpu.memory_space<hbm>> -> memref<2000xi32, #tpu.memory_space<hbm>>
          %dma_wait3A_127 = tpu.memref_slice %arg2[%run_scoped3A_114, %add3A_113] : memref<2x160000xi32, #tpu.memory_space<hbm>> -> memref<1x2000xi32, #tpu.memory_space<hbm>>
          %dma_wait3A_128 = tpu.memref_squeeze %dma_wait3A_127 : memref<1x2000xi32, #tpu.memory_space<hbm>> -> memref<2000xi32, #tpu.memory_space<hbm>>
          tpu.wait_dma2 semaphore(%run_scoped3A_122 : memref<!tpu.dma_semaphore, #tpu.memory_space<semaphore_mem>>) src(%dma_wait3A_128 : memref<2000xi32, #tpu.memory_space<hbm>>) dst(%run_scoped3A : memref<2000xi32, #tpu.memory_space<vmem>>)
          tpu.yield
        }) : () -> ()
        %run_scoped3A_115 = arith.constant 1 : i32
        "tpu.region"() ({
          %run_scoped3A_122 = tpu.sem_alloc : memref<!tpu.dma_semaphore, #tpu.memory_space<semaphore_mem>>
          %dma_start3A = tpu.memref_slice %arg2[%run_scoped3A_115, %add3A_113] : memref<2x160000xi32, #tpu.memory_space<hbm>> -> memref<1x2000xi32, #tpu.memory_space<hbm>>
          %dma_start3A_123 = tpu.memref_squeeze %dma_start3A : memref<1x2000xi32, #tpu.memory_space<hbm>> -> memref<2000xi32, #tpu.memory_space<hbm>>
          %dma_start3A_124 = tpu.memref_slice %arg2[%run_scoped3A_115, %add3A_113] : memref<2x160000xi32, #tpu.memory_space<hbm>> -> memref<1x2000xi32, #tpu.memory_space<hbm>>
          %dma_start3A_125 = tpu.memref_squeeze %dma_start3A_124 : memref<1x2000xi32, #tpu.memory_space<hbm>> -> memref<2000xi32, #tpu.memory_space<hbm>>
          tpu.enqueue_dma source(%dma_start3A_125 : memref<2000xi32, #tpu.memory_space<hbm>>) target(%run_scoped3A_4 : memref<2000xi32, #tpu.memory_space<vmem>>) target_semaphore(%run_scoped3A_122 : memref<!tpu.dma_semaphore, #tpu.memory_space<semaphore_mem>>)
          %dma_wait3A = tpu.memref_slice %arg2[%run_scoped3A_115, %add3A_113] : memref<2x160000xi32, #tpu.memory_space<hbm>> -> memref<1x2000xi32, #tpu.memory_space<hbm>>
          %dma_wait3A_126 = tpu.memref_squeeze %dma_wait3A : memref<1x2000xi32, #tpu.memory_space<hbm>> -> memref<2000xi32, #tpu.memory_space<hbm>>
          %dma_wait3A_127 = tpu.memref_slice %arg2[%run_scoped3A_115, %add3A_113] : memref<2x160000xi32, #tpu.memory_space<hbm>> -> memref<1x2000xi32, #tpu.memory_space<hbm>>
          %dma_wait3A_128 = tpu.memref_squeeze %dma_wait3A_127 : memref<1x2000xi32, #tpu.memory_space<hbm>> -> memref<2000xi32, #tpu.memory_space<hbm>>
          tpu.wait_dma2 semaphore(%run_scoped3A_122 : memref<!tpu.dma_semaphore, #tpu.memory_space<semaphore_mem>>) src(%dma_wait3A_128 : memref<2000xi32, #tpu.memory_space<hbm>>) dst(%run_scoped3A_4 : memref<2000xi32, #tpu.memory_space<vmem>>)
          tpu.yield
        }) : () -> ()
        %scan3A_116 = arith.constant 0 : i32
        %scan3A_117 = arith.constant 125 : i32
        %scan3A_118 = arith.addi %scan3A_116, %scan3A_117 : i32
        %scan3A_119 = arith.constant 1 : i32
        %scan3A_120 = scf.for %scan3A_122 = %scan3A_116 to %scan3A_118 step %scan3A_119 iter_args(%scan3A_123 = %scan3A_108) -> (i32)  : i32 {
          %mul3A_124 = arith.constant 16 : i32
          %mul3A_125 = arith.muli %scan3A_122, %mul3A_124 : i32
          %get3A = arith.index_cast %mul3A_125 : i32 to index
          %get3A_126 = tpu.vector_load %run_scoped3A_4[%get3A] {strides = array<i32>} : memref<2000xi32, #tpu.memory_space<vmem>>, vector<16xi32>,
          %get3A_127 = arith.index_cast %mul3A_125 : i32 to index
          %get3A_128 = tpu.vector_load %run_scoped3A[%get3A_127] {strides = array<i32>} : memref<2000xi32, #tpu.memory_space<vmem>>, vector<16xi32>,
          %ge3A = vector.broadcast %mul3A_0 : i32 to vector<16xi32>
          %ge3A_129 = arith.cmpi sge, %get3A_126, %ge3A : vector<16xi32>
          %lt3A_130 = vector.broadcast %add3A_1 : i32 to vector<16xi32>
          %lt3A_131 = arith.cmpi slt, %get3A_126, %lt3A_130 : vector<16xi32>
          %and3A_132 = arith.andi %ge3A_129, %lt3A_131 : vector<16xi1>
          %swap3A = arith.index_cast %scan3A_123 : i32 to index
          %swap3A_133 = tpu.vector_load %run_scoped3A_5[%swap3A] masked %and3A_132 {strides = array<i32>} : memref<10080xi32, #tpu.memory_space<vmem>>, vector<16xi32>, vector<16xi1>
          tpu.vector_store %run_scoped3A_5[%swap3A], %get3A_128 masked %and3A_132 {strides = array<i32>} : memref<10080xi32, #tpu.memory_space<vmem>>, vector<16xi32>, vector<16xi1>
          %sub3A_134 = vector.broadcast %mul3A_0 : i32 to vector<16xi32>
          %sub3A_135 = arith.subi %get3A_126, %sub3A_134 : vector<16xi32>
          %swap3A_136 = arith.index_cast %scan3A_123 : i32 to index
          %swap3A_137 = tpu.vector_load %run_scoped3A_6[%swap3A_136] masked %and3A_132 {strides = array<i32>} : memref<10080xi32, #tpu.memory_space<vmem>>, vector<16xi32>, vector<16xi1>
          tpu.vector_store %run_scoped3A_6[%swap3A_136], %sub3A_135 masked %and3A_132 {strides = array<i32>} : memref<10080xi32, #tpu.memory_space<vmem>>, vector<16xi32>, vector<16xi1>
          %convert_element_type3A_138 = arith.extui %and3A_132 : vector<16xi1> to vector<16xi32>
          %reduce_sum3A = arith.constant true
          %reduce_sum3A_139 = vector.broadcast %reduce_sum3A : i1 to vector<16xi1>
          %reduce_sum3A_140 = tpu.scan <sum>, %convert_element_type3A_138 masked %reduce_sum3A_139 : vector<16xi32>, vector<16xi1> -> vector<16xi32>
          %reduce_sum3A_141 = vector.extract %reduce_sum3A_140[15] : i32 from vector<16xi32>
          %add3A_142 = arith.addi %scan3A_123, %reduce_sum3A_141 : i32
          scf.yield %add3A_142 : i32
        }
        %scan3A_121 = arith.constant 125 : i32
        scf.yield %scan3A_120 : i32
      }
      %scan3A_25 = arith.constant 5 : i32
      %broadcast_in_dim3A_26 = arith.constant true
      %broadcast_in_dim3A_27 = vector.broadcast %broadcast_in_dim3A_26 : i1 to vector<16xi1>
      %scan3A_28 = arith.constant 0 : i32
      %scan3A_29 = arith.constant 0 : i32
      %scan3A_30 = arith.constant 3 : i32
      %scan3A_31 = arith.addi %scan3A_29, %scan3A_30 : i32
      %scan3A_32 = arith.constant 1 : i32
      %scan3A_33 = scf.for %scan3A_107 = %scan3A_29 to %scan3A_31 step %scan3A_32 iter_args(%scan3A_108 = %scan3A_28) -> (i32)  : i32 {
        %mul3A_109 = arith.constant 16 : i32
        %mul3A_110 = arith.muli %scan3A_107, %mul3A_109 : i32
        %add3A_111 = arith.addi %scan3A_24, %mul3A_110 : i32
        %swap3A = arith.index_cast %add3A_111 : i32 to index
        %swap3A_112 = tpu.vector_load %run_scoped3A_5[%swap3A] masked %broadcast_in_dim3A_27 {strides = array<i32>} : memref<10080xi32, #tpu.memory_space<vmem>>, vector<16xi32>, vector<16xi1>
        tpu.vector_store %run_scoped3A_5[%swap3A], %broadcast_in_dim3A_17 masked %broadcast_in_dim3A_27 {strides = array<i32>} : memref<10080xi32, #tpu.memory_space<vmem>>, vector<16xi32>, vector<16xi1>
        %mul3A_113 = arith.constant 16 : i32
        %mul3A_114 = arith.muli %scan3A_107, %mul3A_113 : i32
        %add3A_115 = arith.addi %scan3A_24, %mul3A_114 : i32
        %swap3A_116 = arith.index_cast %add3A_115 : i32 to index
        %swap3A_117 = tpu.vector_load %run_scoped3A_6[%swap3A_116] masked %broadcast_in_dim3A_27 {strides = array<i32>} : memref<10080xi32, #tpu.memory_space<vmem>>, vector<16xi32>, vector<16xi1>
        tpu.vector_store %run_scoped3A_6[%swap3A_116], %broadcast_in_dim3A_19 masked %broadcast_in_dim3A_27 {strides = array<i32>} : memref<10080xi32, #tpu.memory_space<vmem>>, vector<16xi32>, vector<16xi1>
        %scan3A_118 = arith.constant 0 : i32
        scf.yield %scan3A_118 : i32
      }
      %scan3A_34 = arith.constant 3 : i32
      %barrier3A = arith.constant 0 : index
      tpu.barrier barrier_id(%barrier3A)
      %add3A_35 = arith.constant 48 : i32
      %add3A_36 = arith.addi %scan3A_24, %add3A_35 : i32
      %sub3A = arith.constant 1 : i32
      %sub3A_37 = arith.subi %add3A_36, %sub3A : i32
      %jit3A = arith.constant 48 : i32
      %div3A = arith.divsi %sub3A_37, %jit3A : i32
      %sign3A = arith.constant 0 : i32
      %sign3A_38 = arith.cmpi sgt, %sub3A_37, %sign3A : i32
      %sign3A_39 = arith.extui %sign3A_38 : i1 to i32
      %sign3A_40 = arith.constant 0 : i32
      %sign3A_41 = arith.cmpi slt, %sub3A_37, %sign3A_40 : i32
      %sign3A_42 = arith.extui %sign3A_41 : i1 to i32
      %sign3A_43 = arith.subi %sign3A_39, %sign3A_42 : i32
      %sign3A_44 = arith.constant 0 : i32
      %sign3A_45 = arith.cmpi sgt, %jit3A, %sign3A_44 : i32
      %sign3A_46 = arith.extui %sign3A_45 : i1 to i32
      %sign3A_47 = arith.constant 0 : i32
      %sign3A_48 = arith.cmpi slt, %jit3A, %sign3A_47 : i32
      %sign3A_49 = arith.extui %sign3A_48 : i1 to i32
      %sign3A_50 = arith.subi %sign3A_46, %sign3A_49 : i32
      %ne3A = arith.cmpi ne, %sign3A_43, %sign3A_50 : i32
      %rem3A = arith.remsi %sub3A_37, %jit3A : i32
      %ne3A_51 = arith.constant 0 : i32
      %ne3A_52 = arith.cmpi ne, %rem3A, %ne3A_51 : i32
      %and3A = arith.andi %ne3A, %ne3A_52 : i1
      %sub3A_53 = arith.constant 1 : i32
      %sub3A_54 = arith.subi %div3A, %sub3A_53 : i32
      %select_n3A = arith.select %and3A, %sub3A_54, %div3A : i32
      %gt3A = arith.constant 0 : i32
      %gt3A_55 = arith.cmpi sgt, %select_n3A, %gt3A : i32
      %convert_element_type3A_56 = arith.extui %gt3A_55 : i1 to i32
      %cond3A_57 = arith.constant 0 : i32
      %cond3A_58 = arith.cmpi ne, %convert_element_type3A_56, %cond3A_57 : i32
      scf.if %cond3A_58 {
        %dma_start3A = arith.constant 0 : i32
        %dma_start3A_107 = tpu.memref_slice %run_scoped3A_5[%dma_start3A] : memref<10080xi32, #tpu.memory_space<vmem>> -> memref<48xi32, #tpu.memory_space<vmem>>
        %dma_start3A_108 = arith.constant 0 : i32
        %dma_start3A_109 = arith.constant 0 : i32
        %dma_start3A_110 = tpu.memref_slice %arg3[%dma_start3A_108, %dma_start3A_109] : memref<10000x128xf32, #tpu.memory_space<hbm>> -> memref<10000x128xf32, #tpu.memory_space<hbm>>
        tpu.enqueue_indirect_dma source(%dma_start3A_110 : memref<10000x128xf32, #tpu.memory_space<hbm>>) target(%run_scoped3A_7 : memref<48x128xf32, #tpu.memory_space<vmem>>) offsets(%dma_start3A_107 : memref<48xi32, #tpu.memory_space<vmem>>) semaphore(%arg9 : memref<!tpu.dma_semaphore, #tpu.memory_space<semaphore_mem>>)
        %dma_start3A_111 = arith.constant 0 : i32
        %dma_start3A_112 = tpu.memref_slice %run_scoped3A_5[%dma_start3A_111] : memref<10080xi32, #tpu.memory_space<vmem>> -> memref<48xi32, #tpu.memory_space<vmem>>
        %dma_start3A_113 = arith.constant 0 : i32
        %dma_start3A_114 = arith.constant 0 : i32
        %dma_start3A_115 = tpu.memref_slice %arg4[%dma_start3A_113, %dma_start3A_114] : memref<10000x128xf32, #tpu.memory_space<hbm>> -> memref<10000x128xf32, #tpu.memory_space<hbm>>
        tpu.enqueue_indirect_dma source(%dma_start3A_115 : memref<10000x128xf32, #tpu.memory_space<hbm>>) target(%run_scoped3A_8 : memref<48x128xf32, #tpu.memory_space<vmem>>) offsets(%dma_start3A_112 : memref<48xi32, #tpu.memory_space<vmem>>) semaphore(%arg9 : memref<!tpu.dma_semaphore, #tpu.memory_space<semaphore_mem>>)
      } else {
      }
      %add3A_59 = arith.constant 1 : i32
      %add3A_60 = arith.addi %select_n3A, %add3A_59 : i32
      %jit3A_61 = arith.constant 2 : i32
      %div3A_62 = arith.divsi %add3A_60, %jit3A_61 : i32
      %sign3A_63 = arith.constant 0 : i32
      %sign3A_64 = arith.cmpi sgt, %add3A_60, %sign3A_63 : i32
      %sign3A_65 = arith.extui %sign3A_64 : i1 to i32
      %sign3A_66 = arith.constant 0 : i32
      %sign3A_67 = arith.cmpi slt, %add3A_60, %sign3A_66 : i32
      %sign3A_68 = arith.extui %sign3A_67 : i1 to i32
      %sign3A_69 = arith.subi %sign3A_65, %sign3A_68 : i32
      %sign3A_70 = arith.constant 0 : i32
      %sign3A_71 = arith.cmpi sgt, %jit3A_61, %sign3A_70 : i32
      %sign3A_72 = arith.extui %sign3A_71 : i1 to i32
      %sign3A_73 = arith.constant 0 : i32
      %sign3A_74 = arith.cmpi slt, %jit3A_61, %sign3A_73 : i32
      %sign3A_75 = arith.extui %sign3A_74 : i1 to i32
      %sign3A_76 = arith.subi %sign3A_72, %sign3A_75 : i32
      %ne3A_77 = arith.cmpi ne, %sign3A_69, %sign3A_76 : i32
      %rem3A_78 = arith.remsi %add3A_60, %jit3A_61 : i32
      %ne3A_79 = arith.constant 0 : i32
      %ne3A_80 = arith.cmpi ne, %rem3A_78, %ne3A_79 : i32
      %and3A_81 = arith.andi %ne3A_77, %ne3A_80 : i1
      %sub3A_82 = arith.constant 1 : i32
      %sub3A_83 = arith.subi %div3A_62, %sub3A_82 : i32
      %select_n3A_84 = arith.select %and3A_81, %sub3A_83, %div3A_62 : i32
      %while3A = arith.constant 0 : i32
      %while3A_85 = arith.constant 0 : i32
      %while3A_86 = arith.subi %select_n3A_84, %while3A : i32
      %while3A_87 = arith.addi %while3A, %while3A_86 : i32
      %while3A_88 = arith.constant 1 : i32
      %while3A_89 = arith.divsi %while3A_86, %while3A_88 : i32
      %while3A_90 = arith.muli %while3A_89, %while3A_88 : i32
      %while3A_91 = arith.addi %while3A, %while3A_90 : i32
      %while3A_92 = arith.constant 1 : i32
      %while3A_93 = scf.for %while3A_107 = %while3A to %while3A_91 step %while3A_92 iter_args(%while3A_108 = %while3A_85) -> (i32)  : i32 {
        %mul3A_109 = arith.constant 2 : i32
        %mul3A_110 = arith.muli %mul3A_109, %while3A_107 : i32
        %add3A_111 = arith.constant 1 : i32
        %add3A_112 = arith.addi %mul3A_110, %add3A_111 : i32
        %dma_wait3A = arith.constant 0 : i32
        %dma_wait3A_113 = arith.constant 0 : i32
        %dma_wait3A_114 = tpu.memref_slice %arg3[%dma_wait3A, %dma_wait3A_113] : memref<10000x128xf32, #tpu.memory_space<hbm>> -> memref<48x128xf32, #tpu.memory_space<hbm>>
        %dma_wait3A_115 = arith.constant 0 : i32
        %dma_wait3A_116 = arith.constant 0 : i32
        %dma_wait3A_117 = tpu.memref_slice %arg3[%dma_wait3A_115, %dma_wait3A_116] : memref<10000x128xf32, #tpu.memory_space<hbm>> -> memref<48x128xf32, #tpu.memory_space<hbm>>
        tpu.wait_dma2 semaphore(%arg9 : memref<!tpu.dma_semaphore, #tpu.memory_space<semaphore_mem>>) src(%dma_wait3A_117 : memref<48x128xf32, #tpu.memory_space<hbm>>) dst(%run_scoped3A_7 : memref<48x128xf32, #tpu.memory_space<vmem>>)
        %dma_wait3A_118 = arith.constant 0 : i32
        %dma_wait3A_119 = arith.constant 0 : i32
        %dma_wait3A_120 = tpu.memref_slice %arg4[%dma_wait3A_118, %dma_wait3A_119] : memref<10000x128xf32, #tpu.memory_space<hbm>> -> memref<48x128xf32, #tpu.memory_space<hbm>>
        %dma_wait3A_121 = arith.constant 0 : i32
        %dma_wait3A_122 = arith.constant 0 : i32
        %dma_wait3A_123 = tpu.memref_slice %arg4[%dma_wait3A_121, %dma_wait3A_122] : memref<10000x128xf32, #tpu.memory_space<hbm>> -> memref<48x128xf32, #tpu.memory_space<hbm>>
        tpu.wait_dma2 semaphore(%arg9 : memref<!tpu.dma_semaphore, #tpu.memory_space<semaphore_mem>>) src(%dma_wait3A_123 : memref<48x128xf32, #tpu.memory_space<hbm>>) dst(%run_scoped3A_8 : memref<48x128xf32, #tpu.memory_space<vmem>>)
        %lt3A_124 = arith.cmpi slt, %add3A_112, %select_n3A : i32
        %convert_element_type3A_125 = arith.extui %lt3A_124 : i1 to i32
        %cond3A_126 = arith.constant 0 : i32
        %cond3A_127 = arith.cmpi ne, %convert_element_type3A_125, %cond3A_126 : i32
        scf.if %cond3A_127 {
          %mul3A_150 = arith.constant 48 : i32
          %mul3A_151 = arith.muli %add3A_112, %mul3A_150 : i32
          %dma_start3A_152 = tpu.memref_slice %run_scoped3A_5[%mul3A_151] : memref<10080xi32, #tpu.memory_space<vmem>> -> memref<48xi32, #tpu.memory_space<vmem>>
          %dma_start3A_153 = arith.constant 0 : i32
          %dma_start3A_154 = arith.constant 0 : i32
          %dma_start3A_155 = tpu.memref_slice %arg3[%dma_start3A_153, %dma_start3A_154] : memref<10000x128xf32, #tpu.memory_space<hbm>> -> memref<10000x128xf32, #tpu.memory_space<hbm>>
          tpu.enqueue_indirect_dma source(%dma_start3A_155 : memref<10000x128xf32, #tpu.memory_space<hbm>>) target(%run_scoped3A_9 : memref<48x128xf32, #tpu.memory_space<vmem>>) offsets(%dma_start3A_152 : memref<48xi32, #tpu.memory_space<vmem>>) semaphore(%arg10 : memref<!tpu.dma_semaphore, #tpu.memory_space<semaphore_mem>>)
          %dma_start3A_156 = tpu.memref_slice %run_scoped3A_5[%mul3A_151] : memref<10080xi32, #tpu.memory_space<vmem>> -> memref<48xi32, #tpu.memory_space<vmem>>
          %dma_start3A_157 = arith.constant 0 : i32
          %dma_start3A_158 = arith.constant 0 : i32
          %dma_start3A_159 = tpu.memref_slice %arg4[%dma_start3A_157, %dma_start3A_158] : memref<10000x128xf32, #tpu.memory_space<hbm>> -> memref<10000x128xf32, #tpu.memory_space<hbm>>
          tpu.enqueue_indirect_dma source(%dma_start3A_159 : memref<10000x128xf32, #tpu.memory_space<hbm>>) target(%run_scoped3A_10 : memref<48x128xf32, #tpu.memory_space<vmem>>) offsets(%dma_start3A_156 : memref<48xi32, #tpu.memory_space<vmem>>) semaphore(%arg10 : memref<!tpu.dma_semaphore, #tpu.memory_space<semaphore_mem>>)
        } else {
        }
        %mul3A_128 = arith.constant 48 : i32
        %mul3A_129 = arith.muli %mul3A_110, %mul3A_128 : i32
        %dma_start3A = tpu.memref_slice %run_scoped3A_6[%mul3A_129] : memref<10080xi32, #tpu.memory_space<vmem>> -> memref<48xi32, #tpu.memory_space<vmem>>
        %dma_start3A_130 = arith.constant 0 : i32
        %dma_start3A_131 = arith.constant 0 : i32
        %dma_start3A_132 = tpu.memref_slice %arg7[%dma_start3A_130, %dma_start3A_131] : memref<5008x128xf32, #tpu.memory_space<vmem_shared>> -> memref<5008x128xf32, #tpu.memory_space<vmem_shared>>
        tpu.enqueue_indirect_dma source(%run_scoped3A_7 : memref<48x128xf32, #tpu.memory_space<vmem>>) target(%dma_start3A_132 : memref<5008x128xf32, #tpu.memory_space<vmem_shared>>) offsets(%dma_start3A : memref<48xi32, #tpu.memory_space<vmem>>) semaphore(%arg11 : memref<!tpu.dma_semaphore, #tpu.memory_space<semaphore_mem>>) {add = true}
        %dma_start3A_133 = tpu.memref_slice %run_scoped3A_6[%mul3A_129] : memref<10080xi32, #tpu.memory_space<vmem>> -> memref<48xi32, #tpu.memory_space<vmem>>
        %dma_start3A_134 = arith.constant 0 : i32
        %dma_start3A_135 = arith.constant 0 : i32
        %dma_start3A_136 = tpu.memref_slice %arg8[%dma_start3A_134, %dma_start3A_135] : memref<5008x128xf32, #tpu.memory_space<vmem_shared>> -> memref<5008x128xf32, #tpu.memory_space<vmem_shared>>
        tpu.enqueue_indirect_dma source(%run_scoped3A_8 : memref<48x128xf32, #tpu.memory_space<vmem>>) target(%dma_start3A_136 : memref<5008x128xf32, #tpu.memory_space<vmem_shared>>) offsets(%dma_start3A_133 : memref<48xi32, #tpu.memory_space<vmem>>) semaphore(%arg11 : memref<!tpu.dma_semaphore, #tpu.memory_space<semaphore_mem>>) {add = true}
        %dma_wait3A_137 = tpu.memref_slice %run_scoped3A_6[%mul3A_129] : memref<10080xi32, #tpu.memory_space<vmem>> -> memref<48xi32, #tpu.memory_space<vmem>>
        %dma_wait3A_138 = arith.constant 0 : i32
        %dma_wait3A_139 = arith.constant 0 : i32
        %dma_wait3A_140 = tpu.memref_slice %arg7[%dma_wait3A_138, %dma_wait3A_139] : memref<5008x128xf32, #tpu.memory_space<vmem_shared>> -> memref<5008x128xf32, #tpu.memory_space<vmem_shared>>
        tpu.wait_indirect_dma semaphore(%arg11 : memref<!tpu.dma_semaphore, #tpu.memory_space<semaphore_mem>>) src(%run_scoped3A_7 : memref<48x128xf32, #tpu.memory_space<vmem>>) dst(%dma_wait3A_140 : memref<5008x128xf32, #tpu.memory_space<vmem_shared>>)
        %dma_wait3A_141 = tpu.memref_slice %run_scoped3A_6[%mul3A_129] : memref<10080xi32, #tpu.memory_space<vmem>> -> memref<48xi32, #tpu.memory_space<vmem>>
        %dma_wait3A_142 = arith.constant 0 : i32
        %dma_wait3A_143 = arith.constant 0 : i32
        %dma_wait3A_144 = tpu.memref_slice %arg8[%dma_wait3A_142, %dma_wait3A_143] : memref<5008x128xf32, #tpu.memory_space<vmem_shared>> -> memref<5008x128xf32, #tpu.memory_space<vmem_shared>>
        tpu.wait_indirect_dma semaphore(%arg11 : memref<!tpu.dma_semaphore, #tpu.memory_space<semaphore_mem>>) src(%run_scoped3A_8 : memref<48x128xf32, #tpu.memory_space<vmem>>) dst(%dma_wait3A_144 : memref<5008x128xf32, #tpu.memory_space<vmem_shared>>)
        %lt3A_145 = arith.cmpi slt, %add3A_112, %select_n3A : i32
        %convert_element_type3A_146 = arith.extui %lt3A_145 : i1 to i32
        %cond3A_147 = arith.constant 0 : i32
        %cond3A_148 = arith.cmpi ne, %convert_element_type3A_146, %cond3A_147 : i32
        scf.if %cond3A_148 {
          %dma_wait3A_150 = arith.constant 0 : i32
          %dma_wait3A_151 = arith.constant 0 : i32
          %dma_wait3A_152 = tpu.memref_slice %arg3[%dma_wait3A_150, %dma_wait3A_151] : memref<10000x128xf32, #tpu.memory_space<hbm>> -> memref<48x128xf32, #tpu.memory_space<hbm>>
          %dma_wait3A_153 = arith.constant 0 : i32
          %dma_wait3A_154 = arith.constant 0 : i32
          %dma_wait3A_155 = tpu.memref_slice %arg3[%dma_wait3A_153, %dma_wait3A_154] : memref<10000x128xf32, #tpu.memory_space<hbm>> -> memref<48x128xf32, #tpu.memory_space<hbm>>
          tpu.wait_dma2 semaphore(%arg10 : memref<!tpu.dma_semaphore, #tpu.memory_space<semaphore_mem>>) src(%dma_wait3A_155 : memref<48x128xf32, #tpu.memory_space<hbm>>) dst(%run_scoped3A_9 : memref<48x128xf32, #tpu.memory_space<vmem>>)
          %dma_wait3A_156 = arith.constant 0 : i32
          %dma_wait3A_157 = arith.constant 0 : i32
          %dma_wait3A_158 = tpu.memref_slice %arg4[%dma_wait3A_156, %dma_wait3A_157] : memref<10000x128xf32, #tpu.memory_space<hbm>> -> memref<48x128xf32, #tpu.memory_space<hbm>>
          %dma_wait3A_159 = arith.constant 0 : i32
          %dma_wait3A_160 = arith.constant 0 : i32
          %dma_wait3A_161 = tpu.memref_slice %arg4[%dma_wait3A_159, %dma_wait3A_160] : memref<10000x128xf32, #tpu.memory_space<hbm>> -> memref<48x128xf32, #tpu.memory_space<hbm>>
          tpu.wait_dma2 semaphore(%arg10 : memref<!tpu.dma_semaphore, #tpu.memory_space<semaphore_mem>>) src(%dma_wait3A_161 : memref<48x128xf32, #tpu.memory_space<hbm>>) dst(%run_scoped3A_10 : memref<48x128xf32, #tpu.memory_space<vmem>>)
          %add3A_162 = arith.constant 2 : i32
          %add3A_163 = arith.addi %mul3A_110, %add3A_162 : i32
          %lt3A_164 = arith.cmpi slt, %add3A_163, %select_n3A : i32
          %convert_element_type3A_165 = arith.extui %lt3A_164 : i1 to i32
          %cond3A_166 = arith.constant 0 : i32
          %cond3A_167 = arith.cmpi ne, %convert_element_type3A_165, %cond3A_166 : i32
          scf.if %cond3A_167 {
            %add3A_186 = arith.constant 2 : i32
            %add3A_187 = arith.addi %mul3A_110, %add3A_186 : i32
            %mul3A_188 = arith.constant 48 : i32
            %mul3A_189 = arith.muli %add3A_187, %mul3A_188 : i32
            %dma_start3A_190 = tpu.memref_slice %run_scoped3A_5[%mul3A_189] : memref<10080xi32, #tpu.memory_space<vmem>> -> memref<48xi32, #tpu.memory_space<vmem>>
            %dma_start3A_191 = arith.constant 0 : i32
            %dma_start3A_192 = arith.constant 0 : i32
            %dma_start3A_193 = tpu.memref_slice %arg3[%dma_start3A_191, %dma_start3A_192] : memref<10000x128xf32, #tpu.memory_space<hbm>> -> memref<10000x128xf32, #tpu.memory_space<hbm>>
            tpu.enqueue_indirect_dma source(%dma_start3A_193 : memref<10000x128xf32, #tpu.memory_space<hbm>>) target(%run_scoped3A_7 : memref<48x128xf32, #tpu.memory_space<vmem>>) offsets(%dma_start3A_190 : memref<48xi32, #tpu.memory_space<vmem>>) semaphore(%arg9 : memref<!tpu.dma_semaphore, #tpu.memory_space<semaphore_mem>>)
            %dma_start3A_194 = tpu.memref_slice %run_scoped3A_5[%mul3A_189] : memref<10080xi32, #tpu.memory_space<vmem>> -> memref<48xi32, #tpu.memory_space<vmem>>
            %dma_start3A_195 = arith.constant 0 : i32
            %dma_start3A_196 = arith.constant 0 : i32
            %dma_start3A_197 = tpu.memref_slice %arg4[%dma_start3A_195, %dma_start3A_196] : memref<10000x128xf32, #tpu.memory_space<hbm>> -> memref<10000x128xf32, #tpu.memory_space<hbm>>
            tpu.enqueue_indirect_dma source(%dma_start3A_197 : memref<10000x128xf32, #tpu.memory_space<hbm>>) target(%run_scoped3A_8 : memref<48x128xf32, #tpu.memory_space<vmem>>) offsets(%dma_start3A_194 : memref<48xi32, #tpu.memory_space<vmem>>) semaphore(%arg9 : memref<!tpu.dma_semaphore, #tpu.memory_space<semaphore_mem>>)
          } else {
          }
          %mul3A_168 = arith.constant 48 : i32
          %mul3A_169 = arith.muli %add3A_112, %mul3A_168 : i32
          %dma_start3A_170 = tpu.memref_slice %run_scoped3A_6[%mul3A_169] : memref<10080xi32, #tpu.memory_space<vmem>> -> memref<48xi32, #tpu.memory_space<vmem>>
          %dma_start3A_171 = arith.constant 0 : i32
          %dma_start3A_172 = arith.constant 0 : i32
          %dma_start3A_173 = tpu.memref_slice %arg7[%dma_start3A_171, %dma_start3A_172] : memref<5008x128xf32, #tpu.memory_space<vmem_shared>> -> memref<5008x128xf32, #tpu.memory_space<vmem_shared>>
          tpu.enqueue_indirect_dma source(%run_scoped3A_9 : memref<48x128xf32, #tpu.memory_space<vmem>>) target(%dma_start3A_173 : memref<5008x128xf32, #tpu.memory_space<vmem_shared>>) offsets(%dma_start3A_170 : memref<48xi32, #tpu.memory_space<vmem>>) semaphore(%arg11 : memref<!tpu.dma_semaphore, #tpu.memory_space<semaphore_mem>>) {add = true}
          %dma_start3A_174 = tpu.memref_slice %run_scoped3A_6[%mul3A_169] : memref<10080xi32, #tpu.memory_space<vmem>> -> memref<48xi32, #tpu.memory_space<vmem>>
          %dma_start3A_175 = arith.constant 0 : i32
          %dma_start3A_176 = arith.constant 0 : i32
          %dma_start3A_177 = tpu.memref_slice %arg8[%dma_start3A_175, %dma_start3A_176] : memref<5008x128xf32, #tpu.memory_space<vmem_shared>> -> memref<5008x128xf32, #tpu.memory_space<vmem_shared>>
          tpu.enqueue_indirect_dma source(%run_scoped3A_10 : memref<48x128xf32, #tpu.memory_space<vmem>>) target(%dma_start3A_177 : memref<5008x128xf32, #tpu.memory_space<vmem_shared>>) offsets(%dma_start3A_174 : memref<48xi32, #tpu.memory_space<vmem>>) semaphore(%arg11 : memref<!tpu.dma_semaphore, #tpu.memory_space<semaphore_mem>>) {add = true}
          %dma_wait3A_178 = tpu.memref_slice %run_scoped3A_6[%mul3A_169] : memref<10080xi32, #tpu.memory_space<vmem>> -> memref<48xi32, #tpu.memory_space<vmem>>
          %dma_wait3A_179 = arith.constant 0 : i32
          %dma_wait3A_180 = arith.constant 0 : i32
          %dma_wait3A_181 = tpu.memref_slice %arg7[%dma_wait3A_179, %dma_wait3A_180] : memref<5008x128xf32, #tpu.memory_space<vmem_shared>> -> memref<5008x128xf32, #tpu.memory_space<vmem_shared>>
          tpu.wait_indirect_dma semaphore(%arg11 : memref<!tpu.dma_semaphore, #tpu.memory_space<semaphore_mem>>) src(%run_scoped3A_9 : memref<48x128xf32, #tpu.memory_space<vmem>>) dst(%dma_wait3A_181 : memref<5008x128xf32, #tpu.memory_space<vmem_shared>>)
          %dma_wait3A_182 = tpu.memref_slice %run_scoped3A_6[%mul3A_169] : memref<10080xi32, #tpu.memory_space<vmem>> -> memref<48xi32, #tpu.memory_space<vmem>>
          %dma_wait3A_183 = arith.constant 0 : i32
          %dma_wait3A_184 = arith.constant 0 : i32
          %dma_wait3A_185 = tpu.memref_slice %arg8[%dma_wait3A_183, %dma_wait3A_184] : memref<5008x128xf32, #tpu.memory_space<vmem_shared>> -> memref<5008x128xf32, #tpu.memory_space<vmem_shared>>
          tpu.wait_indirect_dma semaphore(%arg11 : memref<!tpu.dma_semaphore, #tpu.memory_space<semaphore_mem>>) src(%run_scoped3A_10 : memref<48x128xf32, #tpu.memory_space<vmem>>) dst(%dma_wait3A_185 : memref<5008x128xf32, #tpu.memory_space<vmem_shared>>)
        } else {
        }
        %while3A_149 = arith.constant 0 : i32
        scf.yield %while3A_149 : i32
      }
      %while3A_94 = arith.constant 1 : i32
      %while3A_95 = scf.for %while3A_107 = %while3A_91 to %while3A_87 step %while3A_94 iter_args(%while3A_108 = %while3A_93) -> (i32)  : i32 {
        %mul3A_109 = arith.constant 2 : i32
        %mul3A_110 = arith.muli %mul3A_109, %while3A_107 : i32
        %add3A_111 = arith.constant 1 : i32
        %add3A_112 = arith.addi %mul3A_110, %add3A_111 : i32
        %dma_wait3A = arith.constant 0 : i32
        %dma_wait3A_113 = arith.constant 0 : i32
        %dma_wait3A_114 = tpu.memref_slice %arg3[%dma_wait3A, %dma_wait3A_113] : memref<10000x128xf32, #tpu.memory_space<hbm>> -> memref<48x128xf32, #tpu.memory_space<hbm>>
        %dma_wait3A_115 = arith.constant 0 : i32
        %dma_wait3A_116 = arith.constant 0 : i32
        %dma_wait3A_117 = tpu.memref_slice %arg3[%dma_wait3A_115, %dma_wait3A_116] : memref<10000x128xf32, #tpu.memory_space<hbm>> -> memref<48x128xf32, #tpu.memory_space<hbm>>
        tpu.wait_dma2 semaphore(%arg9 : memref<!tpu.dma_semaphore, #tpu.memory_space<semaphore_mem>>) src(%dma_wait3A_117 : memref<48x128xf32, #tpu.memory_space<hbm>>) dst(%run_scoped3A_7 : memref<48x128xf32, #tpu.memory_space<vmem>>)
        %dma_wait3A_118 = arith.constant 0 : i32
        %dma_wait3A_119 = arith.constant 0 : i32
        %dma_wait3A_120 = tpu.memref_slice %arg4[%dma_wait3A_118, %dma_wait3A_119] : memref<10000x128xf32, #tpu.memory_space<hbm>> -> memref<48x128xf32, #tpu.memory_space<hbm>>
        %dma_wait3A_121 = arith.constant 0 : i32
        %dma_wait3A_122 = arith.constant 0 : i32
        %dma_wait3A_123 = tpu.memref_slice %arg4[%dma_wait3A_121, %dma_wait3A_122] : memref<10000x128xf32, #tpu.memory_space<hbm>> -> memref<48x128xf32, #tpu.memory_space<hbm>>
        tpu.wait_dma2 semaphore(%arg9 : memref<!tpu.dma_semaphore, #tpu.memory_space<semaphore_mem>>) src(%dma_wait3A_123 : memref<48x128xf32, #tpu.memory_space<hbm>>) dst(%run_scoped3A_8 : memref<48x128xf32, #tpu.memory_space<vmem>>)
        %lt3A_124 = arith.cmpi slt, %add3A_112, %select_n3A : i32
        %convert_element_type3A_125 = arith.extui %lt3A_124 : i1 to i32
        %cond3A_126 = arith.constant 0 : i32
        %cond3A_127 = arith.cmpi ne, %convert_element_type3A_125, %cond3A_126 : i32
        scf.if %cond3A_127 {
          %mul3A_150 = arith.constant 48 : i32
          %mul3A_151 = arith.muli %add3A_112, %mul3A_150 : i32
          %dma_start3A_152 = tpu.memref_slice %run_scoped3A_5[%mul3A_151] : memref<10080xi32, #tpu.memory_space<vmem>> -> memref<48xi32, #tpu.memory_space<vmem>>
          %dma_start3A_153 = arith.constant 0 : i32
          %dma_start3A_154 = arith.constant 0 : i32
          %dma_start3A_155 = tpu.memref_slice %arg3[%dma_start3A_153, %dma_start3A_154] : memref<10000x128xf32, #tpu.memory_space<hbm>> -> memref<10000x128xf32, #tpu.memory_space<hbm>>
          tpu.enqueue_indirect_dma source(%dma_start3A_155 : memref<10000x128xf32, #tpu.memory_space<hbm>>) target(%run_scoped3A_9 : memref<48x128xf32, #tpu.memory_space<vmem>>) offsets(%dma_start3A_152 : memref<48xi32, #tpu.memory_space<vmem>>) semaphore(%arg10 : memref<!tpu.dma_semaphore, #tpu.memory_space<semaphore_mem>>)
          %dma_start3A_156 = tpu.memref_slice %run_scoped3A_5[%mul3A_151] : memref<10080xi32, #tpu.memory_space<vmem>> -> memref<48xi32, #tpu.memory_space<vmem>>
          %dma_start3A_157 = arith.constant 0 : i32
          %dma_start3A_158 = arith.constant 0 : i32
          %dma_start3A_159 = tpu.memref_slice %arg4[%dma_start3A_157, %dma_start3A_158] : memref<10000x128xf32, #tpu.memory_space<hbm>> -> memref<10000x128xf32, #tpu.memory_space<hbm>>
          tpu.enqueue_indirect_dma source(%dma_start3A_159 : memref<10000x128xf32, #tpu.memory_space<hbm>>) target(%run_scoped3A_10 : memref<48x128xf32, #tpu.memory_space<vmem>>) offsets(%dma_start3A_156 : memref<48xi32, #tpu.memory_space<vmem>>) semaphore(%arg10 : memref<!tpu.dma_semaphore, #tpu.memory_space<semaphore_mem>>)
        } else {
        }
        %mul3A_128 = arith.constant 48 : i32
        %mul3A_129 = arith.muli %mul3A_110, %mul3A_128 : i32
        %dma_start3A = tpu.memref_slice %run_scoped3A_6[%mul3A_129] : memref<10080xi32, #tpu.memory_space<vmem>> -> memref<48xi32, #tpu.memory_space<vmem>>
        %dma_start3A_130 = arith.constant 0 : i32
        %dma_start3A_131 = arith.constant 0 : i32
        %dma_start3A_132 = tpu.memref_slice %arg7[%dma_start3A_130, %dma_start3A_131] : memref<5008x128xf32, #tpu.memory_space<vmem_shared>> -> memref<5008x128xf32, #tpu.memory_space<vmem_shared>>
        tpu.enqueue_indirect_dma source(%run_scoped3A_7 : memref<48x128xf32, #tpu.memory_space<vmem>>) target(%dma_start3A_132 : memref<5008x128xf32, #tpu.memory_space<vmem_shared>>) offsets(%dma_start3A : memref<48xi32, #tpu.memory_space<vmem>>) semaphore(%arg11 : memref<!tpu.dma_semaphore, #tpu.memory_space<semaphore_mem>>) {add = true}
        %dma_start3A_133 = tpu.memref_slice %run_scoped3A_6[%mul3A_129] : memref<10080xi32, #tpu.memory_space<vmem>> -> memref<48xi32, #tpu.memory_space<vmem>>
        %dma_start3A_134 = arith.constant 0 : i32
        %dma_start3A_135 = arith.constant 0 : i32
        %dma_start3A_136 = tpu.memref_slice %arg8[%dma_start3A_134, %dma_start3A_135] : memref<5008x128xf32, #tpu.memory_space<vmem_shared>> -> memref<5008x128xf32, #tpu.memory_space<vmem_shared>>
        tpu.enqueue_indirect_dma source(%run_scoped3A_8 : memref<48x128xf32, #tpu.memory_space<vmem>>) target(%dma_start3A_136 : memref<5008x128xf32, #tpu.memory_space<vmem_shared>>) offsets(%dma_start3A_133 : memref<48xi32, #tpu.memory_space<vmem>>) semaphore(%arg11 : memref<!tpu.dma_semaphore, #tpu.memory_space<semaphore_mem>>) {add = true}
        %dma_wait3A_137 = tpu.memref_slice %run_scoped3A_6[%mul3A_129] : memref<10080xi32, #tpu.memory_space<vmem>> -> memref<48xi32, #tpu.memory_space<vmem>>
        %dma_wait3A_138 = arith.constant 0 : i32
        %dma_wait3A_139 = arith.constant 0 : i32
        %dma_wait3A_140 = tpu.memref_slice %arg7[%dma_wait3A_138, %dma_wait3A_139] : memref<5008x128xf32, #tpu.memory_space<vmem_shared>> -> memref<5008x128xf32, #tpu.memory_space<vmem_shared>>
        tpu.wait_indirect_dma semaphore(%arg11 : memref<!tpu.dma_semaphore, #tpu.memory_space<semaphore_mem>>) src(%run_scoped3A_7 : memref<48x128xf32, #tpu.memory_space<vmem>>) dst(%dma_wait3A_140 : memref<5008x128xf32, #tpu.memory_space<vmem_shared>>)
        %dma_wait3A_141 = tpu.memref_slice %run_scoped3A_6[%mul3A_129] : memref<10080xi32, #tpu.memory_space<vmem>> -> memref<48xi32, #tpu.memory_space<vmem>>
        %dma_wait3A_142 = arith.constant 0 : i32
        %dma_wait3A_143 = arith.constant 0 : i32
        %dma_wait3A_144 = tpu.memref_slice %arg8[%dma_wait3A_142, %dma_wait3A_143] : memref<5008x128xf32, #tpu.memory_space<vmem_shared>> -> memref<5008x128xf32, #tpu.memory_space<vmem_shared>>
        tpu.wait_indirect_dma semaphore(%arg11 : memref<!tpu.dma_semaphore, #tpu.memory_space<semaphore_mem>>) src(%run_scoped3A_8 : memref<48x128xf32, #tpu.memory_space<vmem>>) dst(%dma_wait3A_144 : memref<5008x128xf32, #tpu.memory_space<vmem_shared>>)
        %lt3A_145 = arith.cmpi slt, %add3A_112, %select_n3A : i32
        %convert_element_type3A_146 = arith.extui %lt3A_145 : i1 to i32
        %cond3A_147 = arith.constant 0 : i32
        %cond3A_148 = arith.cmpi ne, %convert_element_type3A_146, %cond3A_147 : i32
        scf.if %cond3A_148 {
          %dma_wait3A_150 = arith.constant 0 : i32
          %dma_wait3A_151 = arith.constant 0 : i32
          %dma_wait3A_152 = tpu.memref_slice %arg3[%dma_wait3A_150, %dma_wait3A_151] : memref<10000x128xf32, #tpu.memory_space<hbm>> -> memref<48x128xf32, #tpu.memory_space<hbm>>
          %dma_wait3A_153 = arith.constant 0 : i32
          %dma_wait3A_154 = arith.constant 0 : i32
          %dma_wait3A_155 = tpu.memref_slice %arg3[%dma_wait3A_153, %dma_wait3A_154] : memref<10000x128xf32, #tpu.memory_space<hbm>> -> memref<48x128xf32, #tpu.memory_space<hbm>>
          tpu.wait_dma2 semaphore(%arg10 : memref<!tpu.dma_semaphore, #tpu.memory_space<semaphore_mem>>) src(%dma_wait3A_155 : memref<48x128xf32, #tpu.memory_space<hbm>>) dst(%run_scoped3A_9 : memref<48x128xf32, #tpu.memory_space<vmem>>)
          %dma_wait3A_156 = arith.constant 0 : i32
          %dma_wait3A_157 = arith.constant 0 : i32
          %dma_wait3A_158 = tpu.memref_slice %arg4[%dma_wait3A_156, %dma_wait3A_157] : memref<10000x128xf32, #tpu.memory_space<hbm>> -> memref<48x128xf32, #tpu.memory_space<hbm>>
          %dma_wait3A_159 = arith.constant 0 : i32
          %dma_wait3A_160 = arith.constant 0 : i32
          %dma_wait3A_161 = tpu.memref_slice %arg4[%dma_wait3A_159, %dma_wait3A_160] : memref<10000x128xf32, #tpu.memory_space<hbm>> -> memref<48x128xf32, #tpu.memory_space<hbm>>
          tpu.wait_dma2 semaphore(%arg10 : memref<!tpu.dma_semaphore, #tpu.memory_space<semaphore_mem>>) src(%dma_wait3A_161 : memref<48x128xf32, #tpu.memory_space<hbm>>) dst(%run_scoped3A_10 : memref<48x128xf32, #tpu.memory_space<vmem>>)
          %add3A_162 = arith.constant 2 : i32
          %add3A_163 = arith.addi %mul3A_110, %add3A_162 : i32
          %lt3A_164 = arith.cmpi slt, %add3A_163, %select_n3A : i32
          %convert_element_type3A_165 = arith.extui %lt3A_164 : i1 to i32
          %cond3A_166 = arith.constant 0 : i32
          %cond3A_167 = arith.cmpi ne, %convert_element_type3A_165, %cond3A_166 : i32
          scf.if %cond3A_167 {
            %add3A_186 = arith.constant 2 : i32
            %add3A_187 = arith.addi %mul3A_110, %add3A_186 : i32
            %mul3A_188 = arith.constant 48 : i32
            %mul3A_189 = arith.muli %add3A_187, %mul3A_188 : i32
            %dma_start3A_190 = tpu.memref_slice %run_scoped3A_5[%mul3A_189] : memref<10080xi32, #tpu.memory_space<vmem>> -> memref<48xi32, #tpu.memory_space<vmem>>
            %dma_start3A_191 = arith.constant 0 : i32
            %dma_start3A_192 = arith.constant 0 : i32
            %dma_start3A_193 = tpu.memref_slice %arg3[%dma_start3A_191, %dma_start3A_192] : memref<10000x128xf32, #tpu.memory_space<hbm>> -> memref<10000x128xf32, #tpu.memory_space<hbm>>
            tpu.enqueue_indirect_dma source(%dma_start3A_193 : memref<10000x128xf32, #tpu.memory_space<hbm>>) target(%run_scoped3A_7 : memref<48x128xf32, #tpu.memory_space<vmem>>) offsets(%dma_start3A_190 : memref<48xi32, #tpu.memory_space<vmem>>) semaphore(%arg9 : memref<!tpu.dma_semaphore, #tpu.memory_space<semaphore_mem>>)
            %dma_start3A_194 = tpu.memref_slice %run_scoped3A_5[%mul3A_189] : memref<10080xi32, #tpu.memory_space<vmem>> -> memref<48xi32, #tpu.memory_space<vmem>>
            %dma_start3A_195 = arith.constant 0 : i32
            %dma_start3A_196 = arith.constant 0 : i32
            %dma_start3A_197 = tpu.memref_slice %arg4[%dma_start3A_195, %dma_start3A_196] : memref<10000x128xf32, #tpu.memory_space<hbm>> -> memref<10000x128xf32, #tpu.memory_space<hbm>>
            tpu.enqueue_indirect_dma source(%dma_start3A_197 : memref<10000x128xf32, #tpu.memory_space<hbm>>) target(%run_scoped3A_8 : memref<48x128xf32, #tpu.memory_space<vmem>>) offsets(%dma_start3A_194 : memref<48xi32, #tpu.memory_space<vmem>>) semaphore(%arg9 : memref<!tpu.dma_semaphore, #tpu.memory_space<semaphore_mem>>)
          } else {
          }
          %mul3A_168 = arith.constant 48 : i32
          %mul3A_169 = arith.muli %add3A_112, %mul3A_168 : i32
          %dma_start3A_170 = tpu.memref_slice %run_scoped3A_6[%mul3A_169] : memref<10080xi32, #tpu.memory_space<vmem>> -> memref<48xi32, #tpu.memory_space<vmem>>
          %dma_start3A_171 = arith.constant 0 : i32
          %dma_start3A_172 = arith.constant 0 : i32
          %dma_start3A_173 = tpu.memref_slice %arg7[%dma_start3A_171, %dma_start3A_172] : memref<5008x128xf32, #tpu.memory_space<vmem_shared>> -> memref<5008x128xf32, #tpu.memory_space<vmem_shared>>
          tpu.enqueue_indirect_dma source(%run_scoped3A_9 : memref<48x128xf32, #tpu.memory_space<vmem>>) target(%dma_start3A_173 : memref<5008x128xf32, #tpu.memory_space<vmem_shared>>) offsets(%dma_start3A_170 : memref<48xi32, #tpu.memory_space<vmem>>) semaphore(%arg11 : memref<!tpu.dma_semaphore, #tpu.memory_space<semaphore_mem>>) {add = true}
          %dma_start3A_174 = tpu.memref_slice %run_scoped3A_6[%mul3A_169] : memref<10080xi32, #tpu.memory_space<vmem>> -> memref<48xi32, #tpu.memory_space<vmem>>
          %dma_start3A_175 = arith.constant 0 : i32
          %dma_start3A_176 = arith.constant 0 : i32
          %dma_start3A_177 = tpu.memref_slice %arg8[%dma_start3A_175, %dma_start3A_176] : memref<5008x128xf32, #tpu.memory_space<vmem_shared>> -> memref<5008x128xf32, #tpu.memory_space<vmem_shared>>
          tpu.enqueue_indirect_dma source(%run_scoped3A_10 : memref<48x128xf32, #tpu.memory_space<vmem>>) target(%dma_start3A_177 : memref<5008x128xf32, #tpu.memory_space<vmem_shared>>) offsets(%dma_start3A_174 : memref<48xi32, #tpu.memory_space<vmem>>) semaphore(%arg11 : memref<!tpu.dma_semaphore, #tpu.memory_space<semaphore_mem>>) {add = true}
          %dma_wait3A_178 = tpu.memref_slice %run_scoped3A_6[%mul3A_169] : memref<10080xi32, #tpu.memory_space<vmem>> -> memref<48xi32, #tpu.memory_space<vmem>>
          %dma_wait3A_179 = arith.constant 0 : i32
          %dma_wait3A_180 = arith.constant 0 : i32
          %dma_wait3A_181 = tpu.memref_slice %arg7[%dma_wait3A_179, %dma_wait3A_180] : memref<5008x128xf32, #tpu.memory_space<vmem_shared>> -> memref<5008x128xf32, #tpu.memory_space<vmem_shared>>
          tpu.wait_indirect_dma semaphore(%arg11 : memref<!tpu.dma_semaphore, #tpu.memory_space<semaphore_mem>>) src(%run_scoped3A_9 : memref<48x128xf32, #tpu.memory_space<vmem>>) dst(%dma_wait3A_181 : memref<5008x128xf32, #tpu.memory_space<vmem_shared>>)
          %dma_wait3A_182 = tpu.memref_slice %run_scoped3A_6[%mul3A_169] : memref<10080xi32, #tpu.memory_space<vmem>> -> memref<48xi32, #tpu.memory_space<vmem>>
          %dma_wait3A_183 = arith.constant 0 : i32
          %dma_wait3A_184 = arith.constant 0 : i32
          %dma_wait3A_185 = tpu.memref_slice %arg8[%dma_wait3A_183, %dma_wait3A_184] : memref<5008x128xf32, #tpu.memory_space<vmem_shared>> -> memref<5008x128xf32, #tpu.memory_space<vmem_shared>>
          tpu.wait_indirect_dma semaphore(%arg11 : memref<!tpu.dma_semaphore, #tpu.memory_space<semaphore_mem>>) src(%run_scoped3A_10 : memref<48x128xf32, #tpu.memory_space<vmem>>) dst(%dma_wait3A_185 : memref<5008x128xf32, #tpu.memory_space<vmem_shared>>)
        } else {
        }
        %while3A_149 = arith.constant 0 : i32
        scf.yield %while3A_149 : i32
      }
      %barrier3A_96 = arith.constant 0 : index
      tpu.barrier barrier_id(%barrier3A_96)
      %lt3A_97 = arith.constant 15 : i32
      %lt3A_98 = arith.cmpi slt, %arg1, %lt3A_97 : i32
      %convert_element_type3A_99 = arith.extui %lt3A_98 : i1 to i32
      %cond3A_100 = arith.constant 0 : i32
      %cond3A_101 = arith.cmpi ne, %convert_element_type3A_99, %cond3A_100 : i32
      scf.if %cond3A_101 {
        "tpu.region"() ({
          %run_scoped3A_107 = tpu.sem_alloc : memref<!tpu.dma_semaphore, #tpu.memory_space<semaphore_mem>>
          %dma_start3A = arith.constant 0 : i32
          %dma_start3A_108 = tpu.memref_slice %arg5[%arg0, %mul3A_3, %dma_start3A] : memref<2x5000x128xf32, #tpu.memory_space<hbm>> -> memref<1x313x128xf32, #tpu.memory_space<hbm>>
          %dma_start3A_109 = tpu.memref_squeeze %dma_start3A_108 : memref<1x313x128xf32, #tpu.memory_space<hbm>> -> memref<313x128xf32, #tpu.memory_space<hbm>>
          %dma_start3A_110 = arith.constant 0 : i32
          %dma_start3A_111 = tpu.memref_slice %arg7[%mul3A_3, %dma_start3A_110] : memref<5008x128xf32, #tpu.memory_space<vmem_shared>> -> memref<313x128xf32, #tpu.memory_space<vmem_shared>>
          tpu.enqueue_dma source(%dma_start3A_111 : memref<313x128xf32, #tpu.memory_space<vmem_shared>>) target(%dma_start3A_109 : memref<313x128xf32, #tpu.memory_space<hbm>>) target_semaphore(%run_scoped3A_107 : memref<!tpu.dma_semaphore, #tpu.memory_space<semaphore_mem>>)
          %dma_wait3A = arith.constant 0 : i32
          %dma_wait3A_112 = tpu.memref_slice %arg5[%arg0, %mul3A_3, %dma_wait3A] : memref<2x5000x128xf32, #tpu.memory_space<hbm>> -> memref<1x313x128xf32, #tpu.memory_space<hbm>>
          %dma_wait3A_113 = tpu.memref_squeeze %dma_wait3A_112 : memref<1x313x128xf32, #tpu.memory_space<hbm>> -> memref<313x128xf32, #tpu.memory_space<hbm>>
          %dma_wait3A_114 = arith.constant 0 : i32
          %dma_wait3A_115 = tpu.memref_slice %arg7[%mul3A_3, %dma_wait3A_114] : memref<5008x128xf32, #tpu.memory_space<vmem_shared>> -> memref<313x128xf32, #tpu.memory_space<vmem_shared>>
          tpu.wait_dma2 semaphore(%run_scoped3A_107 : memref<!tpu.dma_semaphore, #tpu.memory_space<semaphore_mem>>) src(%dma_wait3A_115 : memref<313x128xf32, #tpu.memory_space<vmem_shared>>) dst(%dma_wait3A_113 : memref<313x128xf32, #tpu.memory_space<hbm>>)
          tpu.yield
        }) : () -> ()
        "tpu.region"() ({
          %run_scoped3A_107 = tpu.sem_alloc : memref<!tpu.dma_semaphore, #tpu.memory_space<semaphore_mem>>
          %dma_start3A = arith.constant 0 : i32
          %dma_start3A_108 = tpu.memref_slice %arg6[%arg0, %mul3A_3, %dma_start3A] : memref<2x5000x128xf32, #tpu.memory_space<hbm>> -> memref<1x313x128xf32, #tpu.memory_space<hbm>>
          %dma_start3A_109 = tpu.memref_squeeze %dma_start3A_108 : memref<1x313x128xf32, #tpu.memory_space<hbm>> -> memref<313x128xf32, #tpu.memory_space<hbm>>
          %dma_start3A_110 = arith.constant 0 : i32
          %dma_start3A_111 = tpu.memref_slice %arg8[%mul3A_3, %dma_start3A_110] : memref<5008x128xf32, #tpu.memory_space<vmem_shared>> -> memref<313x128xf32, #tpu.memory_space<vmem_shared>>
          tpu.enqueue_dma source(%dma_start3A_111 : memref<313x128xf32, #tpu.memory_space<vmem_shared>>) target(%dma_start3A_109 : memref<313x128xf32, #tpu.memory_space<hbm>>) target_semaphore(%run_scoped3A_107 : memref<!tpu.dma_semaphore, #tpu.memory_space<semaphore_mem>>)
          %dma_wait3A = arith.constant 0 : i32
          %dma_wait3A_112 = tpu.memref_slice %arg6[%arg0, %mul3A_3, %dma_wait3A] : memref<2x5000x128xf32, #tpu.memory_space<hbm>> -> memref<1x313x128xf32, #tpu.memory_space<hbm>>
          %dma_wait3A_113 = tpu.memref_squeeze %dma_wait3A_112 : memref<1x313x128xf32, #tpu.memory_space<hbm>> -> memref<313x128xf32, #tpu.memory_space<hbm>>
          %dma_wait3A_114 = arith.constant 0 : i32
          %dma_wait3A_115 = tpu.memref_slice %arg8[%mul3A_3, %dma_wait3A_114] : memref<5008x128xf32, #tpu.memory_space<vmem_shared>> -> memref<313x128xf32, #tpu.memory_space<vmem_shared>>
          tpu.wait_dma2 semaphore(%run_scoped3A_107 : memref<!tpu.dma_semaphore, #tpu.memory_space<semaphore_mem>>) src(%dma_wait3A_115 : memref<313x128xf32, #tpu.memory_space<vmem_shared>>) dst(%dma_wait3A_113 : memref<313x128xf32, #tpu.memory_space<hbm>>)
          tpu.yield
        }) : () -> ()
      } else {
      }
      %eq3A_102 = arith.constant 15 : i32
      %eq3A_103 = arith.cmpi eq, %arg1, %eq3A_102 : i32
      %convert_element_type3A_104 = arith.extui %eq3A_103 : i1 to i32
      %cond3A_105 = arith.constant 0 : i32
      %cond3A_106 = arith.cmpi ne, %convert_element_type3A_104, %cond3A_105 : i32
      scf.if %cond3A_106 {
        "tpu.region"() ({
          %run_scoped3A_107 = tpu.sem_alloc : memref<!tpu.dma_semaphore, #tpu.memory_space<semaphore_mem>>
          %dma_start3A = arith.constant 0 : i32
          %dma_start3A_108 = tpu.memref_slice %arg5[%arg0, %mul3A_3, %dma_start3A] : memref<2x5000x128xf32, #tpu.memory_space<hbm>> -> memref<1x305x128xf32, #tpu.memory_space<hbm>>
          %dma_start3A_109 = tpu.memref_squeeze %dma_start3A_108 : memref<1x305x128xf32, #tpu.memory_space<hbm>> -> memref<305x128xf32, #tpu.memory_space<hbm>>
          %dma_start3A_110 = arith.constant 0 : i32
          %dma_start3A_111 = tpu.memref_slice %arg7[%mul3A_3, %dma_start3A_110] : memref<5008x128xf32, #tpu.memory_space<vmem_shared>> -> memref<305x128xf32, #tpu.memory_space<vmem_shared>>
          tpu.enqueue_dma source(%dma_start3A_111 : memref<305x128xf32, #tpu.memory_space<vmem_shared>>) target(%dma_start3A_109 : memref<305x128xf32, #tpu.memory_space<hbm>>) target_semaphore(%run_scoped3A_107 : memref<!tpu.dma_semaphore, #tpu.memory_space<semaphore_mem>>)
          %dma_wait3A = arith.constant 0 : i32
          %dma_wait3A_112 = tpu.memref_slice %arg5[%arg0, %mul3A_3, %dma_wait3A] : memref<2x5000x128xf32, #tpu.memory_space<hbm>> -> memref<1x305x128xf32, #tpu.memory_space<hbm>>
          %dma_wait3A_113 = tpu.memref_squeeze %dma_wait3A_112 : memref<1x305x128xf32, #tpu.memory_space<hbm>> -> memref<305x128xf32, #tpu.memory_space<hbm>>
          %dma_wait3A_114 = arith.constant 0 : i32
          %dma_wait3A_115 = tpu.memref_slice %arg7[%mul3A_3, %dma_wait3A_114] : memref<5008x128xf32, #tpu.memory_space<vmem_shared>> -> memref<305x128xf32, #tpu.memory_space<vmem_shared>>
          tpu.wait_dma2 semaphore(%run_scoped3A_107 : memref<!tpu.dma_semaphore, #tpu.memory_space<semaphore_mem>>) src(%dma_wait3A_115 : memref<305x128xf32, #tpu.memory_space<vmem_shared>>) dst(%dma_wait3A_113 : memref<305x128xf32, #tpu.memory_space<hbm>>)
          tpu.yield
        }) : () -> ()
        "tpu.region"() ({
          %run_scoped3A_107 = tpu.sem_alloc : memref<!tpu.dma_semaphore, #tpu.memory_space<semaphore_mem>>
          %dma_start3A = arith.constant 0 : i32
          %dma_start3A_108 = tpu.memref_slice %arg6[%arg0, %mul3A_3, %dma_start3A] : memref<2x5000x128xf32, #tpu.memory_space<hbm>> -> memref<1x305x128xf32, #tpu.memory_space<hbm>>
          %dma_start3A_109 = tpu.memref_squeeze %dma_start3A_108 : memref<1x305x128xf32, #tpu.memory_space<hbm>> -> memref<305x128xf32, #tpu.memory_space<hbm>>
          %dma_start3A_110 = arith.constant 0 : i32
          %dma_start3A_111 = tpu.memref_slice %arg8[%mul3A_3, %dma_start3A_110] : memref<5008x128xf32, #tpu.memory_space<vmem_shared>> -> memref<305x128xf32, #tpu.memory_space<vmem_shared>>
          tpu.enqueue_dma source(%dma_start3A_111 : memref<305x128xf32, #tpu.memory_space<vmem_shared>>) target(%dma_start3A_109 : memref<305x128xf32, #tpu.memory_space<hbm>>) target_semaphore(%run_scoped3A_107 : memref<!tpu.dma_semaphore, #tpu.memory_space<semaphore_mem>>)
          %dma_wait3A = arith.constant 0 : i32
          %dma_wait3A_112 = tpu.memref_slice %arg6[%arg0, %mul3A_3, %dma_wait3A] : memref<2x5000x128xf32, #tpu.memory_space<hbm>> -> memref<1x305x128xf32, #tpu.memory_space<hbm>>
          %dma_wait3A_113 = tpu.memref_squeeze %dma_wait3A_112 : memref<1x305x128xf32, #tpu.memory_space<hbm>> -> memref<305x128xf32, #tpu.memory_space<hbm>>
          %dma_wait3A_114 = arith.constant 0 : i32
          %dma_wait3A_115 = tpu.memref_slice %arg8[%mul3A_3, %dma_wait3A_114] : memref<5008x128xf32, #tpu.memory_space<vmem_shared>> -> memref<305x128xf32, #tpu.memory_space<vmem_shared>>
          tpu.wait_dma2 semaphore(%run_scoped3A_107 : memref<!tpu.dma_semaphore, #tpu.memory_space<semaphore_mem>>) src(%dma_wait3A_115 : memref<305x128xf32, #tpu.memory_space<vmem_shared>>) dst(%dma_wait3A_113 : memref<305x128xf32, #tpu.memory_space<hbm>>)
          tpu.yield
        }) : () -> ()
      } else {
      }
      tpu.yield
    }) : () -> ()
    return
  }
}

#map = affine_map<(d0, d1) -> (0, 0)>
module attributes {stable_mosaic.version = 14 : i64} {
  func.func @_sc_count(%arg0: i32, %arg1: i32, %arg2: memref<2x160000xi32, #tpu.memory_space<hbm>>, %arg3: memref<32x10000xf32, #tpu.memory_space<hbm>>) attributes {dimension_semantics = [#tpu.dimension_semantics<core_parallel>, #tpu.dimension_semantics<subcore_parallel>], iteration_bounds = array<i64: 2, 16>, scalar_prefetch = 0 : i64, scratch_operands = 0 : i64, tpu.core_type = #tpu.core_type<sc_vector_subcore>, window_params = [{transform_indices = #map}, {transform_indices = #map}]} {
    %mul3A = arith.constant 2 : i32
    %mul3A_0 = arith.muli %arg1, %mul3A : i32
    %add3A = arith.addi %mul3A_0, %arg0 : i32
    "tpu.region"() ({
      %run_scoped3A = memref.alloca() : memref<5000xi32, #tpu.memory_space<vmem>>
      %run_scoped3A_1 = memref.alloca() : memref<10016xf32, #tpu.memory_space<vmem>>
      %mul3A_2 = arith.constant 5000 : i32
      %mul3A_3 = arith.muli %add3A, %mul3A_2 : i32
      %run_scoped3A_4 = arith.constant 1 : i32
      "tpu.region"() ({
        %run_scoped3A_21 = tpu.sem_alloc : memref<!tpu.dma_semaphore, #tpu.memory_space<semaphore_mem>>
        %dma_start3A = tpu.memref_slice %arg2[%run_scoped3A_4, %mul3A_3] : memref<2x160000xi32, #tpu.memory_space<hbm>> -> memref<1x5000xi32, #tpu.memory_space<hbm>>
        %dma_start3A_22 = tpu.memref_squeeze %dma_start3A : memref<1x5000xi32, #tpu.memory_space<hbm>> -> memref<5000xi32, #tpu.memory_space<hbm>>
        %dma_start3A_23 = tpu.memref_slice %arg2[%run_scoped3A_4, %mul3A_3] : memref<2x160000xi32, #tpu.memory_space<hbm>> -> memref<1x5000xi32, #tpu.memory_space<hbm>>
        %dma_start3A_24 = tpu.memref_squeeze %dma_start3A_23 : memref<1x5000xi32, #tpu.memory_space<hbm>> -> memref<5000xi32, #tpu.memory_space<hbm>>
        tpu.enqueue_dma source(%dma_start3A_24 : memref<5000xi32, #tpu.memory_space<hbm>>) target(%run_scoped3A : memref<5000xi32, #tpu.memory_space<vmem>>) target_semaphore(%run_scoped3A_21 : memref<!tpu.dma_semaphore, #tpu.memory_space<semaphore_mem>>)
        %dma_wait3A = tpu.memref_slice %arg2[%run_scoped3A_4, %mul3A_3] : memref<2x160000xi32, #tpu.memory_space<hbm>> -> memref<1x5000xi32, #tpu.memory_space<hbm>>
        %dma_wait3A_25 = tpu.memref_squeeze %dma_wait3A : memref<1x5000xi32, #tpu.memory_space<hbm>> -> memref<5000xi32, #tpu.memory_space<hbm>>
        %dma_wait3A_26 = tpu.memref_slice %arg2[%run_scoped3A_4, %mul3A_3] : memref<2x160000xi32, #tpu.memory_space<hbm>> -> memref<1x5000xi32, #tpu.memory_space<hbm>>
        %dma_wait3A_27 = tpu.memref_squeeze %dma_wait3A_26 : memref<1x5000xi32, #tpu.memory_space<hbm>> -> memref<5000xi32, #tpu.memory_space<hbm>>
        tpu.wait_dma2 semaphore(%run_scoped3A_21 : memref<!tpu.dma_semaphore, #tpu.memory_space<semaphore_mem>>) src(%dma_wait3A_27 : memref<5000xi32, #tpu.memory_space<hbm>>) dst(%run_scoped3A : memref<5000xi32, #tpu.memory_space<vmem>>)
        tpu.yield
      }) : () -> ()
      %broadcast_in_dim3A = arith.constant 0.000000e+00 : f32
      %broadcast_in_dim3A_5 = vector.broadcast %broadcast_in_dim3A : f32 to vector<16xf32>
      %scan3A = arith.constant 0 : i32
      %scan3A_6 = arith.constant 0 : i32
      %scan3A_7 = arith.constant 626 : i32
      %scan3A_8 = arith.addi %scan3A_6, %scan3A_7 : i32
      %scan3A_9 = arith.constant 1 : i32
      %scan3A_10 = scf.for %scan3A_21 = %scan3A_6 to %scan3A_8 step %scan3A_9 iter_args(%scan3A_22 = %scan3A) -> (i32)  : i32 {
        %mul3A_23 = arith.constant 16 : i32
        %mul3A_24 = arith.muli %scan3A_21, %mul3A_23 : i32
        %swap3A = arith.index_cast %mul3A_24 : i32 to index
        %swap3A_25 = tpu.vector_load %run_scoped3A_1[%swap3A] {strides = array<i32>} : memref<10016xf32, #tpu.memory_space<vmem>>, vector<16xf32>,
        tpu.vector_store %run_scoped3A_1[%swap3A], %broadcast_in_dim3A_5 {strides = array<i32>} : memref<10016xf32, #tpu.memory_space<vmem>>, vector<16xf32>,
        %scan3A_26 = arith.constant 0 : i32
        scf.yield %scan3A_26 : i32
      }
      %scan3A_11 = arith.constant 626 : i32
      %broadcast_in_dim3A_12 = arith.constant 1.000000e+00 : f32
      %broadcast_in_dim3A_13 = vector.broadcast %broadcast_in_dim3A_12 : f32 to vector<16xf32>
      %iota3A = tpu.iota {dimensions = array<i32: 0>} : vector<16xi32>
      %scan3A_14 = arith.constant 0 : i32
      %scan3A_15 = arith.constant 0 : i32
      %scan3A_16 = arith.constant 313 : i32
      %scan3A_17 = arith.addi %scan3A_15, %scan3A_16 : i32
      %scan3A_18 = arith.constant 1 : i32
      %scan3A_19 = scf.for %scan3A_21 = %scan3A_15 to %scan3A_17 step %scan3A_18 iter_args(%scan3A_22 = %scan3A_14) -> (i32)  : i32 {
        %mul3A_23 = arith.constant 16 : i32
        %mul3A_24 = arith.muli %scan3A_21, %mul3A_23 : i32
        %add3A_25 = vector.broadcast %mul3A_24 : i32 to vector<16xi32>
        %add3A_26 = arith.addi %add3A_25, %iota3A : vector<16xi32>
        %lt3A = arith.constant 5000 : i32
        %lt3A_27 = vector.broadcast %lt3A : i32 to vector<16xi32>
        %lt3A_28 = arith.cmpi slt, %add3A_26, %lt3A_27 : vector<16xi32>
        %get3A = arith.index_cast %mul3A_24 : i32 to index
        %get3A_29 = tpu.vector_load %run_scoped3A[%get3A] {strides = array<i32>} : memref<5000xi32, #tpu.memory_space<vmem>>, vector<16xi32>,
        %jit3A = arith.constant 10000 : i32
        %broadcast_in_dim3A_30 = vector.broadcast %jit3A : i32 to vector<16xi32>
        %select_n3A = arith.select %lt3A_28, %get3A_29, %broadcast_in_dim3A_30 : vector<16xi1>, vector<16xi32>
        tpu.vector_store_idx %run_scoped3A_1[%select_n3A], %broadcast_in_dim3A_13 {add = true} : memref<10016xf32, #tpu.memory_space<vmem>>[vector<16xi32>], vector<16xf32>,
        %scan3A_31 = arith.constant 0 : i32
        scf.yield %scan3A_31 : i32
      }
      %scan3A_20 = arith.constant 313 : i32
      "tpu.region"() ({
        %run_scoped3A_21 = tpu.sem_alloc : memref<!tpu.dma_semaphore, #tpu.memory_space<semaphore_mem>>
        %dma_start3A = arith.constant 0 : i32
        %dma_start3A_22 = tpu.memref_slice %run_scoped3A_1[%dma_start3A] : memref<10016xf32, #tpu.memory_space<vmem>> -> memref<10000xf32, #tpu.memory_space<vmem>>
        %dma_start3A_23 = arith.constant 0 : i32
        %dma_start3A_24 = tpu.memref_slice %arg3[%add3A, %dma_start3A_23] : memref<32x10000xf32, #tpu.memory_space<hbm>> -> memref<1x10000xf32, #tpu.memory_space<hbm>>
        %dma_start3A_25 = tpu.memref_squeeze %dma_start3A_24 : memref<1x10000xf32, #tpu.memory_space<hbm>> -> memref<10000xf32, #tpu.memory_space<hbm>>
        %dma_start3A_26 = arith.constant 0 : i32
        %dma_start3A_27 = tpu.memref_slice %arg3[%add3A, %dma_start3A_26] : memref<32x10000xf32, #tpu.memory_space<hbm>> -> memref<1x10000xf32, #tpu.memory_space<hbm>>
        %dma_start3A_28 = tpu.memref_squeeze %dma_start3A_27 : memref<1x10000xf32, #tpu.memory_space<hbm>> -> memref<10000xf32, #tpu.memory_space<hbm>>
        %dma_start3A_29 = arith.constant 0 : i32
        %dma_start3A_30 = tpu.memref_slice %run_scoped3A_1[%dma_start3A_29] : memref<10016xf32, #tpu.memory_space<vmem>> -> memref<10000xf32, #tpu.memory_space<vmem>>
        tpu.enqueue_dma source(%dma_start3A_30 : memref<10000xf32, #tpu.memory_space<vmem>>) target(%dma_start3A_28 : memref<10000xf32, #tpu.memory_space<hbm>>) target_semaphore(%run_scoped3A_21 : memref<!tpu.dma_semaphore, #tpu.memory_space<semaphore_mem>>)
        %dma_wait3A = arith.constant 0 : i32
        %dma_wait3A_31 = tpu.memref_slice %run_scoped3A_1[%dma_wait3A] : memref<10016xf32, #tpu.memory_space<vmem>> -> memref<10000xf32, #tpu.memory_space<vmem>>
        %dma_wait3A_32 = arith.constant 0 : i32
        %dma_wait3A_33 = tpu.memref_slice %arg3[%add3A, %dma_wait3A_32] : memref<32x10000xf32, #tpu.memory_space<hbm>> -> memref<1x10000xf32, #tpu.memory_space<hbm>>
        %dma_wait3A_34 = tpu.memref_squeeze %dma_wait3A_33 : memref<1x10000xf32, #tpu.memory_space<hbm>> -> memref<10000xf32, #tpu.memory_space<hbm>>
        %dma_wait3A_35 = arith.constant 0 : i32
        %dma_wait3A_36 = tpu.memref_slice %arg3[%add3A, %dma_wait3A_35] : memref<32x10000xf32, #tpu.memory_space<hbm>> -> memref<1x10000xf32, #tpu.memory_space<hbm>>
        %dma_wait3A_37 = tpu.memref_squeeze %dma_wait3A_36 : memref<1x10000xf32, #tpu.memory_space<hbm>> -> memref<10000xf32, #tpu.memory_space<hbm>>
        %dma_wait3A_38 = arith.constant 0 : i32
        %dma_wait3A_39 = tpu.memref_slice %run_scoped3A_1[%dma_wait3A_38] : memref<10016xf32, #tpu.memory_space<vmem>> -> memref<10000xf32, #tpu.memory_space<vmem>>
        tpu.wait_dma2 semaphore(%run_scoped3A_21 : memref<!tpu.dma_semaphore, #tpu.memory_space<semaphore_mem>>) src(%dma_wait3A_39 : memref<10000xf32, #tpu.memory_space<vmem>>) dst(%dma_wait3A_37 : memref<10000xf32, #tpu.memory_space<hbm>>)
        tpu.yield
      }) : () -> ()
      tpu.yield
    }) : () -> ()
    return
  }
}

module attributes {stable_mosaic.version = 14 : i64} {
  func.func @_tc_fin_body(%arg0: memref<2x5000x128xf32, #tpu.memory_space<vmem>>, %arg1: memref<2x5000x128xf32, #tpu.memory_space<vmem>>, %arg2: memref<32x10000xf32, #tpu.memory_space<vmem>>, %arg3: memref<1x256xf32, #tpu.memory_space<vmem>>, %arg4: memref<10000x256xf32, #tpu.memory_space<vmem>>) attributes {dimension_semantics = [], scalar_prefetch = 0 : i64, scratch_operands = 0 : i64, tpu.core_type = #tpu.core_type<tc>} {
    %get3A = arith.constant 0 : index
    %get3A_0 = arith.constant 0 : index
    %get3A_1 = vector.load %arg2[%get3A, %get3A_0] : memref<32x10000xf32, #tpu.memory_space<vmem>>, vector<32x10000xf32>
    %reduce_sum3A = arith.constant dense<0.000000e+00> : vector<10000xf32>
    %reduce_sum3A_2 = vector.multi_reduction <add>, %get3A_1, %reduce_sum3A [0] : vector<32x10000xf32> to vector<10000xf32>
    %add3A = arith.constant 1.000000e+00 : f32
    %add3A_3 = vector.broadcast %add3A : f32 to vector<10000xf32>
    %add3A_4 = arith.addf %add3A_3, %reduce_sum3A_2 : vector<10000xf32>
    %rsqrt3A = math.rsqrt %add3A_4 : vector<10000xf32>
    %get3A_5 = arith.constant 0 : index
    %get3A_6 = arith.constant 0 : index
    %get3A_7 = arith.constant 0 : index
    %get3A_8 = vector.load %arg0[%get3A_5, %get3A_6, %get3A_7] : memref<2x5000x128xf32, #tpu.memory_space<vmem>>, vector<2x5000x128xf32>
    %reshape3A = vector.shape_cast %get3A_8 : vector<2x5000x128xf32> to vector<10000x128xf32>
    %get3A_9 = arith.constant 0 : index
    %get3A_10 = arith.constant 0 : index
    %get3A_11 = arith.constant 0 : index
    %get3A_12 = vector.load %arg1[%get3A_9, %get3A_10, %get3A_11] : memref<2x5000x128xf32, #tpu.memory_space<vmem>>, vector<2x5000x128xf32>
    %reshape3A_13 = vector.shape_cast %get3A_12 : vector<2x5000x128xf32> to vector<10000x128xf32>
    %concatenate3A = tpu.concatenate %reshape3A, %reshape3A_13 in 1 : vector<10000x128xf32>, vector<10000x128xf32> -> vector<10000x256xf32>
    %broadcast_in_dim3A = vector.shape_cast %rsqrt3A : vector<10000xf32> to vector<10000x1xf32>
    %mul3A = vector.broadcast %broadcast_in_dim3A : vector<10000x1xf32> to vector<10000x256xf32>
    %mul3A_14 = arith.mulf %concatenate3A, %mul3A : vector<10000x256xf32>
    %get3A_15 = arith.constant 0 : index
    %get3A_16 = arith.constant 0 : index
    %get3A_17 = vector.load %arg3[%get3A_15, %get3A_16] : memref<1x256xf32, #tpu.memory_space<vmem>>, vector<1x256xf32>
    %add3A_18 = vector.broadcast %get3A_17 : vector<1x256xf32> to vector<10000x256xf32>
    %add3A_19 = arith.addf %mul3A_14, %add3A_18 : vector<10000x256xf32>
    %swap3A = arith.constant 0 : index
    %swap3A_20 = arith.constant 0 : index
    %swap3A_21 = vector.load %arg4[%swap3A, %swap3A_20] : memref<10000x256xf32, #tpu.memory_space<vmem>>, vector<10000x256xf32>
    tpu.vector_store %arg4[%swap3A, %swap3A_20], %add3A_19 {strides = array<i32>} : memref<10000x256xf32, #tpu.memory_space<vmem>>, vector<10000x256xf32>,
    return
  }
}

module attributes {stable_mosaic.version = 14 : i64} {
  func.func @_tc_fuse_body(%arg0: memref<10000x256xf32, #tpu.memory_space<vmem>>, %arg1: memref<10000x256xf32, #tpu.memory_space<vmem>>, %arg2: memref<32x10000xf32, #tpu.memory_space<vmem>>, %arg3: memref<512x256xf32, #tpu.memory_space<vmem>>, %arg4: memref<1x256xf32, #tpu.memory_space<vmem>>, %arg5: memref<256x256xf32, #tpu.memory_space<vmem>>, %arg6: memref<10000x128xf32, #tpu.memory_space<vmem>>, %arg7: memref<10000x128xf32, #tpu.memory_space<vmem>>) attributes {dimension_semantics = [], scalar_prefetch = 0 : i64, scratch_operands = 0 : i64, tpu.core_type = #tpu.core_type<tc>} {
    %get3A = arith.constant 0 : index
    %get3A_0 = arith.constant 0 : index
    %get3A_1 = vector.load %arg0[%get3A, %get3A_0] : memref<10000x256xf32, #tpu.memory_space<vmem>>, vector<10000x256xf32>
    %get3A_2 = arith.constant 0 : index
    %get3A_3 = arith.constant 0 : index
    %get3A_4 = vector.load %arg3[%get3A_2, %get3A_3] : memref<512x256xf32, #tpu.memory_space<vmem>>, vector<256x256xf32>
    %dot_general3A = arith.constant dense<0.000000e+00> : vector<10000x256xf32>
    %dot_general3A_5 = tpu.matmul %get3A_1, %get3A_4, %dot_general3A {dimension_numbers = #tpu.dot_dimension_numbers<[1], [0], [0], [1], [0, 0, 1, 1], [], []>, transpose_lhs_hint = false} : vector<10000x256xf32>, vector<256x256xf32>, vector<10000x256xf32> -> vector<10000x256xf32>
    %get3A_6 = arith.constant 0 : index
    %get3A_7 = arith.constant 0 : index
    %get3A_8 = vector.load %arg1[%get3A_6, %get3A_7] : memref<10000x256xf32, #tpu.memory_space<vmem>>, vector<10000x256xf32>
    %get3A_9 = arith.constant 256 : index
    %get3A_10 = arith.constant 0 : index
    %get3A_11 = vector.load %arg3[%get3A_9, %get3A_10] : memref<512x256xf32, #tpu.memory_space<vmem>>, vector<256x256xf32>
    %dot_general3A_12 = arith.constant dense<0.000000e+00> : vector<10000x256xf32>
    %dot_general3A_13 = tpu.matmul %get3A_8, %get3A_11, %dot_general3A_12 {dimension_numbers = #tpu.dot_dimension_numbers<[1], [0], [0], [1], [0, 0, 1, 1], [], []>, transpose_lhs_hint = false} : vector<10000x256xf32>, vector<256x256xf32>, vector<10000x256xf32> -> vector<10000x256xf32>
    %add3A = arith.addf %dot_general3A_5, %dot_general3A_13 : vector<10000x256xf32>
    %get3A_14 = arith.constant 0 : index
    %get3A_15 = arith.constant 0 : index
    %get3A_16 = vector.load %arg4[%get3A_14, %get3A_15] : memref<1x256xf32, #tpu.memory_space<vmem>>, vector<1x256xf32>
    %add3A_17 = vector.broadcast %get3A_16 : vector<1x256xf32> to vector<10000x256xf32>
    %add3A_18 = arith.addf %add3A, %add3A_17 : vector<10000x256xf32>
    %get3A_19 = arith.constant 0 : index
    %get3A_20 = arith.constant 0 : index
    %get3A_21 = vector.load %arg5[%get3A_19, %get3A_20] : memref<256x256xf32, #tpu.memory_space<vmem>>, vector<256x256xf32>
    %dot_general3A_22 = arith.constant dense<0.000000e+00> : vector<10000x256xf32>
    %dot_general3A_23 = tpu.matmul %add3A_18, %get3A_21, %dot_general3A_22 {dimension_numbers = #tpu.dot_dimension_numbers<[1], [0], [0], [1], [0, 0, 1, 1], [], []>, transpose_lhs_hint = false} : vector<10000x256xf32>, vector<256x256xf32>, vector<10000x256xf32> -> vector<10000x256xf32>
    %get3A_24 = arith.constant 0 : index
    %get3A_25 = arith.constant 0 : index
    %get3A_26 = vector.load %arg2[%get3A_24, %get3A_25] : memref<32x10000xf32, #tpu.memory_space<vmem>>, vector<32x10000xf32>
    %reduce_sum3A = arith.constant dense<0.000000e+00> : vector<10000xf32>
    %reduce_sum3A_27 = vector.multi_reduction <add>, %get3A_26, %reduce_sum3A [0] : vector<32x10000xf32> to vector<10000xf32>
    %add3A_28 = arith.constant 1.000000e+00 : f32
    %add3A_29 = vector.broadcast %add3A_28 : f32 to vector<10000xf32>
    %add3A_30 = arith.addf %add3A_29, %reduce_sum3A_27 : vector<10000xf32>
    %rsqrt3A = math.rsqrt %add3A_30 : vector<10000xf32>
    %broadcast_in_dim3A = vector.shape_cast %rsqrt3A : vector<10000xf32> to vector<10000x1xf32>
    %mul3A = vector.broadcast %broadcast_in_dim3A : vector<10000x1xf32> to vector<10000x256xf32>
    %mul3A_31 = arith.mulf %dot_general3A_23, %mul3A : vector<10000x256xf32>
    %slice3A = vector.extract_strided_slice %mul3A_31 {offsets = [0, 0], sizes = [10000, 128], strides = [1, 1]} : vector<10000x256xf32> to vector<10000x128xf32>
    %swap3A = arith.constant 0 : index
    %swap3A_32 = arith.constant 0 : index
    %swap3A_33 = vector.load %arg6[%swap3A, %swap3A_32] : memref<10000x128xf32, #tpu.memory_space<vmem>>, vector<10000x128xf32>
    tpu.vector_store %arg6[%swap3A, %swap3A_32], %slice3A {strides = array<i32>} : memref<10000x128xf32, #tpu.memory_space<vmem>>, vector<10000x128xf32>,
    %slice3A_34 = vector.extract_strided_slice %mul3A_31 {offsets = [0, 128], sizes = [10000, 128], strides = [1, 1]} : vector<10000x256xf32> to vector<10000x128xf32>
    %swap3A_35 = arith.constant 0 : index
    %swap3A_36 = arith.constant 0 : index
    %swap3A_37 = vector.load %arg7[%swap3A_35, %swap3A_36] : memref<10000x128xf32, #tpu.memory_space<vmem>>, vector<10000x128xf32>
    tpu.vector_store %arg7[%swap3A_35, %swap3A_36], %slice3A_34 {strides = array<i32>} : memref<10000x128xf32, #tpu.memory_space<vmem>>, vector<10000x128xf32>,
    return
  }
}

</mosaic_0001>

<sc_bundles>
// kernel: kernel.6.cloned.1.call-start
scs
__scs_entry_jumppad:
0x0: {  	(pc) =	sbr.rel $0x88, $3  }
0x1: {  	(tag) =	ssettag $0x0;
	lr =	simm.s32 $0x1  }
0x2: {  	[smem:$0x3F9A] =	sst lr;
	_ =	strace $0xD0000000  }
0x3: {  	_ = 	snop  }
0x4: {  	_ = 	snop  }
0x5: {  	_ = 	snop  }
0x6: {  	_ = 	snop  }
0x7: {  	_ = 	snop  }
__scs_overlays_trampoline_lowered:
0x8: {  	[smem:$0x3FA9] =	sst s0  }
0x9: {  	[smem:$0x3FAA] =	sst s1  }
0xa: {  	[smem:$0x3FAB] =	sst s2  }
0xb: {  	[smem:$0x3FAC] =	sst s3  }
0xc: {  	[smem:$0x3FAD] =	sst s4  }
0xd: {  	[smem:$0x3FAE] =	sst s5  }
0xe: {  	[smem:$0x3FAF] =	sst s6  }
0xf: {  	[smem:$0x3FB0] =	sst s7  }
0x10: {  	[smem:$0x3FB1] =	sst s8  }
0x11: {  	[smem:$0x3FB2] =	sst s9;
	s0 =	simm.s32 @!p0 $0x0  }
0x12: {  	s1 =	sld [smem:$0x3F98];
	s0 =	simm.s32 @p0 $0x1  }
0x13: {  	[smem:$0x3FB3] =	sst s0;
	s0 =	simm.s32 @!p1 $0x0  }
0x14: {  	s2 =	sld [smem:$0x3F97];
	s0 =	simm.s32 @p1 $0x1  }
0x15: {  	[smem:$0x3FB4] =	sst s0;
	s0 =	simm.s32 @!p2 $0x0  }
0x16: {  	s3 =	sld [smem:$0x3FDB];
	s0 =	simm.s32 @p2 $0x1  }
0x17: {  	s4 =	simm.s32 $0x1BF5;
	[smem:$0x3FB6] =	sst s0  }
0x18: {  	s0 =	sld [smem:$0x3F99];
	_ =	swait.ge [sflag:s4], $0x0  }
0x19: {  	s7 =	sld [smem:$0x3F9A]  }
0x1a: {  	s8 =	sadd.s32 $0xFFFFE003, lr  }
0x1b: {  	s9 =	sadd.s32 $0xFFFFFEF7, lr;
	s5 =	simm.s32 $0xFFFFFFFF;
	p2 =	slt.u32 s8, $0xFFFFF086  }
0x1c: {  	p1 =	slt.u32 s9, $0xF7A;
	s5 =	simm.s32 @!p2 $0x0  }
0x1d: {  	s5 =	simm.s32 @p1 $0x1;
	p0 =	seq.s32 s7, s2  }
0x1e: {  	s7 =	smul.u32 @!p0 $0xF7A, s2;
	p2 =	seq.s32 @!p0 s5, $0x0  }
0x1f: {  	s9 =	smul.u32 $0xF7A, s1;
	s8 =	simm.s32 @!p0 $0x1BF5;
	p2 =	por !p2, p0  }
0x20: {  	[sflag:s8] =	ssyncset.s32 @!p0 $0xFFFFF086;
	s6 =	sadd.s32 @!p0 s3, s7;
	s7 =	simm.s32 @!p0 $0x108  }
0x21: {  	s3 =	sadd.s32 s3, s9;
	s6 =	sadd.s32 @!p0 $0x88, s6;
	s7 =	simm.s32 @p2 $0x1082  }
0x22: {  	[simem:s7], [sflag:s8] =	dma.local @!p0 [hbm:s6], $0xF7A  }
0x23: {  	s9 =	sor.u32 $0xD0000000, s2;
	s6 =	simm.s32 $0x108;
	_ =	swait.ge @!p0 [sflag:s8], $0x0  }
0x24: {  	s3 =	sadd.s32 $0x88, s3;
	s6 =	simm.s32 @!p1 $0x1082;
	[sflag:s4] =	ssyncset.s32 $0xFFFFF086  }
0x25: {  	[simem:s6], [sflag:s4] =	dma.local [hbm:s3], $0xF7A  }
0x26: {  	[smem:$0x3F9A] =	sst s1;
	(tag) =	ssettag s2;
	_ =	strace s9  }
0x27: {  	s1 =	sld [smem:$0x3FAA]  }
0x28: {  	s2 =	sld [smem:$0x3FAB]  }
0x29: {  	s4 =	sld [smem:$0x3FAD]  }
0x2a: {  	p0 =	seq.s32 s5, $0x0;
	s5 =	sld [smem:$0x3FAE]  }
0x2b: {  	s6 =	sld [smem:$0x3FAF]  }
0x2c: {  	s7 =	sld [smem:$0x3FB0]  }
0x2d: {  	s3 =	simm.s32 $0x108;
	s8 =	sld [smem:$0x3FB1]  }
0x2e: {  	s3 =	simm.s32 @!p0 $0x1082;
	s9 =	sld [smem:$0x3FB2]  }
0x2f: {  	lr =	sadd.s32 s0, s3;
	s0 =	sld [smem:$0x3FA9]  }
0x30: {  	s3 =	sld [smem:$0x3FAC]  }
0x31: {  	[smem:$0x3FB5] =	sst s10  }
0x32: {  	s10 =	sld [smem:$0x3FB3];
	_ =	sdelay $0x3  }
0x33: {  	p0 =	seq.s32 s10, $0x1;
	s10 =	sld [smem:$0x3FB5];
	_ =	sdelay $0x3  }
0x34: {  	[smem:$0x3FB5] =	sst s10  }
0x35: {  	s10 =	sld [smem:$0x3FB4];
	_ =	sdelay $0x3  }
0x36: {  	p1 =	seq.s32 s10, $0x1;
	s10 =	sld [smem:$0x3FB5];
	_ =	sdelay $0x3  }
0x37: {  	[smem:$0x3FB5] =	sst s10  }
0x38: {  	s10 =	sld [smem:$0x3FB6]  }
0x39: {  	_ = 	snop;
	(pc) =	sbr.ind lr, $3  }
0x3a: {  	_ = 	snop  }
0x3b: {  	_ = 	snop  }
0x3c: {  	p2 =	seq.s32 s10, $0x1;
	s10 =	sld [smem:$0x3FB5]  }
0x3d: {  	_ =	shalt  }
0x3e: {  	_ =	shalt  }
0x3f: {  	_ =	shalt  }
0x40: {  	_ =	shalt  }
0x41: {  	_ =	shalt  }
0x42: {  	_ =	shalt  }
0x43: {  	_ =	shalt  }
0x44: {  	_ =	shalt  }
0x45: {  	_ =	shalt  }
0x46: {  	_ =	shalt  }
0x47: {  	_ =	shalt  }
0x48: {  	_ =	shalt  }
0x49: {  	_ =	shalt  }
0x4a: {  	_ =	shalt  }
0x4b: {  	_ =	shalt  }
0x4c: {  	_ =	shalt  }
0x4d: {  	_ =	shalt  }
0x4e: {  	_ =	shalt  }
0x4f: {  	_ =	shalt  }
0x50: {  	_ =	shalt  }
0x51: {  	_ =	shalt  }
0x52: {  	_ =	shalt  }
0x53: {  	_ =	shalt  }
0x54: {  	_ =	shalt  }
0x55: {  	_ =	shalt  }
0x56: {  	_ =	shalt  }
0x57: {  	_ =	shalt  }
0x58: {  	_ =	shalt  }
0x59: {  	_ =	shalt  }
0x5a: {  	_ =	shalt  }
0x5b: {  	_ =	shalt  }
0x5c: {  	_ =	shalt  }
0x5d: {  	_ =	shalt  }
0x5e: {  	_ =	shalt  }
0x5f: {  	_ =	shalt  }
0x60: {  	_ =	shalt  }
0x61: {  	_ =	shalt  }
0x62: {  	_ =	shalt  }
0x63: {  	_ =	shalt  }
0x64: {  	_ =	shalt  }
0x65: {  	_ =	shalt  }
0x66: {  	_ =	shalt  }
0x67: {  	_ =	shalt  }
0x68: {  	_ =	shalt  }
0x69: {  	_ =	shalt  }
0x6a: {  	_ =	shalt  }
0x6b: {  	_ =	shalt  }
0x6c: {  	_ =	shalt  }
0x6d: {  	_ =	shalt  }
0x6e: {  	_ =	shalt  }
0x6f: {  	_ =	shalt  }
0x70: {  	_ =	shalt  }
0x71: {  	_ =	shalt  }
0x72: {  	_ =	shalt  }
0x73: {  	_ =	shalt  }
0x74: {  	_ =	shalt  }
0x75: {  	_ =	shalt  }
0x76: {  	_ =	shalt  }
0x77: {  	_ =	shalt  }
0x78: {  	_ =	shalt  }
0x79: {  	_ =	shalt  }
0x7a: {  	_ =	shalt  }
0x7b: {  	_ =	shalt  }
0x7c: {  	_ =	shalt  }
0x7d: {  	_ =	shalt  }
0x7e: {  	_ =	shalt  }
0x7f: {  	_ =	shalt  }
0x80: {  	_ =	shalt  }
0x81: {  	_ =	shalt  }
0x82: {  	_ =	shalt  }
0x83: {  	_ =	shalt  }
0x84: {  	_ =	shalt  }
0x85: {  	_ =	shalt  }
0x86: {  	_ =	shalt  }
0x87: {  	_ =	shalt  }
.Lfunc_end0:
.L_simem_size_0:
called_computation_lowered:
.L_overlay_start_0:
0x88: {  	s2 =	sld [smem:$0x3FD9]  }
0x89: {  	s3 =	sld [smem:$0x3FFE];
	_ =	sdelay $0x1  }
0x8a: {  	s1 =	srdreg.scid  }
0x8b: {  	s0 =	sand.u32 $0x1, s1  }
0x8c: {  	s17 =	sshll.u32 s0, $0xA;
	s2 =	sadd.s32 s3, s2  }
0x8d: {  	s2 =	sadd.s32 s2, s17  }
0x8e: {  	[smem:$0x3FC1] =	sst s2  }
0x8f: {  	_ = 	snop  }
0x90: {  	s2 =	sld [smem:$0x3FD0];
	(tm) =	ssettm $0x1  }
0x91: {  	s18 =	sld [smem:$0x3FFB];
	_ =	sdelay $0x3  }
0x92: {  	_ =	strace s18  }
0x93: {  	s3 =	sld [smem:$0x3FFC];
	_ =	sdelay $0x3  }
0x94: {  	_ =	strace s3  }
0x95: {  	s3 =	sld [smem:$0x3FFD];
	_ =	sdelay $0x3  }
0x96: {  	_ =	strace s3  }
0x97: {  	_ =	strace $0x8FFFFFFF  }
0x98: {  	s19 =	sld [smem:$0x3FDB];
	_ =	sdelay $0x1  }
0x99: {  	s4 =	simm.s32 $_scs_section_size  }
0x9a: {  	s5 =	simm.s32 $_size__tile_overlayer_lowered;
	s6 =	simm.s32 $_tile_overlayer_lowered  }
0x9b: {  	s22 =	simm.s32 $0x1BFF;
	s21 =	sshll.u32 s6, $0x1;
	s3 =	sadd.s32 s4, s19  }
0x9c: {  	s7 =	simm.s32 $0x0;
	s20 =	sshll.u32 s5, $0x1;
	s5 =	sadd.s32 s21, s3  }
0x9d: {  	[timem:s7], [sflag:s22] =	dma.local [hbm:s5], s20  }
0x9e: {  	_ =	swait.ge [sflag:s22], s20  }
0x9f: {  	s4 =	ssub.s32 $0x0, s20;
	[sflag:s22] =	ssyncset.done $0x0  }
0xa0: {  	[sflag:s22] =	ssyncadd.s32 s4;
	_ =	sdelay $0x1  }
0xa1: {  	s23 =	simm.s32 $0x1B8B  }
0xa2: {  	_ =	swait.ge [sflag:s23], $0x1  }
0xa3: {  	[sflag:s23] =	ssyncset.done $0x0  }
0xa4: {  	s25 =	simm.s32 $0x1B8E;
	s24 =	sld [smem:$0x3FFE];
	[sflag:s23] =	ssyncadd.s32 $0xFFFFFFFF  }
0xa5: {  	s26 =	simm.s32 $execute0_lowered;
	[smem:$0x3FD2] =	sst s25  }
0xa6: {  	s5 =	sshll.u32 s26, $0x1;
	_ =	strace $0x80000046;
	[dreg:$0x1] =	wrdreg $0xFFFFFFFF  }
0xa7: {  	s28 =	simm.s32 $_size_execute0_lowered;
	s3 =	sadd.s32 s3, s5;
	[dreg:$0x0] =	wrdreg $0x0  }
0xa8: {  	s5 =	sshll.u32 s28, $0x1;
	[dreg:$0x2] =	wrdreg s3  }
0xa9: {  	[dreg:$0x3] =	wrdreg s5  }
0xaa: {  	[dreg:$0x4] =	wrdreg $0xC0  }
0xab: {  	_ =	task [dreg:s7], $0x5FFFF  }
0xac: {  	[dreg:$0x1] =	wrdreg $0xFFFFFFFF  }
0xad: {  	[dreg:$0x0] =	wrdreg $0x60  }
0xae: {  	[dreg:$0x2] =	wrdreg s24  }
0xaf: {  	[dreg:$0x3] =	wrdreg s2  }
0xb0: {  	[dreg:$0x4] =	wrdreg $0x9  }
0xb1: {  	_ =	task.clear_ibuf [dreg:s7], $0x5FFFF;
	_ =	strace $0x90000046  }
0xb2: {  	s29 =	simm.s32 $0x9;
	_ =	strace $0x80000048  }
0xb3: {  	_ =	swait.ge [sflag:s29], $0x1  }
0xb4: {  	[sflag:s29] =	ssyncadd.s32 $0xFFFFFFFF  }
0xb5: {  	_ =	strace $0x90000048  }
0xb6: {  	_ =	sfence  }
0xb7: {  	s30 =	sld [smem:$0x0];
	_ =	sdelay $0x2  }
0xb8: {  	s31 =	sshll.u32 s1, $0xD;
	s1 =	sshrl.u32 s1, $0x2  }
0xb9: {  	s3 =	sand.u32 $0x4000, s31;
	s1 =	sadd.s32 s1, s30  }
0xba: {  	s0 =	sor.u32 s3, s0;
	s1 =	sshll.u32 s1, $0x11  }
0xbb: {  	s0 =	sor.u32 s1, s0  }
0xbc: {  	s0 =	sadd.s32 $0x8F2B, s0  }
0xbd: {  	[sflag:s0] =	ssyncadd.remote.s32 $0x1  }
0xbe: {  	_ =	sfence.sel $0xFFFF  }
0xbf: {  	[dreg:$0x0] =	wrdreg $0xFFFFFFFF;
	(pc) =	sbr.abs _section_cstart, $3  }
0xc0: {  	[dreg:$0x1] =	wrdreg $0xFFFFFFFF  }
0xc1: {  	_ =	task.clear_ibuf [dreg:s7], $0x2FFFF;
	_ =	strace $0x9FFFFFFF  }
0xc2: {  	(tm) =	ssettm $0x7FFFFFFF  }
0xc3: {  	_ =	shalt  }
tec
execute0_lowered:
.L_overlay_start_1:
0x0: {  	(tag) =	ssettag $0x1  }
0x1: {  	s1 =	srdreg.scid;
	s0 =	stileid.u32  }
0x2: {  	s4 =	sand.u32 $0x1, s1;
	s31 =	sshll.u32 s0, $0x1  }
0x3: {  	s3 =	rddreg [dreg:$0x0];
	s6 =	sor.u32 s4, s31  }
0x4: {  	s5 =	rddreg [dreg:$0x1];
	s2 =	simm.s32 $0x0;
	s7 =	smul.u32 $0x1388, s6  }
0x5: {  	[smem:$0x7FF] =	sst s2;
	s4 =	ssub.s32 $0x2, s4;
	s6 =	smul.u32 $0x4E2, s6  }
0x6: {  	v0 =	vlaneseq.u32;
	s1 =	rddreg [dreg:$0x2];
	_ =	strace $0x80000047;
	s8 =	sshrl.u32 s4, $0x1  }
0x7: {  	v1 =	vmul.u32 $0xFFFFFFFF, v0;
	s8 =	ssub.s32 s4, s8;
	s7 =	sshrl.u32 s7, $0x3;
	s4 =	sadd.s32 s5, s6  }
0x8: {  	s5 =	smax.u32 s8, $0x1;
	s6 =	simm.s32 $0x1;
	s3 =	sadd.s32 s3, s7  }
0x9: {  	v2 =	vimm.f32 $1.000000000e+00;
	v0 =	vimm.f32 $0.0e+00;
	v1 =	vadd.s32 $0x1388, v1;
	s8 =	simm.s32 $0x0;
	s7 =	simm.s32 $0x1388;
	s3 =	sadd.s32 $0x6E20, s3  }
.LBB2_1:
0xa: {  	[tilespmem:s2], [sflag:$0x1] =	stream.linear.gather [hbm4b:s3+s2], $0x1388, $0x38;
	[tilespmem:$0x3AA8] =	vst v63  }
0xb: {  	_ =	swait.ge [sflag:s6], $0x1388  }
0xc: {  	[sflag:s6] =	ssyncset.done $0x0  }
0xd: {  	s9 =	simm.s32 $0x0;
	[sflag:s6] =	ssyncadd.s32 $0xFFFFEC78  }
.LBB2_2:
0xe: {  	p0 =	sne.s32 s9, $0x9C40  }
.Ltmp0:
0xf: {  	_ = 	snop;
	(pc) =	sbr.rel @p0 .LBB2_2-.Ltmp0, $3  }
0x10: {  	_ =	sdelay $0x1  }
0x11: {  	s10 =	sshra.s32 s9, $0x2  }
0x12: {  	s9 =	sadd.s32 $0x40, s9;
	[tilespmem:s10+$0x1388] =	vst v0  }
0x13: {  	s9 =	simm.s32 $0x0  }
0x14: {  	v3 =	vld [tilespmem:s9+$0x0];
	_ =	sdelay $0x2  }
0x15: {  	v4 =	vmov s9  }
0x16: {  	vm0 =	vlt.u32 v4, v1  }
0x17: {  	s10 =	simm.s32 $0x10;
	s9 =	simm.s32 $0x10;
	v3 =	vnsel vm0, $0x2710, v3  }
.LBB2_4:
0x18: {  	v4 =	vld [tilespmem:s10+$0x0];
	p0 =	sne.s32 s9, $0x1380;
	s11 =	smov.u32 s9;
	s9 =	sadd.s32 $0x10, s9  }
.Ltmp1:
0x19: {  	(pc) =	sbr.rel @p0 .LBB2_4-.Ltmp1, $4  }
0x1a: {  	_ = 	snop  }
0x1b: {  	v5 =	vmov s11  }
0x1c: {  	vm0 =	vlt.u32 v5, v1;
	[tilespmem:v3+s7+$0x0] =	vst.idx.add.f32.msk $0xffff, v2  }
0x1d: {  	s10 =	sadd.s32 $0x10, s10;
	v3 =	vnsel vm0, $0x2710, v4  }
0x1e: {  	_ =	sdelay $0x1  }
0x1f: {  	s8 =	sadd.s32 $0x1, s8  }
0x20: {  	p0 =	sne.s32 s8, s5  }
.Ltmp2:
0x21: {  	[tilespmem:v3+s7+$0x0] =	vst.idx.add.f32.msk $0xffff, v2;
	(pc) =	sbr.rel @p0 .LBB2_1-.Ltmp2, $4  }
0x22: {  	[hbm4b:s4+s2] =	stream.linear.scatter [tilespmem:s7], [sflag:$0x1], $0x2710, $0x38;
	[tilespmem:$0x3AA8] =	vst v63  }
0x23: {  	_ =	swait.ge [sflag:s6], $0x2710  }
0x24: {  	[sflag:s6] =	ssyncset.done $0x0  }
0x25: {  	[sflag:s6] =	ssyncadd.s32 $0xFFFFD8F0  }
0x26: {  	_ =	sfence.sel $0x180000  }
0x27: {  	[bflag:$0x0] =	sbarrier.arrive $0xFFFF  }
0x28: {  	p0 =	sne.s32 s0, $0x0;
	_ =	strace $0x90000047  }
0x29: {  	s0 =	sadd.s32 @!p0 $0x100000, s1;
	[bflag:$0x2] =	sbarrier.arrive $0xFFFF  }
0x2a: {  	[sflag:s0] =	ssyncadd.tile.s32 @!p0 $0x1;
	_ =	shalt  }
.Lfunc_end2:
_tile_overlayer_lowered:
.L_overlay_start_2:
0x2b: {  	(tag) =	ssettag $0x2  }
0x2c: {  	s0 =	rddreg [dreg:$0x0];
	s2 =	stileid.u32  }
0x2d: {  	s1 =	rddreg [dreg:$0x1];
	p0 =	sne.s32 s2, $0x0  }
0x2e: {  	s3 =	rddreg [dreg:$0x2];
	[bflag:$0x3] =	sbarrier.arrive $0xFFFF;
	s2 =	simm.s32 @!p0 $0x1C01  }
0x2f: {  	[timem:s3], [sflag:s2] =	dma.local @!p0 [hbm:s0], s1  }
0x30: {  	s0 =	simm.s32 @!p0 $0x1  }
0x31: {  	_ =	swait.ge @!p0 [sflag:s0], s1  }
0x32: {  	s1 =	ssub.s32 @!p0 $0x0, s1;
	[sflag:s0] =	ssyncset.done @!p0 $0x0  }
0x33: {  	[sflag:s0] =	ssyncadd.s32 @!p0 s1  }
0x34: {  	[bflag:$0x3] =	sbarrier.arrive $0xFFFF  }
0x35: {  	_ =	shalt  }

// kernel: kernel.9.cloned.1.call-start
scs
__scs_entry_jumppad:
0x0: {  	(pc) =	sbr.rel $0x88, $3  }
0x1: {  	(tag) =	ssettag $0x0;
	lr =	simm.s32 $0x1  }
0x2: {  	[smem:$0x3F9A] =	sst lr;
	_ =	strace $0xD0000000  }
0x3: {  	_ = 	snop  }
0x4: {  	_ = 	snop  }
0x5: {  	_ = 	snop  }
0x6: {  	_ = 	snop  }
0x7: {  	_ = 	snop  }
__scs_overlays_trampoline_lowered:
0x8: {  	[smem:$0x3FA9] =	sst s0  }
0x9: {  	[smem:$0x3FAA] =	sst s1  }
0xa: {  	[smem:$0x3FAB] =	sst s2  }
0xb: {  	[smem:$0x3FAC] =	sst s3  }
0xc: {  	[smem:$0x3FAD] =	sst s4  }
0xd: {  	[smem:$0x3FAE] =	sst s5  }
0xe: {  	[smem:$0x3FAF] =	sst s6  }
0xf: {  	[smem:$0x3FB0] =	sst s7  }
0x10: {  	[smem:$0x3FB1] =	sst s8  }
0x11: {  	[smem:$0x3FB2] =	sst s9;
	s0 =	simm.s32 @!p0 $0x0  }
0x12: {  	s1 =	sld [smem:$0x3F98];
	s0 =	simm.s32 @p0 $0x1  }
0x13: {  	[smem:$0x3FB3] =	sst s0;
	s0 =	simm.s32 @!p1 $0x0  }
0x14: {  	s2 =	sld [smem:$0x3F97];
	s0 =	simm.s32 @p1 $0x1  }
0x15: {  	[smem:$0x3FB4] =	sst s0;
	s0 =	simm.s32 @!p2 $0x0  }
0x16: {  	s3 =	sld [smem:$0x3FDB];
	s0 =	simm.s32 @p2 $0x1  }
0x17: {  	s4 =	simm.s32 $0x1BF5;
	[smem:$0x3FB6] =	sst s0  }
0x18: {  	s0 =	sld [smem:$0x3F99];
	_ =	swait.ge [sflag:s4], $0x0  }
0x19: {  	s7 =	sld [smem:$0x3F9A]  }
0x1a: {  	s8 =	sadd.s32 $0xFFFFE003, lr  }
0x1b: {  	s9 =	sadd.s32 $0xFFFFFEF7, lr;
	s5 =	simm.s32 $0xFFFFFFFF;
	p2 =	slt.u32 s8, $0xFFFFF086  }
0x1c: {  	p1 =	slt.u32 s9, $0xF7A;
	s5 =	simm.s32 @!p2 $0x0  }
0x1d: {  	s5 =	simm.s32 @p1 $0x1;
	p0 =	seq.s32 s7, s2  }
0x1e: {  	s7 =	smul.u32 @!p0 $0xF7A, s2;
	p2 =	seq.s32 @!p0 s5, $0x0  }
0x1f: {  	s9 =	smul.u32 $0xF7A, s1;
	s8 =	simm.s32 @!p0 $0x1BF5;
	p2 =	por !p2, p0  }
0x20: {  	[sflag:s8] =	ssyncset.s32 @!p0 $0xFFFFF086;
	s6 =	sadd.s32 @!p0 s3, s7;
	s7 =	simm.s32 @!p0 $0x108  }
0x21: {  	s3 =	sadd.s32 s3, s9;
	s6 =	sadd.s32 @!p0 $0x88, s6;
	s7 =	simm.s32 @p2 $0x1082  }
0x22: {  	[simem:s7], [sflag:s8] =	dma.local @!p0 [hbm:s6], $0xF7A  }
0x23: {  	s9 =	sor.u32 $0xD0000000, s2;
	s6 =	simm.s32 $0x108;
	_ =	swait.ge @!p0 [sflag:s8], $0x0  }
0x24: {  	s3 =	sadd.s32 $0x88, s3;
	s6 =	simm.s32 @!p1 $0x1082;
	[sflag:s4] =	ssyncset.s32 $0xFFFFF086  }
0x25: {  	[simem:s6], [sflag:s4] =	dma.local [hbm:s3], $0xF7A  }
0x26: {  	[smem:$0x3F9A] =	sst s1;
	(tag) =	ssettag s2;
	_ =	strace s9  }
0x27: {  	s1 =	sld [smem:$0x3FAA]  }
0x28: {  	s2 =	sld [smem:$0x3FAB]  }
0x29: {  	s4 =	sld [smem:$0x3FAD]  }
0x2a: {  	p0 =	seq.s32 s5, $0x0;
	s5 =	sld [smem:$0x3FAE]  }
0x2b: {  	s6 =	sld [smem:$0x3FAF]  }
0x2c: {  	s7 =	sld [smem:$0x3FB0]  }
0x2d: {  	s3 =	simm.s32 $0x108;
	s8 =	sld [smem:$0x3FB1]  }
0x2e: {  	s3 =	simm.s32 @!p0 $0x1082;
	s9 =	sld [smem:$0x3FB2]  }
0x2f: {  	lr =	sadd.s32 s0, s3;
	s0 =	sld [smem:$0x3FA9]  }
0x30: {  	s3 =	sld [smem:$0x3FAC]  }
0x31: {  	[smem:$0x3FB5] =	sst s10  }
0x32: {  	s10 =	sld [smem:$0x3FB3];
	_ =	sdelay $0x3  }
0x33: {  	p0 =	seq.s32 s10, $0x1;
	s10 =	sld [smem:$0x3FB5];
	_ =	sdelay $0x3  }
0x34: {  	[smem:$0x3FB5] =	sst s10  }
0x35: {  	s10 =	sld [smem:$0x3FB4];
	_ =	sdelay $0x3  }
0x36: {  	p1 =	seq.s32 s10, $0x1;
	s10 =	sld [smem:$0x3FB5];
	_ =	sdelay $0x3  }
0x37: {  	[smem:$0x3FB5] =	sst s10  }
0x38: {  	s10 =	sld [smem:$0x3FB6]  }
0x39: {  	_ = 	snop;
	(pc) =	sbr.ind lr, $3  }
0x3a: {  	_ = 	snop  }
0x3b: {  	_ = 	snop  }
0x3c: {  	p2 =	seq.s32 s10, $0x1;
	s10 =	sld [smem:$0x3FB5]  }
0x3d: {  	_ =	shalt  }
0x3e: {  	_ =	shalt  }
0x3f: {  	_ =	shalt  }
0x40: {  	_ =	shalt  }
0x41: {  	_ =	shalt  }
0x42: {  	_ =	shalt  }
0x43: {  	_ =	shalt  }
0x44: {  	_ =	shalt  }
0x45: {  	_ =	shalt  }
0x46: {  	_ =	shalt  }
0x47: {  	_ =	shalt  }
0x48: {  	_ =	shalt  }
0x49: {  	_ =	shalt  }
0x4a: {  	_ =	shalt  }
0x4b: {  	_ =	shalt  }
0x4c: {  	_ =	shalt  }
0x4d: {  	_ =	shalt  }
0x4e: {  	_ =	shalt  }
0x4f: {  	_ =	shalt  }
0x50: {  	_ =	shalt  }
0x51: {  	_ =	shalt  }
0x52: {  	_ =	shalt  }
0x53: {  	_ =	shalt  }
0x54: {  	_ =	shalt  }
0x55: {  	_ =	shalt  }
0x56: {  	_ =	shalt  }
0x57: {  	_ =	shalt  }
0x58: {  	_ =	shalt  }
0x59: {  	_ =	shalt  }
0x5a: {  	_ =	shalt  }
0x5b: {  	_ =	shalt  }
0x5c: {  	_ =	shalt  }
0x5d: {  	_ =	shalt  }
0x5e: {  	_ =	shalt  }
0x5f: {  	_ =	shalt  }
0x60: {  	_ =	shalt  }
0x61: {  	_ =	shalt  }
0x62: {  	_ =	shalt  }
0x63: {  	_ =	shalt  }
0x64: {  	_ =	shalt  }
0x65: {  	_ =	shalt  }
0x66: {  	_ =	shalt  }
0x67: {  	_ =	shalt  }
0x68: {  	_ =	shalt  }
0x69: {  	_ =	shalt  }
0x6a: {  	_ =	shalt  }
0x6b: {  	_ =	shalt  }
0x6c: {  	_ =	shalt  }
0x6d: {  	_ =	shalt  }
0x6e: {  	_ =	shalt  }
0x6f: {  	_ =	shalt  }
0x70: {  	_ =	shalt  }
0x71: {  	_ =	shalt  }
0x72: {  	_ =	shalt  }
0x73: {  	_ =	shalt  }
0x74: {  	_ =	shalt  }
0x75: {  	_ =	shalt  }
0x76: {  	_ =	shalt  }
0x77: {  	_ =	shalt  }
0x78: {  	_ =	shalt  }
0x79: {  	_ =	shalt  }
0x7a: {  	_ =	shalt  }
0x7b: {  	_ =	shalt  }
0x7c: {  	_ =	shalt  }
0x7d: {  	_ =	shalt  }
0x7e: {  	_ =	shalt  }
0x7f: {  	_ =	shalt  }
0x80: {  	_ =	shalt  }
0x81: {  	_ =	shalt  }
0x82: {  	_ =	shalt  }
0x83: {  	_ =	shalt  }
0x84: {  	_ =	shalt  }
0x85: {  	_ =	shalt  }
0x86: {  	_ =	shalt  }
0x87: {  	_ =	shalt  }
.Lfunc_end0:
.L_simem_size_0:
called_computation.1_lowered:
.L_overlay_start_0:
0x88: {  	s2 =	sld [smem:$0x3FD9]  }
0x89: {  	s3 =	sld [smem:$0x3FFE];
	_ =	sdelay $0x1  }
0x8a: {  	s1 =	srdreg.scid  }
0x8b: {  	s0 =	sand.u32 $0x1, s1  }
0x8c: {  	s17 =	sshll.u32 s0, $0xA;
	s2 =	sadd.s32 s3, s2  }
0x8d: {  	s2 =	sadd.s32 s2, s17  }
0x8e: {  	[smem:$0x3FC1] =	sst s2  }
0x8f: {  	_ = 	snop  }
0x90: {  	s2 =	sld [smem:$0x3FD0];
	(tm) =	ssettm $0x1  }
0x91: {  	s18 =	sld [smem:$0x3FFB];
	_ =	sdelay $0x3  }
0x92: {  	_ =	strace s18  }
0x93: {  	s3 =	sld [smem:$0x3FFC];
	_ =	sdelay $0x3  }
0x94: {  	_ =	strace s3  }
0x95: {  	s3 =	sld [smem:$0x3FFD];
	_ =	sdelay $0x3  }
0x96: {  	_ =	strace s3  }
0x97: {  	_ =	strace $0x8FFFFFFF  }
0x98: {  	s19 =	sld [smem:$0x3FDB];
	_ =	sdelay $0x1  }
0x99: {  	s4 =	simm.s32 $_scs_section_size  }
0x9a: {  	s5 =	simm.s32 $_size__tile_overlayer_lowered;
	s6 =	simm.s32 $_tile_overlayer_lowered  }
0x9b: {  	s22 =	simm.s32 $0x1BFF;
	s21 =	sshll.u32 s6, $0x1;
	s3 =	sadd.s32 s4, s19  }
0x9c: {  	s7 =	simm.s32 $0x0;
	s20 =	sshll.u32 s5, $0x1;
	s5 =	sadd.s32 s21, s3  }
0x9d: {  	[timem:s7], [sflag:s22] =	dma.local [hbm:s5], s20  }
0x9e: {  	_ =	swait.ge [sflag:s22], s20  }
0x9f: {  	s4 =	ssub.s32 $0x0, s20;
	[sflag:s22] =	ssyncset.done $0x0  }
0xa0: {  	[sflag:s22] =	ssyncadd.s32 s4;
	_ =	sdelay $0x1  }
0xa1: {  	s23 =	simm.s32 $0x1B8B  }
0xa2: {  	_ =	swait.ge [sflag:s23], $0x1  }
0xa3: {  	[sflag:s23] =	ssyncset.done $0x0  }
0xa4: {  	s25 =	simm.s32 $0x1B8E;
	s24 =	sld [smem:$0x3FFE];
	[sflag:s23] =	ssyncadd.s32 $0xFFFFFFFF  }
0xa5: {  	s26 =	simm.s32 $execute0_lowered;
	[smem:$0x3FD2] =	sst s25  }
0xa6: {  	s5 =	sshll.u32 s26, $0x1;
	_ =	strace $0x80000049;
	[dreg:$0x1] =	wrdreg $0xFFFFFFFF  }
0xa7: {  	s28 =	simm.s32 $_size_execute0_lowered;
	s3 =	sadd.s32 s3, s5;
	[dreg:$0x0] =	wrdreg $0x0  }
0xa8: {  	s5 =	sshll.u32 s28, $0x1;
	[dreg:$0x2] =	wrdreg s3  }
0xa9: {  	[dreg:$0x3] =	wrdreg s5  }
0xaa: {  	[dreg:$0x4] =	wrdreg $0xC0  }
0xab: {  	_ =	task [dreg:s7], $0x5FFFF  }
0xac: {  	[dreg:$0x1] =	wrdreg $0xFFFFFFFF  }
0xad: {  	[dreg:$0x0] =	wrdreg $0x60  }
0xae: {  	[dreg:$0x2] =	wrdreg s24  }
0xaf: {  	[dreg:$0x3] =	wrdreg s2  }
0xb0: {  	[dreg:$0x4] =	wrdreg $0x0  }
0xb1: {  	[dreg:$0x5] =	wrdreg $0x9C800  }
0xb2: {  	[dreg:$0x6] =	wrdreg $0x9  }
0xb3: {  	_ =	task.clear_ibuf [dreg:s7], $0x7FFFF;
	_ =	strace $0x90000049  }
0xb4: {  	s29 =	simm.s32 $0x9;
	_ =	strace $0x8000004B  }
0xb5: {  	_ =	swait.ge [sflag:s29], $0x1  }
0xb6: {  	[sflag:s29] =	ssyncadd.s32 $0xFFFFFFFF  }
0xb7: {  	_ =	strace $0x9000004B  }
0xb8: {  	_ =	sfence  }
0xb9: {  	s30 =	sld [smem:$0x0];
	_ =	sdelay $0x2  }
0xba: {  	s31 =	sshll.u32 s1, $0xD;
	s1 =	sshrl.u32 s1, $0x2  }
0xbb: {  	s3 =	sand.u32 $0x4000, s31;
	s1 =	sadd.s32 s1, s30  }
0xbc: {  	s0 =	sor.u32 s3, s0;
	s1 =	sshll.u32 s1, $0x11  }
0xbd: {  	s0 =	sor.u32 s1, s0  }
0xbe: {  	s0 =	sadd.s32 $0x8F2B, s0  }
0xbf: {  	[sflag:s0] =	ssyncadd.remote.s32 $0x1  }
0xc0: {  	_ =	sfence.sel $0xFFFF  }
0xc1: {  	[dreg:$0x0] =	wrdreg $0xFFFFFFFF;
	(pc) =	sbr.abs _section_cstart, $3  }
0xc2: {  	[dreg:$0x1] =	wrdreg $0xFFFFFFFF  }
0xc3: {  	_ =	task.clear_ibuf [dreg:s7], $0x2FFFF;
	_ =	strace $0x9FFFFFFF  }
0xc4: {  	(tm) =	ssettm $0x7FFFFFFF  }
0xc5: {  	_ =	shalt  }
tec
execute0_lowered:
.L_overlay_start_1:
0x0: {  	(tag) =	ssettag $0x1  }
0x1: {  	s0 =	rddreg [dreg:$0x0]  }
0x2: {  	s1 =	rddreg [dreg:$0x1]  }
0x3: {  	s2 =	rddreg [dreg:$0x2]  }
0x4: {  	s3 =	rddreg [dreg:$0x3];
	s16 =	stileid.u32  }
0x5: {  	s4 =	srdreg.scid;
	s5 =	simm.s32 $0x0;
	s8 =	smul.u32 $0x139, s16  }
0x6: {  	s4 =	sand.u32 $0x1, s4;
	[smem:$0x7FF] =	sst s5;
	s13 =	smul.u32 $0x9C80, s16  }
0x7: {  	s9 =	sadd.s32 $0x33000, s0;
	s12 =	smul.u32 $0x1388, s4;
	s10 =	ssub.s32 $0x2, s4  }
0x8: {  	_ =	strace $0x8000004A;
	s4 =	smul.u32 $0x9C400, s4;
	s11 =	sshrl.u32 s10, $0x1  }
0x9: {  	s21 =	sadd.s32 $0x1800, s13;
	s25 =	sadd.s32 $0x3000, s13;
	s8 =	sadd.s32 s8, s12  }
0xa: {  	s10 =	ssub.s32 s10, s11;
	s22 =	sadd.s32 s21, s2;
	s26 =	sadd.s32 s25, s2  }
0xb: {  	s29 =	sadd.s32 s13, s4;
	s4 =	sshrl.u32 s4, $0x3;
	[dreg:$0x7] =	wrdreg s22  }
0xc: {  	[dreg:$0xb] =	wrdreg s26;
	s30 =	sshrl.u32 s29, $0x3;
	s10 =	smax.u32 s10, $0x1  }
0xd: {  	s4 =	sadd.s32 $0x12570, s4;
	s15 =	sadd.s32 s9, s30;
	[smem:$0x7F0] =	sst s10  }
0xe: {  	s8 =	sshll.u32 s8, $0x4;
	s9 =	sadd.s32 s9, s4;
	[dreg:$0xd] =	wrdreg s15  }
0xf: {  	s7 =	sadd.s32 $0xBE00, s0;
	s26 =	sadd.s32 s1, s8;
	[dreg:$0xf] =	wrdreg s9  }
0x10: {  	s20 =	sadd.s32 $0x300, s8;
	s29 =	sadd.s32 s7, s8;
	[dreg:$0x1d] =	wrdreg s26  }
0x11: {  	s14 =	sadd.s32 s1, s20;
	[dreg:$0x1e] =	wrdreg s29  }
0x12: {  	s23 =	sadd.s32 $0x600, s8;
	s11 =	sadd.s32 s7, s20;
	[dreg:$0x5] =	wrdreg s14  }
0x13: {  	s18 =	sadd.s32 $0xC00, s8;
	s24 =	sadd.s32 s1, s23;
	[dreg:$0x6] =	wrdreg s11  }
0x14: {  	s19 =	sadd.s32 s1, s18;
	[dreg:$0x9] =	wrdreg s24  }
0x15: {  	s29 =	sadd.s32 $0x9A380, s3;
	[dreg:$0x15] =	wrdreg s19  }
0x16: {  	s26 =	sadd.s32 $0x92B80, s3;
	[smem:$0x7FA] =	sst s29  }
0x17: {  	s11 =	sadd.s32 s21, s3;
	[smem:$0x7FD] =	sst s26  }
0x18: {  	s15 =	sadd.s32 $0x4800, s13;
	s14 =	sadd.s32 s7, s23;
	[dreg:$0x8] =	wrdreg s11  }
0x19: {  	s20 =	sadd.s32 $0x6000, s13;
	s17 =	sadd.s32 s15, s2;
	[dreg:$0xa] =	wrdreg s14  }
0x1a: {  	s22 =	sadd.s32 $0xF00, s8;
	s21 =	sadd.s32 s20, s2;
	[dreg:$0x13] =	wrdreg s17  }
0x1b: {  	s23 =	sadd.s32 s1, s22;
	[dreg:$0x17] =	wrdreg s21  }
0x1c: {  	s19 =	sadd.s32 $0x97380, s2;
	[dreg:$0x19] =	wrdreg s23  }
0x1d: {  	s31 =	sadd.s32 $0x900, s8;
	s11 =	sadd.s32 s25, s3;
	[smem:$0x7F5] =	sst s19  }
0x1e: {  	s24 =	sadd.s32 $0x7800, s13;
	s14 =	sadd.s32 s7, s31;
	[dreg:$0xc] =	wrdreg s11  }
0x1f: {  	s25 =	sadd.s32 s24, s2;
	[dreg:$0x12] =	wrdreg s14  }
0x20: {  	s6 =	sadd.s32 $0x2000, s0;
	s17 =	sadd.s32 $0x95B80, s2;
	[dreg:$0x1b] =	wrdreg s25  }
0x21: {  	s0 =	sadd.s32 $0x5A200, s0;
	s21 =	sadd.s32 $0x98B80, s2;
	[smem:$0x7F3] =	sst s17  }
0x22: {  	s11 =	sadd.s32 s0, s30;
	[smem:$0x7F7] =	sst s21  }
0x23: {  	s0 =	sadd.s32 s0, s4;
	[dreg:$0xe] =	wrdreg s11  }
0x24: {  	s14 =	sadd.s32 $0x94380, s3;
	[dreg:$0x10] =	wrdreg s0  }
0x25: {  	s25 =	sadd.s32 $0x9A380, s2;
	[smem:$0x7F2] =	sst s14  }
0x26: {  	s28 =	simm.s32 $0x19760;
	s11 =	sadd.s32 s1, s31;
	[smem:$0x7F9] =	sst s25  }
0x27: {  	s30 =	sadd.s32 $0x1200, s8;
	s0 =	sadd.s32 s15, s3;
	[dreg:$0x11] =	wrdreg s11  }
0x28: {  	p0 =	seq.s32 s16, $0xF;
	s8 =	sadd.s32 s1, s30;
	[dreg:$0x14] =	wrdreg s0  }
0x29: {  	s31 =	sadd.s32 $0x9000, s13;
	s0 =	sadd.s32 s7, s18;
	[dreg:$0x1f] =	wrdreg s8  }
0x2a: {  	s23 =	sadd.s32 $0x92B80, s2;
	s8 =	sadd.s32 s31, s2;
	[dreg:$0x16] =	wrdreg s0  }
0x2b: {  	s19 =	simm.s32 $0x0;
	s9 =	sadd.s32 s31, s3;
	[smem:$0x7EE] =	sst s8  }
0x2c: {  	s4 =	smul.u32 $0x2710, s16;
	s18 =	sadd.s32 $0x95B80, s3;
	[smem:$0x7EF] =	sst s9  }
0x2d: {  	s16 =	simm.s32 $0x1;
	s31 =	sadd.s32 $0x9BB80, s3;
	[smem:$0x7F4] =	sst s18  }
0x2e: {  	s17 =	simm.s32 $0x30;
	s0 =	sadd.s32 s20, s3;
	[smem:$0x7FC] =	sst s31  }
0x2f: {  	s15 =	sadd.s32 s13, s3;
	s20 =	sadd.s32 $0x97380, s3;
	[dreg:$0x18] =	wrdreg s0  }
0x30: {  	s11 =	sadd.s32 $0x1388, s12;
	s0 =	sadd.s32 s7, s22;
	[smem:$0x7F6] =	sst s20  }
0x31: {  	s22 =	sadd.s32 s13, s2;
	s13 =	sadd.s32 $0x94380, s2;
	[dreg:$0x1a] =	wrdreg s0  }
.Ltmp0:
0x32: {  	s0 =	sadd.s32 s24, s3;
	[smem:$0x7F1] =	sst s13;
	(pc) =	sbr.rel .LBB2_1-.Ltmp0, $4  }
0x33: {  	v0 =	vmov s12;
	s12 =	simm.s32 $0x13900;
	s24 =	sadd.s32 $0x98B80, s3;
	[dreg:$0x1c] =	wrdreg s0  }
0x34: {  	s8 =	simm.s32 $0x5;
	s0 =	sadd.s32 s7, s30;
	[smem:$0x7F8] =	sst s24  }
0x35: {  	s9 =	simm.s32 $0x1AF60;
	s30 =	sadd.s32 $0x9BB80, s2;
	[smem:$0x7ED] =	sst s0  }
0x36: {  	v2 =	vimm.s32 $0x0;
	v3 =	vimm.s32 $0x1388;
	v1 =	vmov s11;
	s18 =	simm.s32 $0x3;
	s13 =	simm.s32 $0x140D0;
	[smem:$0x7FB] =	sst s30  }
.LBB2_10:
0x37: {  	[sflag:s18] =	ssyncadd.s32 $0xFFFFE800;
	s22 =	smov.u32 s15  }
0x38: {  	s15 =	smov.u32 s0;
	s23 =	smov.u32 s26;
	s26 =	sld [smem:$0x7FD]  }
.LBB2_11:
0x39: {  	[bflag:$0x0] =	sbarrier.arrive $0xFFFF  }
0x3a: {  	s10 =	sshrl.u32 @p0 s23, $0x3;
	s11 =	simm.s32 @p0 $0x1FC5;
	s14 =	rddreg [dreg:$0xf]  }
0x3b: {  	[hbm:s14], [sflag:s11] =	dma.local @p0 [spmem:s10], $0x1310  }
0x3c: {  	s10 =	simm.s32 @p0 $0x5  }
0x3d: {  	_ =	swait.ge @p0 [sflag:s10], $0x1310  }
0x3e: {  	s11 =	simm.s32 @p0 $0x1FC4;
	[sflag:s10] =	ssyncset.done @p0 $0x0  }
0x3f: {  	s14 =	rddreg [dreg:$0x10];
	[sflag:s10] =	ssyncadd.s32 @p0 $0xFFFFECF0;
	s10 =	sshrl.u32 @p0 s26, $0x3  }
0x40: {  	[hbm:s14], [sflag:s11] =	dma.local @p0 [spmem:s10], $0x1310  }
0x41: {  	s10 =	simm.s32 @p0 $0x4  }
0x42: {  	s11 =	stileid.u32;
	_ =	swait.ge @p0 [sflag:s10], $0x1310  }
0x43: {  	s11 =	sshll.u32 @!p0 s11, $0x6;
	[sflag:s10] =	ssyncset.done @p0 $0x0;
	s14 =	rddreg [dreg:$0xd]  }
0x44: {  	[sflag:s10] =	ssyncadd.s32 @p0 $0xFFFFECF0;
	s10 =	sor.u32 @!p0 $0x1C05, s11;
	s11 =	sshrl.u32 @!p0 s22, $0x3  }
0x45: {  	[hbm:s14], [sflag:s10] =	dma.local @!p0 [spmem:s11], $0x1390  }
0x46: {  	s11 =	simm.s32 @!p0 $0x5  }
0x47: {  	_ =	swait.ge @!p0 [sflag:s11], $0x1390  }
0x48: {  	[sflag:s11] =	ssyncset.done @!p0 $0x0  }
0x49: {  	s14 =	sshrl.u32 @!p0 s15, $0x3;
	s20 =	rddreg [dreg:$0xe];
	[sflag:s11] =	ssyncadd.s32 @!p0 $0xFFFFEC70  }
0x4a: {  	[hbm:s20], [sflag:s10] =	dma.local @!p0 [spmem:s14], $0x1390  }
0x4b: {  	_ =	swait.ge @!p0 [sflag:s11], $0x1390  }
0x4c: {  	s0 =	sld [smem:$0x7F0];
	_ =	sdelay $0x1  }
0x4d: {  	s19 =	sadd.s32 $0x1, s19  }
0x4e: {  	p1 =	sne.s32 s19, s0  }
.Ltmp1:
0x4f: {  	_ = 	snop;
	(pc) =	sbr.rel @!p1 .LBB2_12-.Ltmp1, $3  }
0x50: {  	_ =	sdelay $0x1  }
0x51: {  	[sflag:s11] =	ssyncset.done @!p0 $0x0  }
0x52: {  	[sflag:s11] =	ssyncadd.s32 @!p0 $0xFFFFEC70  }
.LBB2_1:
0x53: {  	s10 =	rddreg [dreg:$0x1d]  }
0x54: {  	[tilespmem:s28], [sflag:$0x5] =	stream.linear.gather [hbm4b:s10+s5], $0x1800, $0x38;
	[tilespmem:$0x1F760] =	vst v63  }
0x55: {  	_ =	swait.ge [sflag:s8], $0x1800  }
0x56: {  	[sflag:s8] =	ssyncset.done $0x0  }
.Ltmp2:
0x57: {  	s31 =	rddreg [dreg:$0x1e];
	[sflag:s8] =	ssyncadd.s32 $0xFFFFE800;
	(pc) =	sbr.rel @!p0 .LBB2_2-.Ltmp2, $4  }
0x58: {  	[tilespmem:s9], [sflag:$0x5] =	stream.linear.gather [hbm4b:s31+s5], $0x1800, $0x38;
	[tilespmem:$0x1F760] =	vst v63  }
0x59: {  	_ =	swait.ge [sflag:s8], $0x1800  }
0x5a: {  	[sflag:s8] =	ssyncset.done $0x0  }
0x5b: {  	[sflag:s8] =	ssyncadd.s32 $0xFFFFE800  }
0x5c: {  	[spmem:s23] =	stream.linear.scatter [tilespmem:s28], [sflag:$0x5], $0x1800, $0x38;
	[tilespmem:$0x1F760] =	vst v63  }
0x5d: {  	_ =	swait.ge [sflag:s8], $0x1800  }
0x5e: {  	[sflag:s8] =	ssyncset.done $0x0  }
0x5f: {  	[sflag:s8] =	ssyncadd.s32 $0xFFFFE800  }
0x60: {  	[spmem:s26] =	stream.linear.scatter [tilespmem:s9], [sflag:$0x5], $0x1800, $0x38;
	[tilespmem:$0x1F760] =	vst v63  }
0x61: {  	_ =	swait.ge [sflag:s8], $0x1800  }
0x62: {  	[sflag:s8] =	ssyncset.done $0x0  }
0x63: {  	s10 =	rddreg [dreg:$0x5];
	[sflag:s8] =	ssyncadd.s32 $0xFFFFE800  }
0x64: {  	[tilespmem:s28], [sflag:$0x5] =	stream.linear.gather [hbm4b:s10+s5], $0x1800, $0x38;
	[tilespmem:$0x1F760] =	vst v63  }
0x65: {  	_ =	swait.ge [sflag:s8], $0x1800  }
0x66: {  	[sflag:s8] =	ssyncset.done $0x0  }
0x67: {  	s0 =	rddreg [dreg:$0x6];
	[sflag:s8] =	ssyncadd.s32 $0xFFFFE800  }
0x68: {  	[tilespmem:s9], [sflag:$0x5] =	stream.linear.gather [hbm4b:s0+s5], $0x1800, $0x38;
	[tilespmem:$0x1F760] =	vst v63  }
0x69: {  	_ =	swait.ge [sflag:s8], $0x1800  }
0x6a: {  	s0 =	sld [smem:$0x7F1]  }
0x6b: {  	[sflag:s8] =	ssyncset.done $0x0  }
0x6c: {  	[sflag:s8] =	ssyncadd.s32 $0xFFFFE800  }
0x6d: {  	[spmem:s0] =	stream.linear.scatter [tilespmem:s28], [sflag:$0x5], $0x1800, $0x38;
	[tilespmem:$0x1F760] =	vst v63  }
0x6e: {  	_ =	swait.ge [sflag:s8], $0x1800  }
0x6f: {  	s10 =	sld [smem:$0x7F2]  }
0x70: {  	[sflag:s8] =	ssyncset.done $0x0  }
0x71: {  	[sflag:s8] =	ssyncadd.s32 $0xFFFFE800  }
0x72: {  	[spmem:s10] =	stream.linear.scatter [tilespmem:s9], [sflag:$0x5], $0x1800, $0x38;
	[tilespmem:$0x1F760] =	vst v63  }
0x73: {  	_ =	swait.ge [sflag:s8], $0x1800  }
0x74: {  	[sflag:s8] =	ssyncset.done $0x0  }
0x75: {  	s11 =	rddreg [dreg:$0x9];
	[sflag:s8] =	ssyncadd.s32 $0xFFFFE800  }
0x76: {  	[tilespmem:s28], [sflag:$0x5] =	stream.linear.gather [hbm4b:s11+s5], $0x1800, $0x38;
	[tilespmem:$0x1F760] =	vst v63  }
0x77: {  	_ =	swait.ge [sflag:s8], $0x1800  }
0x78: {  	[sflag:s8] =	ssyncset.done $0x0  }
0x79: {  	s14 =	rddreg [dreg:$0xa];
	[sflag:s8] =	ssyncadd.s32 $0xFFFFE800  }
0x7a: {  	[tilespmem:s9], [sflag:$0x5] =	stream.linear.gather [hbm4b:s14+s5], $0x1800, $0x38;
	[tilespmem:$0x1F760] =	vst v63  }
0x7b: {  	_ =	swait.ge [sflag:s8], $0x1800  }
0x7c: {  	s20 =	sld [smem:$0x7F3]  }
0x7d: {  	[sflag:s8] =	ssyncset.done $0x0  }
0x7e: {  	[sflag:s8] =	ssyncadd.s32 $0xFFFFE800  }
0x7f: {  	[spmem:s20] =	stream.linear.scatter [tilespmem:s28], [sflag:$0x5], $0x1800, $0x38;
	[tilespmem:$0x1F760] =	vst v63  }
0x80: {  	_ =	swait.ge [sflag:s8], $0x1800  }
0x81: {  	s21 =	sld [smem:$0x7F4]  }
0x82: {  	[sflag:s8] =	ssyncset.done $0x0  }
0x83: {  	[sflag:s8] =	ssyncadd.s32 $0xFFFFE800  }
0x84: {  	[spmem:s21] =	stream.linear.scatter [tilespmem:s9], [sflag:$0x5], $0x1800, $0x38;
	[tilespmem:$0x1F760] =	vst v63  }
0x85: {  	_ =	swait.ge [sflag:s8], $0x1800  }
0x86: {  	[sflag:s8] =	ssyncset.done $0x0  }
0x87: {  	s24 =	rddreg [dreg:$0x11];
	[sflag:s8] =	ssyncadd.s32 $0xFFFFE800  }
0x88: {  	[tilespmem:s28], [sflag:$0x5] =	stream.linear.gather [hbm4b:s24+s5], $0x1800, $0x38;
	[tilespmem:$0x1F760] =	vst v63  }
0x89: {  	_ =	swait.ge [sflag:s8], $0x1800  }
0x8a: {  	[sflag:s8] =	ssyncset.done $0x0  }
0x8b: {  	s25 =	rddreg [dreg:$0x12];
	[sflag:s8] =	ssyncadd.s32 $0xFFFFE800  }
0x8c: {  	[tilespmem:s9], [sflag:$0x5] =	stream.linear.gather [hbm4b:s25+s5], $0x1800, $0x38;
	[tilespmem:$0x1F760] =	vst v63  }
0x8d: {  	_ =	swait.ge [sflag:s8], $0x1800  }
0x8e: {  	s29 =	sld [smem:$0x7F5]  }
0x8f: {  	[sflag:s8] =	ssyncset.done $0x0  }
0x90: {  	[sflag:s8] =	ssyncadd.s32 $0xFFFFE800  }
0x91: {  	[spmem:s29] =	stream.linear.scatter [tilespmem:s28], [sflag:$0x5], $0x1800, $0x38;
	[tilespmem:$0x1F760] =	vst v63  }
0x92: {  	_ =	swait.ge [sflag:s8], $0x1800  }
0x93: {  	s30 =	sld [smem:$0x7F6]  }
0x94: {  	[sflag:s8] =	ssyncset.done $0x0  }
0x95: {  	[sflag:s8] =	ssyncadd.s32 $0xFFFFE800  }
0x96: {  	[spmem:s30] =	stream.linear.scatter [tilespmem:s9], [sflag:$0x5], $0x1800, $0x38;
	[tilespmem:$0x1F760] =	vst v63  }
0x97: {  	_ =	swait.ge [sflag:s8], $0x1800  }
0x98: {  	[sflag:s8] =	ssyncset.done $0x0  }
0x99: {  	s31 =	rddreg [dreg:$0x15];
	[sflag:s8] =	ssyncadd.s32 $0xFFFFE800  }
0x9a: {  	[tilespmem:s28], [sflag:$0x5] =	stream.linear.gather [hbm4b:s31+s5], $0x1800, $0x38;
	[tilespmem:$0x1F760] =	vst v63  }
0x9b: {  	_ =	swait.ge [sflag:s8], $0x1800  }
0x9c: {  	[sflag:s8] =	ssyncset.done $0x0  }
0x9d: {  	s0 =	rddreg [dreg:$0x16];
	[sflag:s8] =	ssyncadd.s32 $0xFFFFE800  }
0x9e: {  	[tilespmem:s9], [sflag:$0x5] =	stream.linear.gather [hbm4b:s0+s5], $0x1800, $0x38;
	[tilespmem:$0x1F760] =	vst v63  }
0x9f: {  	_ =	swait.ge [sflag:s8], $0x1800  }
0xa0: {  	s10 =	sld [smem:$0x7F7]  }
0xa1: {  	[sflag:s8] =	ssyncset.done $0x0  }
0xa2: {  	[sflag:s8] =	ssyncadd.s32 $0xFFFFE800  }
0xa3: {  	[spmem:s10] =	stream.linear.scatter [tilespmem:s28], [sflag:$0x5], $0x1800, $0x38;
	[tilespmem:$0x1F760] =	vst v63  }
0xa4: {  	_ =	swait.ge [sflag:s8], $0x1800  }
0xa5: {  	s11 =	sld [smem:$0x7F8]  }
0xa6: {  	[sflag:s8] =	ssyncset.done $0x0  }
0xa7: {  	[sflag:s8] =	ssyncadd.s32 $0xFFFFE800  }
0xa8: {  	[spmem:s11] =	stream.linear.scatter [tilespmem:s9], [sflag:$0x5], $0x1800, $0x38;
	[tilespmem:$0x1F760] =	vst v63  }
0xa9: {  	_ =	swait.ge [sflag:s8], $0x1800  }
0xaa: {  	[sflag:s8] =	ssyncset.done $0x0  }
0xab: {  	s14 =	rddreg [dreg:$0x19];
	[sflag:s8] =	ssyncadd.s32 $0xFFFFE800  }
0xac: {  	[tilespmem:s28], [sflag:$0x5] =	stream.linear.gather [hbm4b:s14+s5], $0x1800, $0x38;
	[tilespmem:$0x1F760] =	vst v63  }
0xad: {  	_ =	swait.ge [sflag:s8], $0x1800  }
0xae: {  	[sflag:s8] =	ssyncset.done $0x0  }
0xaf: {  	s20 =	rddreg [dreg:$0x1a];
	[sflag:s8] =	ssyncadd.s32 $0xFFFFE800  }
0xb0: {  	[tilespmem:s9], [sflag:$0x5] =	stream.linear.gather [hbm4b:s20+s5], $0x1800, $0x38;
	[tilespmem:$0x1F760] =	vst v63  }
0xb1: {  	_ =	swait.ge [sflag:s8], $0x1800  }
0xb2: {  	s21 =	sld [smem:$0x7F9]  }
0xb3: {  	[sflag:s8] =	ssyncset.done $0x0  }
0xb4: {  	[sflag:s8] =	ssyncadd.s32 $0xFFFFE800  }
0xb5: {  	[spmem:s21] =	stream.linear.scatter [tilespmem:s28], [sflag:$0x5], $0x1800, $0x38;
	[tilespmem:$0x1F760] =	vst v63  }
0xb6: {  	_ =	swait.ge [sflag:s8], $0x1800  }
0xb7: {  	s24 =	sld [smem:$0x7FA]  }
0xb8: {  	[sflag:s8] =	ssyncset.done $0x0  }
0xb9: {  	[sflag:s8] =	ssyncadd.s32 $0xFFFFE800  }
0xba: {  	[spmem:s24] =	stream.linear.scatter [tilespmem:s9], [sflag:$0x5], $0x1800, $0x38;
	[tilespmem:$0x1F760] =	vst v63  }
0xbb: {  	_ =	swait.ge [sflag:s8], $0x1800  }
0xbc: {  	[sflag:s8] =	ssyncset.done $0x0  }
0xbd: {  	s25 =	rddreg [dreg:$0x1f];
	[sflag:s8] =	ssyncadd.s32 $0xFFFFE800  }
0xbe: {  	[tilespmem:s28], [sflag:$0x5] =	stream.linear.gather [hbm4b:s25+s5], $0x880, $0x38;
	[tilespmem:$0x1F760] =	vst v63  }
0xbf: {  	_ =	swait.ge [sflag:s8], $0x880  }
0xc0: {  	s29 =	sld [smem:$0x7ED]  }
0xc1: {  	[sflag:s8] =	ssyncset.done $0x0  }
0xc2: {  	[sflag:s8] =	ssyncadd.s32 $0xFFFFF780  }
0xc3: {  	[tilespmem:s9], [sflag:$0x5] =	stream.linear.gather [hbm4b:s29+s5], $0x880, $0x38;
	[tilespmem:$0x1F760] =	vst v63  }
0xc4: {  	_ =	swait.ge [sflag:s8], $0x880  }
0xc5: {  	s30 =	sld [smem:$0x7FB]  }
0xc6: {  	[sflag:s8] =	ssyncset.done $0x0  }
0xc7: {  	[sflag:s8] =	ssyncadd.s32 $0xFFFFF780  }
0xc8: {  	[spmem:s30] =	stream.linear.scatter [tilespmem:s28], [sflag:$0x5], $0x880, $0x38;
	[tilespmem:$0x1F760] =	vst v63  }
0xc9: {  	_ =	swait.ge [sflag:s8], $0x880  }
0xca: {  	s31 =	sld [smem:$0x7FC]  }
0xcb: {  	[sflag:s8] =	ssyncset.done $0x0  }
.Ltmp3:
0xcc: {  	[sflag:s8] =	ssyncadd.s32 $0xFFFFF780;
	(pc) =	sbr.rel .LBB2_4-.Ltmp3, $4  }
0xcd: {  	[spmem:s31] =	stream.linear.scatter [tilespmem:s9], [sflag:$0x5], $0x880, $0x38;
	[tilespmem:$0x1F760] =	vst v63  }
0xce: {  	_ =	swait.ge [sflag:s8], $0x880  }
0xcf: {  	[sflag:s8] =	ssyncset.done $0x0  }
0xd0: {  	s20 =	simm.s32 $0x0;
	s21 =	simm.s32 $0x0;
	[sflag:s8] =	ssyncadd.s32 $0xFFFFF780  }
.LBB2_2:
0xd1: {  	[spmem:s22] =	stream.linear.scatter [tilespmem:s28], [sflag:$0x5], $0x1800, $0x38;
	[tilespmem:$0x1F760] =	vst v63  }
0xd2: {  	_ =	swait.ge [sflag:s8], $0x1800  }
0xd3: {  	[sflag:s8] =	ssyncset.done $0x0  }
0xd4: {  	[sflag:s8] =	ssyncadd.s32 $0xFFFFE800  }
0xd5: {  	[spmem:s15] =	stream.linear.scatter [tilespmem:s9], [sflag:$0x5], $0x1800, $0x38;
	[tilespmem:$0x1F760] =	vst v63  }
0xd6: {  	_ =	swait.ge [sflag:s8], $0x1800  }
0xd7: {  	[sflag:s8] =	ssyncset.done $0x0  }
0xd8: {  	s10 =	rddreg [dreg:$0x5];
	[sflag:s8] =	ssyncadd.s32 $0xFFFFE800  }
0xd9: {  	[tilespmem:s28], [sflag:$0x5] =	stream.linear.gather [hbm4b:s10+s5], $0x1800, $0x38;
	[tilespmem:$0x1F760] =	vst v63  }
0xda: {  	_ =	swait.ge [sflag:s8], $0x1800  }
0xdb: {  	[sflag:s8] =	ssyncset.done $0x0  }
0xdc: {  	s30 =	rddreg [dreg:$0x6];
	[sflag:s8] =	ssyncadd.s32 $0xFFFFE800  }
0xdd: {  	[tilespmem:s9], [sflag:$0x5] =	stream.linear.gather [hbm4b:s30+s5], $0x1800, $0x38;
	[tilespmem:$0x1F760] =	vst v63  }
0xde: {  	_ =	swait.ge [sflag:s8], $0x1800  }
0xdf: {  	[sflag:s8] =	ssyncset.done $0x0  }
0xe0: {  	s31 =	rddreg [dreg:$0x7];
	[sflag:s8] =	ssyncadd.s32 $0xFFFFE800  }
0xe1: {  	[spmem:s31] =	stream.linear.scatter [tilespmem:s28], [sflag:$0x5], $0x1800, $0x38;
	[tilespmem:$0x1F760] =	vst v63  }
0xe2: {  	_ =	swait.ge [sflag:s8], $0x1800  }
0xe3: {  	[sflag:s8] =	ssyncset.done $0x0  }
0xe4: {  	s0 =	rddreg [dreg:$0x8];
	[sflag:s8] =	ssyncadd.s32 $0xFFFFE800  }
0xe5: {  	[spmem:s0] =	stream.linear.scatter [tilespmem:s9], [sflag:$0x5], $0x1800, $0x38;
	[tilespmem:$0x1F760] =	vst v63  }
0xe6: {  	_ =	swait.ge [sflag:s8], $0x1800  }
0xe7: {  	[sflag:s8] =	ssyncset.done $0x0  }
0xe8: {  	s11 =	rddreg [dreg:$0x9];
	[sflag:s8] =	ssyncadd.s32 $0xFFFFE800  }
0xe9: {  	[tilespmem:s28], [sflag:$0x5] =	stream.linear.gather [hbm4b:s11+s5], $0x1800, $0x38;
	[tilespmem:$0x1F760] =	vst v63  }
0xea: {  	_ =	swait.ge [sflag:s8], $0x1800  }
0xeb: {  	[sflag:s8] =	ssyncset.done $0x0  }
0xec: {  	s14 =	rddreg [dreg:$0xa];
	[sflag:s8] =	ssyncadd.s32 $0xFFFFE800  }
0xed: {  	[tilespmem:s9], [sflag:$0x5] =	stream.linear.gather [hbm4b:s14+s5], $0x1800, $0x38;
	[tilespmem:$0x1F760] =	vst v63  }
0xee: {  	_ =	swait.ge [sflag:s8], $0x1800  }
0xef: {  	[sflag:s8] =	ssyncset.done $0x0  }
0xf0: {  	s20 =	rddreg [dreg:$0xb];
	[sflag:s8] =	ssyncadd.s32 $0xFFFFE800  }
0xf1: {  	[spmem:s20] =	stream.linear.scatter [tilespmem:s28], [sflag:$0x5], $0x1800, $0x38;
	[tilespmem:$0x1F760] =	vst v63  }
0xf2: {  	_ =	swait.ge [sflag:s8], $0x1800  }
0xf3: {  	[sflag:s8] =	ssyncset.done $0x0  }
0xf4: {  	s21 =	rddreg [dreg:$0xc];
	[sflag:s8] =	ssyncadd.s32 $0xFFFFE800  }
0xf5: {  	[spmem:s21] =	stream.linear.scatter [tilespmem:s9], [sflag:$0x5], $0x1800, $0x38;
	[tilespmem:$0x1F760] =	vst v63  }
0xf6: {  	_ =	swait.ge [sflag:s8], $0x1800  }
0xf7: {  	[sflag:s8] =	ssyncset.done $0x0  }
0xf8: {  	s24 =	rddreg [dreg:$0x11];
	[sflag:s8] =	ssyncadd.s32 $0xFFFFE800  }
0xf9: {  	[tilespmem:s28], [sflag:$0x5] =	stream.linear.gather [hbm4b:s24+s5], $0x1800, $0x38;
	[tilespmem:$0x1F760] =	vst v63  }
0xfa: {  	_ =	swait.ge [sflag:s8], $0x1800  }
0xfb: {  	[sflag:s8] =	ssyncset.done $0x0  }
0xfc: {  	s25 =	rddreg [dreg:$0x12];
	[sflag:s8] =	ssyncadd.s32 $0xFFFFE800  }
0xfd: {  	[tilespmem:s9], [sflag:$0x5] =	stream.linear.gather [hbm4b:s25+s5], $0x1800, $0x38;
	[tilespmem:$0x1F760] =	vst v63  }
0xfe: {  	_ =	swait.ge [sflag:s8], $0x1800  }
0xff: {  	[sflag:s8] =	ssyncset.done $0x0  }
0x100: {  	s29 =	rddreg [dreg:$0x13];
	[sflag:s8] =	ssyncadd.s32 $0xFFFFE800  }
0x101: {  	[spmem:s29] =	stream.linear.scatter [tilespmem:s28], [sflag:$0x5], $0x1800, $0x38;
	[tilespmem:$0x1F760] =	vst v63  }
0x102: {  	_ =	swait.ge [sflag:s8], $0x1800  }
0x103: {  	[sflag:s8] =	ssyncset.done $0x0  }
0x104: {  	s30 =	rddreg [dreg:$0x14];
	[sflag:s8] =	ssyncadd.s32 $0xFFFFE800  }
0x105: {  	[spmem:s30] =	stream.linear.scatter [tilespmem:s9], [sflag:$0x5], $0x1800, $0x38;
	[tilespmem:$0x1F760] =	vst v63  }
0x106: {  	_ =	swait.ge [sflag:s8], $0x1800  }
0x107: {  	[sflag:s8] =	ssyncset.done $0x0  }
0x108: {  	s31 =	rddreg [dreg:$0x15];
	[sflag:s8] =	ssyncadd.s32 $0xFFFFE800  }
0x109: {  	[tilespmem:s28], [sflag:$0x5] =	stream.linear.gather [hbm4b:s31+s5], $0x1800, $0x38;
	[tilespmem:$0x1F760] =	vst v63  }
0x10a: {  	_ =	swait.ge [sflag:s8], $0x1800  }
0x10b: {  	[sflag:s8] =	ssyncset.done $0x0  }
0x10c: {  	s0 =	rddreg [dreg:$0x16];
	[sflag:s8] =	ssyncadd.s32 $0xFFFFE800  }
0x10d: {  	[tilespmem:s9], [sflag:$0x5] =	stream.linear.gather [hbm4b:s0+s5], $0x1800, $0x38;
	[tilespmem:$0x1F760] =	vst v63  }
0x10e: {  	_ =	swait.ge [sflag:s8], $0x1800  }
0x10f: {  	[sflag:s8] =	ssyncset.done $0x0  }
0x110: {  	s11 =	rddreg [dreg:$0x17];
	[sflag:s8] =	ssyncadd.s32 $0xFFFFE800  }
0x111: {  	[spmem:s11] =	stream.linear.scatter [tilespmem:s28], [sflag:$0x5], $0x1800, $0x38;
	[tilespmem:$0x1F760] =	vst v63  }
0x112: {  	_ =	swait.ge [sflag:s8], $0x1800  }
0x113: {  	[sflag:s8] =	ssyncset.done $0x0  }
0x114: {  	s14 =	rddreg [dreg:$0x18];
	[sflag:s8] =	ssyncadd.s32 $0xFFFFE800  }
0x115: {  	[spmem:s14] =	stream.linear.scatter [tilespmem:s9], [sflag:$0x5], $0x1800, $0x38;
	[tilespmem:$0x1F760] =	vst v63  }
0x116: {  	_ =	swait.ge [sflag:s8], $0x1800  }
0x117: {  	[sflag:s8] =	ssyncset.done $0x0  }
0x118: {  	s20 =	rddreg [dreg:$0x19];
	[sflag:s8] =	ssyncadd.s32 $0xFFFFE800  }
0x119: {  	[tilespmem:s28], [sflag:$0x5] =	stream.linear.gather [hbm4b:s20+s5], $0x1800, $0x38;
	[tilespmem:$0x1F760] =	vst v63  }
0x11a: {  	_ =	swait.ge [sflag:s8], $0x1800  }
0x11b: {  	[sflag:s8] =	ssyncset.done $0x0  }
0x11c: {  	s21 =	rddreg [dreg:$0x1a];
	[sflag:s8] =	ssyncadd.s32 $0xFFFFE800  }
0x11d: {  	[tilespmem:s9], [sflag:$0x5] =	stream.linear.gather [hbm4b:s21+s5], $0x1800, $0x38;
	[tilespmem:$0x1F760] =	vst v63  }
0x11e: {  	_ =	swait.ge [sflag:s8], $0x1800  }
0x11f: {  	[sflag:s8] =	ssyncset.done $0x0  }
0x120: {  	s24 =	rddreg [dreg:$0x1b];
	[sflag:s8] =	ssyncadd.s32 $0xFFFFE800  }
0x121: {  	[spmem:s24] =	stream.linear.scatter [tilespmem:s28], [sflag:$0x5], $0x1800, $0x38;
	[tilespmem:$0x1F760] =	vst v63  }
0x122: {  	_ =	swait.ge [sflag:s8], $0x1800  }
0x123: {  	[sflag:s8] =	ssyncset.done $0x0  }
0x124: {  	s25 =	rddreg [dreg:$0x1c];
	[sflag:s8] =	ssyncadd.s32 $0xFFFFE800  }
0x125: {  	[spmem:s25] =	stream.linear.scatter [tilespmem:s9], [sflag:$0x5], $0x1800, $0x38;
	[tilespmem:$0x1F760] =	vst v63  }
0x126: {  	_ =	swait.ge [sflag:s8], $0x1800  }
0x127: {  	[sflag:s8] =	ssyncset.done $0x0  }
0x128: {  	s0 =	rddreg [dreg:$0x1f];
	[sflag:s8] =	ssyncadd.s32 $0xFFFFE800  }
0x129: {  	[tilespmem:s28], [sflag:$0x5] =	stream.linear.gather [hbm4b:s0+s5], $0xC80, $0x38;
	[tilespmem:$0x1F760] =	vst v63  }
0x12a: {  	_ =	swait.ge [sflag:s8], $0xC80  }
0x12b: {  	s29 =	sld [smem:$0x7ED]  }
0x12c: {  	[sflag:s8] =	ssyncset.done $0x0  }
0x12d: {  	[sflag:s8] =	ssyncadd.s32 $0xFFFFF380  }
0x12e: {  	[tilespmem:s9], [sflag:$0x5] =	stream.linear.gather [hbm4b:s29+s5], $0xC80, $0x38;
	[tilespmem:$0x1F760] =	vst v63  }
0x12f: {  	_ =	swait.ge [sflag:s8], $0xC80  }
0x130: {  	s30 =	sld [smem:$0x7EE]  }
0x131: {  	[sflag:s8] =	ssyncset.done $0x0  }
0x132: {  	[sflag:s8] =	ssyncadd.s32 $0xFFFFF380  }
0x133: {  	[spmem:s30] =	stream.linear.scatter [tilespmem:s28], [sflag:$0x5], $0xC80, $0x38;
	[tilespmem:$0x1F760] =	vst v63  }
0x134: {  	_ =	swait.ge [sflag:s8], $0xC80  }
0x135: {  	s31 =	sld [smem:$0x7EF]  }
0x136: {  	[sflag:s8] =	ssyncset.done $0x0  }
0x137: {  	[sflag:s8] =	ssyncadd.s32 $0xFFFFF380  }
0x138: {  	[spmem:s31] =	stream.linear.scatter [tilespmem:s9], [sflag:$0x5], $0xC80, $0x38;
	[tilespmem:$0x1F760] =	vst v63  }
0x139: {  	_ =	swait.ge [sflag:s8], $0xC80  }
0x13a: {  	[sflag:s8] =	ssyncset.done $0x0  }
0x13b: {  	s20 =	simm.s32 $0x0;
	s21 =	simm.s32 $0x0;
	[sflag:s8] =	ssyncadd.s32 $0xFFFFF380  }
.LBB2_4:
0x13c: {  	s10 =	smul.u32 $0x7D0, s20;
	_ =	sdelay $0x1  }
0x13d: {  	s10 =	sadd.s32 s4, s10  }
0x13e: {  	s10 =	sshrl.u32 s10, $0x3  }
0x13f: {  	s24 =	simm.s32 $0x0;
	s10 =	sadd.s32 s6, s10  }
0x140: {  	[tilespmem:s12], [sflag:$0x5] =	stream.linear.gather [hbm4b:s10+s24], $0x7D0, $0x38;
	[tilespmem:$0x1F760] =	vst v63  }
0x141: {  	_ =	swait.ge [sflag:s8], $0x7D0  }
0x142: {  	[sflag:s8] =	ssyncset.done $0x0  }
0x143: {  	s10 =	sadd.s32 $0x4E20, s10;
	[sflag:s8] =	ssyncadd.s32 $0xFFFFF830  }
0x144: {  	[tilespmem:s13], [sflag:$0x5] =	stream.linear.gather [hbm4b:s10+s24], $0x7D0, $0x38;
	[tilespmem:$0x1F760] =	vst v63  }
0x145: {  	_ =	swait.ge [sflag:s8], $0x7D0  }
0x146: {  	[sflag:s8] =	ssyncset.done $0x0  }
0x147: {  	s24 =	simm.s32 $0x0;
	[sflag:s8] =	ssyncadd.s32 $0xFFFFF830  }
0x148: {  	v4 =	vld [tilespmem:s24+$0x140D0];
	_ =	sdelay $0x1  }
0x149: {  	s30 =	simm.s32 $0x10  }
0x14a: {  	s25 =	simm.s32 $0x20;
	v5 =	vld [tilespmem:s30+$0x140D0]  }
0x14b: {  	v6 =	vld [tilespmem:s25+$0x140D0]  }
0x14c: {  	vm0 =	vge.s32 v4, v0;
	vm1 =	vlt.s32 v4, v1  }
0x14d: {  	vm0 =	vmand vm0, vm1  }
0x14e: {  	v7 =	vsel vm0, $0x1, v2  }
0x14f: {  	vm2 =	vlt.s32 v5, v1;
	vm1 =	vge.s32 v5, v0;
	(xrf0) =	vadd.scan.msk.s32 $0xffff, v7  }
0x150: {  	vm3 =	vlt.s32 v6, v1;
	vm1 =	vmand vm1, vm2;
	vm2 =	vge.s32 v6, v0  }
0x151: {  	v7 =	vsel vm1, $0x1, v2;
	vm2 =	vmand vm2, vm3  }
0x152: {  	(xrf0) =	vadd.scan.msk.s32 $0xffff, v7;
	v7 =	vsel vm2, $0x1, v2  }
0x153: {  	(xrf0) =	vadd.scan.msk.s32 $0xffff, v7;
	_ =	sdelay $0x1  }
0x154: {  	v7, _, _ =	vpop (xrf0)  }
0x155: {  	(v2sf) =	vpush v7, $0xF;
	_ =	sdelay $0x1  }
0x156: {  	s29 =	simm.s32 $0x30;
	v12 =	vsub.s32 v4, v0;
	v4 =	vsub.s32 v6, v0;
	v6, _, _ =	vpop (xrf0)  }
0x157: {  	v9 =	vld [tilespmem:s29+$0x140D0];
	(v2sf) =	vpush v6, $0xF;
	v14, _, _ =	vpop (xrf0)  }
0x158: {  	(v2sf) =	vpush v14, $0xF  }
0x159: {  	v11 =	vld [tilespmem:s24+$0x13900];
	_ =	sdelay $0x1  }
0x15a: {  	vm0 =	vmmov vm0  }
0x15b: {  	s31 =	simm.s32 $0x40;
	v8 =	vld [tilespmem:s25+$0x13900];
	vm4 =	vlt.s32 v9, v1;
	vm0 =	vmmov vm0;
	vm3 =	vge.s32 v9, v0  }
0x15c: {  	vm0 =	vmmov vm0;
	vm3 =	vmand vm3, vm4;
	v6 =	vld [tilespmem:s31+$0x140D0]  }
0x15d: {  	v13 =	vsel vm3, $0x1, v2;
	[tilespmem:s21+$0x148A0] =	vst.msk vm0, v11;
	v11 =	vld [tilespmem:s31+$0x13900]  }
0x15e: {  	v10 =	vld [tilespmem:s29+$0x13900];
	v5 =	vsub.s32 v5, v0;
	vm1 =	vmmov vm1;
	(xrf0) =	vadd.scan.msk.s32 $0xffff, v13  }
0x15f: {  	v9 =	vsub.s32 v9, v0;
	vm1 =	vmmov vm1;
	vm15 =	vmmov vm2;
	v7 =	vld [tilespmem:s30+$0x13900]  }
0x160: {  	s10 =	simm.s32 $0x140;
	[tilespmem:s21+$0x17000] =	vst.msk vm0, v12;
	vm2 =	vmmov vm1;
	vm1 =	vmmov vm15;
	vm0 =	vmmov vm3  }
.LBB2_5:
0x161: {  	s24 =	sshra.s32 s10, $0x2;
	p1 =	sne.s32 s10, $0x1F00;
	s10 =	sadd.s32 $0x40, s10;
	vm3 =	vge.s32 v6, v0;
	vm4 =	vlt.s32 v6, v1;
	v12 =	vsub.s32 v6, v0  }
.Ltmp4:
0x162: {  	v6 =	vld [tilespmem:s24+$0x140D0];
	vm3 =	vmand vm3, vm4;
	s25 =	spop (v2sf);
	v13 =	vmov v11;
	(pc) =	sbr.rel @p1 .LBB2_5-.Ltmp4, $4  }
0x163: {  	v11 =	vld [tilespmem:s24+$0x13900];
	v15 =	vsel vm3, $0x1, v2;
	s21 =	sadd.s32 s21, s25  }
0x164: {  	(xrf0) =	vadd.scan.msk.s32 $0xffff, v15;
	v14, _, _ =	vpop (xrf0);
	[tilespmem:s21+$0x148A0] =	vst.msk vm2, v7;
	v7 =	vmov v8;
	v8 =	vmov v10  }
0x165: {  	v10 =	vmovc v13;
	(v2sf) =	vpush v14, $0xF;
	[tilespmem:s21+$0x17000] =	vst.msk vm2, v5;
	v5 =	vmovc v4;
	v4 =	vmov v9;
	v9 =	vmov v12  }
0x166: {  	vm2 =	vmmov vm1;
	vm1 =	vmmov vm0;
	vm0 =	vmmov vm3  }
0x167: {  	vm3 =	vge.s32 v6, v0;
	vm4 =	vlt.s32 v6, v1  }
0x168: {  	vm3 =	vmand vm3, vm4  }
0x169: {  	v12 =	vsel vm3, $0x1, v2  }
0x16a: {  	(xrf0) =	vadd.scan.msk.s32 $0xffff, v12;
	_ =	sdelay $0x3  }
0x16b: {  	v62, _, _ =	vpop (xrf0)  }
0x16c: {  	(v2sf) =	vpush v62, $0xF  }
0x16d: {  	v63, _, _ =	vpop (xrf0)  }
0x16e: {  	(v2sf) =	vpush v63, $0xF;
	_ =	sdelay $0x6  }
0x16f: {  	s10 =	spop (v2sf)  }
0x170: {  	s10 =	sadd.s32 s21, s10  }
0x171: {  	s25 =	spop (v2sf);
	[tilespmem:s10+$0x148A0] =	vst.msk vm2, v7  }
0x172: {  	vm1 =	vmmov vm1;
	s20 =	sadd.s32 $0x1, s20;
	[tilespmem:s10+$0x17000] =	vst.msk vm2, v5;
	s10 =	sadd.s32 s10, s25  }
0x173: {  	vm0 =	vmmov vm0;
	p1 =	seq.s32 s20, $0x5;
	[tilespmem:s10+$0x148A0] =	vst.msk vm1, v8;
	s29 =	spop (v2sf)  }
.Ltmp5:
0x174: {  	vm0 =	vmmov vm0;
	vm13 =	vmmov vm3;
	[tilespmem:s10+$0x17000] =	vst.msk vm1, v4;
	s10 =	sadd.s32 s10, s29;
	(pc) =	sbr.rel @!p1 .LBB2_4-.Ltmp5, $4  }
0x175: {  	vm14 =	vmmov vm13;
	[tilespmem:s10+$0x148A0] =	vst.msk vm0, v10;
	s30 =	spop (v2sf)  }
0x176: {  	vm15 =	vmmov vm14;
	[tilespmem:s10+$0x17000] =	vst.msk vm0, v9;
	s10 =	sadd.s32 s10, s30  }
0x177: {  	v4 =	vsub.s32 v6, v0;
	[tilespmem:s10+$0x148A0] =	vst.msk vm15, v11;
	s31 =	spop (v2sf)  }
0x178: {  	[tilespmem:s10+$0x17000] =	vst.msk vm15, v4;
	s21 =	sadd.s32 s10, s31  }
0x179: {  	s10 =	sadd.s32 $0x2F, s21  }
0x17a: {  	s20 =	smulhi.u32 $0x2AAAAAAB, s10;
	s24 =	sshra.s32 s10, $0x1F  }
0x17b: {  	s24 =	smul.u32 $0x2AAAAAAB, s24;
	_ =	sdelay $0x1  }
0x17c: {  	s20 =	sadd.s32 s24, s20  }
0x17d: {  	s24 =	sshrl.u32 s20, $0x1F;
	s20 =	sshra.s32 s20, $0x3  }
0x17e: {  	s20 =	sadd.s32 s24, s20  }
0x17f: {  	s24 =	smul.u32 $0xFFFFFFD0, s20  }
0x180: {  	s25 =	ssub.s32 $0xFFFFFFD1, s21  }
0x181: {  	[tilespmem:s21+$0x148A0] =	vst v2;
	p1 =	slt.s32 s10, $0x1;
	p2 =	sne.s32 s24, s25  }
0x182: {  	[tilespmem:s21+$0x17000] =	vst v3;
	p1 =	por !p1, !p2  }
0x183: {  	[tilespmem:s21+$0x148B0] =	vst v2;
	s10 =	simm.s32 $0x1;
	p1 =	por !p1, !p1  }
0x184: {  	[tilespmem:s21+$0x17010] =	vst v3;
	s10 =	simm.s32 @!p1 $0x0  }
0x185: {  	[tilespmem:s21+$0x148C0] =	vst v2;
	s20 =	ssub.s32 s20, s10  }
0x186: {  	[tilespmem:s21+$0x17020] =	vst v3;
	p1 =	sgt.s32 s20, $0x0  }
0x187: {  	[bflag:$0x0] =	sbarrier.arrive $0xFFFF;
	s29 =	sadd.s32 $0x1, s20;
	s10 =	simm.s32 @p1 $0x30  }
0x188: {  	s21 =	simm.s32 @p1 $0x148A0;
	s24 =	simm.s32 @p1 $0x19760;
	s30 =	sand.u32 $0x1, s29  }
0x189: {  	[tilespmem:s24], [sflag:$0x1] =	stream.indirect.gather @p1 [hbm4b:s1+s10], $0x80, s21, s10, $0xb8;
	[tilespmem:$0x1F760] =	vst v63  }
0x18a: {  	p5 =	slt.s32 s20, $0x0;
	s24 =	simm.s32 @p1 $0x1AF60;
	p6 =	seq.s32 s30, $0x1  }
0x18b: {  	[tilespmem:s24], [sflag:$0x1] =	stream.indirect.gather @p1 [hbm4b:s7+s10], $0x80, s21, s10, $0xb8;
	[tilespmem:$0x1F760] =	vst v63  }
0x18c: {  	s31 =	sshrl.u32 s29, $0x1F;
	p1 =	por !p5, !p6  }
0x18d: {  	s10 =	sadd.s32 s31, s29;
	s21 =	simm.s32 $0x1;
	p1 =	por !p1, !p1  }
0x18e: {  	s10 =	sshra.s32 s10, $0x1;
	s21 =	simm.s32 @!p1 $0x0  }
0x18f: {  	s10 =	ssub.s32 s10, s21  }
0x190: {  	p1 =	slt.s32 s10, $0x1  }
.Ltmp6:
0x191: {  	_ = 	snop;
	(pc) =	sbr.rel @p1 .LBB2_11-.Ltmp6, $1  }
0x192: {  	_ =	sdelay $0x3  }
0x193: {  	_ =	swait.ge [sflag:s16], $0x1800  }
0x194: {  	[sflag:s16] =	ssyncset.done $0x0  }
0x195: {  	[sflag:s16] =	ssyncadd.s32 $0xFFFFE800  }
0x196: {  	p1 =	sle.s32 s20, $0x1;
	_ =	swait.ge [sflag:s16], $0x1800  }
0x197: {  	s24 =	simm.s32 @!p1 $0x1C760;
	[sflag:s16] =	ssyncset.done $0x0  }
0x198: {  	s21 =	simm.s32 @!p1 $0x148D0;
	s25 =	simm.s32 @!p1 $0x30;
	[sflag:s16] =	ssyncadd.s32 $0xFFFFE800  }
0x199: {  	[tilespmem:s24], [sflag:$0x2] =	stream.indirect.gather @!p1 [hbm4b:s1+s25], $0x80, s21, s25, $0xb8;
	[tilespmem:$0x1F760] =	vst v63  }
0x19a: {  	s29 =	simm.s32 @!p1 $0x1DF60  }
0x19b: {  	[tilespmem:s29], [sflag:$0x2] =	stream.indirect.gather @!p1 [hbm4b:s7+s25], $0x80, s21, s25, $0xb8;
	[tilespmem:$0x1F760] =	vst v63  }
0x19c: {  	s30 =	simm.s32 @!p1 $0x19760;
	s21 =	simm.s32 @!p1 $0x17000  }
0x19d: {  	[spmem:s2] =	stream.indirect.scatter.add.f32 @!p1 [tilespmem:s30], [sflag:$0x3], $0x80, s21, s25, $0xb8;
	[tilespmem:$0x1F760] =	vst v63  }
0x19e: {  	s11 =	simm.s32 @!p1 $0x3;
	s30 =	simm.s32 @!p1 $0x1AF60  }
0x19f: {  	[spmem:s3] =	stream.indirect.scatter.add.f32 @!p1 [tilespmem:s30], [sflag:$0x3], $0x80, s21, s25, $0xb8;
	[tilespmem:$0x1F760] =	vst v63  }
0x1a0: {  	_ =	swait.ge @!p1 [sflag:s11], $0x1800  }
0x1a1: {  	[sflag:s11] =	ssyncset.done @!p1 $0x0  }
0x1a2: {  	[sflag:s11] =	ssyncadd.s32 @!p1 $0xFFFFE800  }
0x1a3: {  	_ =	swait.ge @!p1 [sflag:s11], $0x1800  }
0x1a4: {  	[sflag:s11] =	ssyncset.done @!p1 $0x0  }
0x1a5: {  	[sflag:s11] =	ssyncadd.s32 @!p1 $0xFFFFE800;
	s11 =	simm.s32 @!p1 $0x2  }
0x1a6: {  	s0 =	smov.u32 s15;
	s15 =	smov.u32 s22;
	_ =	swait.ge @!p1 [sflag:s11], $0x1800  }
0x1a7: {  	p2 =	sle.s32 @!p1 s20, $0x2;
	s21 =	simm.s32 $0x0;
	[sflag:s11] =	ssyncset.done @!p1 $0x0  }
0x1a8: {  	p3 =	por !p2, p1;
	s30 =	smul.u32 @p1 $0x180, s21;
	[sflag:s11] =	ssyncadd.s32 @!p1 $0xFFFFE800  }
0x1a9: {  	p2 =	por p2, p1;
	s25 =	simm.s32 $0xC0;
	_ =	swait.ge @!p1 [sflag:s11], $0x1800  }
0x1aa: {  	s22 =	simm.s32 @!p2 $0x30;
	s25 =	smov.u32 @p1 s30;
	[sflag:s11] =	ssyncset.done @!p1 $0x0  }
0x1ab: {  	s30 =	simm.s32 @!p2 $0x19760;
	[sflag:s11] =	ssyncadd.s32 @!p1 $0xFFFFE800;
	s11 =	simm.s32 @!p2 $0x14900  }
0x1ac: {  	[tilespmem:s30], [sflag:$0x1] =	stream.indirect.gather @!p2 [hbm4b:s1+s22], $0x80, s11, s22, $0xb8;
	[tilespmem:$0x1F760] =	vst v63  }
0x1ad: {  	s24 =	simm.s32 @p3 $0x1C760;
	s25 =	sshra.s32 s25, $0x2;
	s30 =	simm.s32 @!p2 $0x1AF60  }
0x1ae: {  	[tilespmem:s30], [sflag:$0x1] =	stream.indirect.gather @!p2 [hbm4b:s7+s22], $0x80, s11, s22, $0xb8;
	[tilespmem:$0x1F760] =	vst v63  }
0x1af: {  	s24 =	simm.s32 @p1 $0x19760;
	s31 =	sadd.s32 $0x17000, s25  }
0x1b0: {  	[spmem:s2] =	stream.indirect.scatter.add.f32 [tilespmem:s24], [sflag:$0x3], $0x80, s31, s17, $0xb8;
	[tilespmem:$0x1F760] =	vst v63  }
0x1b1: {  	s29 =	simm.s32 @p3 $0x1DF60;
	s24 =	sadd.s32 $0xFFFFFFFF, s10  }
0x1b2: {  	s29 =	simm.s32 @p1 $0x1AF60;
	p1 =	sne.s32 s24, $0x0  }
0x1b3: {  	[spmem:s3] =	stream.indirect.scatter.add.f32 [tilespmem:s29], [sflag:$0x3], $0x80, s31, s17, $0xb8;
	[tilespmem:$0x1F760] =	vst v63  }
.Ltmp7:
0x1b4: {  	_ =	swait.ge [sflag:s18], $0x1800;
	(pc) =	sbr.rel @!p1 .LBB2_10-.Ltmp7, $4  }
0x1b5: {  	[sflag:s18] =	ssyncset.done $0x0  }
0x1b6: {  	[sflag:s18] =	ssyncadd.s32 $0xFFFFE800  }
0x1b7: {  	s26 =	smov.u32 s23;
	_ =	swait.ge [sflag:s18], $0x1800  }
0x1b8: {  	s25 =	simm.s32 $0x240;
	s29 =	simm.s32 $0x3;
	[sflag:s18] =	ssyncset.done $0x0  }
.LBB2_9:
0x1b9: {  	s24 =	sadd.s32 $0xFFFFFFFF, s24;
	[sflag:s18] =	ssyncadd.s32 $0xFFFFE800;
	s21 =	sadd.s32 $0x1, s21  }
0x1ba: {  	_ =	swait.ge [sflag:s16], $0x1800;
	p1 =	sne.s32 s24, $0x0  }
0x1bb: {  	[sflag:s16] =	ssyncset.done $0x0  }
0x1bc: {  	p2 =	sge.s32 s29, s20;
	[sflag:s16] =	ssyncadd.s32 $0xFFFFE800  }
0x1bd: {  	s11 =	sshra.s32 @!p2 s25, $0x2;
	_ =	swait.ge [sflag:s16], $0x1800  }
0x1be: {  	s30 =	simm.s32 @!p2 $0x1C760;
	s23 =	simm.s32 @!p2 $0x30;
	[sflag:s16] =	ssyncset.done $0x0  }
0x1bf: {  	s14 =	sadd.s32 @!p2 $0x1, s29;
	s22 =	sadd.s32 @!p2 $0x148A0, s11;
	[sflag:s16] =	ssyncadd.s32 $0xFFFFE800  }
0x1c0: {  	[tilespmem:s30], [sflag:$0x2] =	stream.indirect.gather @!p2 [hbm4b:s1+s23], $0x80, s22, s23, $0xb8;
	[tilespmem:$0x1F760] =	vst v63  }
0x1c1: {  	s31 =	smul.u32 @p2 $0x180, s21;
	s10 =	simm.s32 @!p2 $0x1DF60;
	p3 =	sge.s32 @!p2 s14, s20  }
0x1c2: {  	[tilespmem:s10], [sflag:$0x2] =	stream.indirect.gather @!p2 [hbm4b:s7+s23], $0x80, s22, s23, $0xb8;
	[tilespmem:$0x1F760] =	vst v63  }
0x1c3: {  	s11 =	sadd.s32 @!p2 $0x16FD0, s11;
	p4 =	por !p3, p2;
	s22 =	simm.s32 @!p2 $0x19760  }
0x1c4: {  	[spmem:s2] =	stream.indirect.scatter.add.f32 @!p2 [tilespmem:s22], [sflag:$0x3], $0x80, s11, s23, $0xb8;
	[tilespmem:$0x1F760] =	vst v63  }
0x1c5: {  	s14 =	simm.s32 @!p2 $0x1AF60;
	s30 =	simm.s32 @p4 $0x1C760;
	s22 =	simm.s32 @!p2 $0x3  }
0x1c6: {  	[spmem:s3] =	stream.indirect.scatter.add.f32 @!p2 [tilespmem:s14], [sflag:$0x3], $0x80, s11, s23, $0xb8;
	[tilespmem:$0x1F760] =	vst v63  }
0x1c7: {  	s30 =	simm.s32 @p2 $0x19760;
	s10 =	simm.s32 @p4 $0x1DF60;
	_ =	swait.ge @!p2 [sflag:s22], $0x1800  }
0x1c8: {  	s10 =	simm.s32 @p2 $0x1AF60;
	s11 =	smov.u32 s25;
	[sflag:s22] =	ssyncset.done @!p2 $0x0  }
0x1c9: {  	s11 =	smov.u32 @p2 s31;
	[sflag:s22] =	ssyncadd.s32 @!p2 $0xFFFFE800  }
0x1ca: {  	s11 =	sshra.s32 s11, $0x2;
	_ =	swait.ge @!p2 [sflag:s22], $0x1800  }
0x1cb: {  	[sflag:s22] =	ssyncset.done @!p2 $0x0  }
0x1cc: {  	s14 =	simm.s32 @!p2 $0x2;
	[sflag:s22] =	ssyncadd.s32 @!p2 $0xFFFFE800  }
0x1cd: {  	_ =	swait.ge @!p2 [sflag:s14], $0x1800  }
0x1ce: {  	[sflag:s14] =	ssyncset.done @!p2 $0x0  }
0x1cf: {  	[sflag:s14] =	ssyncadd.s32 @!p2 $0xFFFFE800  }
0x1d0: {  	p3 =	por p3, p2;
	_ =	swait.ge @!p2 [sflag:s14], $0x1800  }
0x1d1: {  	s23 =	simm.s32 @!p3 $0x19760;
	s22 =	sshra.s32 @!p3 s25, $0x2;
	[sflag:s14] =	ssyncset.done @!p2 $0x0  }
0x1d2: {  	[sflag:s14] =	ssyncadd.s32 @!p2 $0xFFFFE800;
	s14 =	sadd.s32 @!p3 $0x148D0, s22;
	s22 =	simm.s32 @!p3 $0x30  }
0x1d3: {  	[tilespmem:s23], [sflag:$0x1] =	stream.indirect.gather @!p3 [hbm4b:s1+s22], $0x80, s14, s22, $0xb8;
	[tilespmem:$0x1F760] =	vst v63  }
0x1d4: {  	s23 =	simm.s32 @!p3 $0x1AF60  }
0x1d5: {  	[tilespmem:s23], [sflag:$0x1] =	stream.indirect.gather @!p3 [hbm4b:s7+s22], $0x80, s14, s22, $0xb8;
	[tilespmem:$0x1F760] =	vst v63  }
0x1d6: {  	s11 =	sadd.s32 $0x17000, s11  }
0x1d7: {  	[spmem:s2] =	stream.indirect.scatter.add.f32 [tilespmem:s30], [sflag:$0x3], $0x80, s11, s17, $0xb8;
	[tilespmem:$0x1F760] =	vst v63  }
0x1d8: {  	_ = 	snop  }
0x1d9: {  	[spmem:s3] =	stream.indirect.scatter.add.f32 [tilespmem:s10], [sflag:$0x3], $0x80, s11, s17, $0xb8;
	[tilespmem:$0x1F760] =	vst v63  }
.Ltmp8:
0x1da: {  	_ =	swait.ge [sflag:s18], $0x1800;
	(pc) =	sbr.rel @p1 .LBB2_9-.Ltmp8, $4  }
0x1db: {  	[sflag:s18] =	ssyncset.done $0x0  }
0x1dc: {  	[sflag:s18] =	ssyncadd.s32 $0xFFFFE800  }
0x1dd: {  	_ =	swait.ge [sflag:s18], $0x1800  }
0x1de: {  	s29 =	sadd.s32 $0x2, s29;
	s25 =	sadd.s32 $0x180, s25;
	[sflag:s18] =	ssyncset.done $0x0  }
.Ltmp9:
0x1df: {  	_ = 	snop;
	(pc) =	sbr.rel .LBB2_10-.Ltmp9, $1  }
0x1e0: {  	_ =	sdelay $0x3  }
.LBB2_12:
0x1e1: {  	_ =	sfence.sel $0x180000  }
0x1e2: {  	[bflag:$0x0] =	sbarrier.arrive $0xFFFF  }
0x1e3: {  	_ =	strace $0x9000004A  }
0x1e4: {  	s0 =	stileid.u32;
	[bflag:$0x2] =	sbarrier.arrive $0xFFFF  }
0x1e5: {  	p0 =	sne.s32 s0, $0x0;
	s0 =	rddreg [dreg:$0x4]  }
0x1e6: {  	s0 =	sadd.s32 @!p0 $0x100000, s0  }
0x1e7: {  	[sflag:s0] =	ssyncadd.tile.s32 @!p0 $0x1;
	_ =	shalt  }
.Lfunc_end2:
_tile_overlayer_lowered:
.L_overlay_start_2:
0x1e8: {  	(tag) =	ssettag $0x2  }
0x1e9: {  	s0 =	rddreg [dreg:$0x0];
	s2 =	stileid.u32  }
0x1ea: {  	s1 =	rddreg [dreg:$0x1];
	p0 =	sne.s32 s2, $0x0  }
0x1eb: {  	s3 =	rddreg [dreg:$0x2];
	[bflag:$0x3] =	sbarrier.arrive $0xFFFF;
	s2 =	simm.s32 @!p0 $0x1C04  }
0x1ec: {  	[timem:s3], [sflag:s2] =	dma.local @!p0 [hbm:s0], s1  }
0x1ed: {  	s0 =	simm.s32 @!p0 $0x4  }
0x1ee: {  	_ =	swait.ge @!p0 [sflag:s0], s1  }
0x1ef: {  	s1 =	ssub.s32 @!p0 $0x0, s1;
	[sflag:s0] =	ssyncset.done @!p0 $0x0  }
0x1f0: {  	[sflag:s0] =	ssyncadd.s32 @!p0 s1  }
0x1f1: {  	[bflag:$0x3] =	sbarrier.arrive $0xFFFF  }
0x1f2: {  	_ =	shalt  }

</sc_bundles>
